<compile_context>
chip_gen: v7x
topology: tpu7x:2x2x1
jax: 0.10.2.dev20260603
libtpu: 0.0.44.dev20260713+nightly
codegen_flags: <defaults>
</compile_context>

<pallas_src>
import functools

import jax
import jax.numpy as jnp
from jax import lax
from jax.experimental import pallas as pl
from jax.experimental.pallas import tpu as pltpu
from jax.experimental.pallas import tpu_sc as plsc

NC = 2
NS = 16
NW = NC * NS
CH = 128
BM = 2048


def _sc_aggregate(with_deg: bool, n_acc: int, k_chunks: int):
    n_out = 2 + (2 if with_deg else 0)
    out_type = tuple(
        jax.ShapeDtypeStruct((n_acc, 16), jnp.float32) for _ in range(n_out))
    NB = 8
    LA = 4
    scratch = [
        pltpu.VMEM((k_chunks, CH), jnp.int32),
        pltpu.VMEM((k_chunks, CH), jnp.int32),
        pltpu.VMEM((NB, CH, 16), jnp.float32),
        pltpu.VMEM((CH, 16), jnp.float32),
        pltpu.VMEM_SHARED((n_acc, 16), jnp.float32),
        pltpu.SemaphoreType.DMA((NB,)),
        pltpu.SemaphoreType.DMA((NB,)),
    ]
    if with_deg:
        scratch.insert(5, pltpu.VMEM_SHARED((n_acc, 16), jnp.float32))

    mesh = plsc.VectorSubcoreMesh(core_axis_name="c", subcore_axis_name="s")

    def body(p_hbm, src_hbm, dst_hbm, zeros_hbm, ones_hbm, *rest):
        if with_deg:
            (agg_a, agg_b, deg_a, deg_b,
             idx_s, idx_d, rows, ones_v, agg_sh, deg_sh,
             gsem, ssem) = rest
        else:
            (agg_a, agg_b,
             idx_s, idx_d, rows, ones_v, agg_sh,
             gsem, ssem) = rest
        c = lax.axis_index("c")
        s = lax.axis_index("s")
        wid = s * NC + c

        rps = n_acc // NS
        zb = s * rps
        pltpu.sync_copy(zeros_hbm.at[pl.ds(zb, rps)],
                        agg_sh.at[pl.ds(zb, rps)])
        if with_deg:
            pltpu.sync_copy(zeros_hbm.at[pl.ds(zb, rps)],
                            deg_sh.at[pl.ds(zb, rps)])
            pltpu.sync_copy(ones_hbm, ones_v)
        pltpu.sync_copy(src_hbm.at[pl.ds(wid * k_chunks, k_chunks)], idx_s)
        pltpu.sync_copy(dst_hbm.at[pl.ds(wid * k_chunks, k_chunks)], idx_d)
        plsc.subcore_barrier()

        for j0 in range(LA):
            pltpu.async_copy(p_hbm.at[idx_s.at[j0]], rows.at[j0],
                             gsem.at[j0])

        def chunk_body(j, carry):
            del carry
            jb = j % NB
            for b in range(NB):
                @pl.when(jb == b)
                def _():
                    bp = (b + LA) % NB
                    @pl.when(j + LA < k_chunks)
                    def _():
                        @pl.when(j >= NB - LA)
                        def _():
                            pltpu.make_async_copy(
                                rows.at[bp], agg_sh.at[idx_d.at[0]],
                                ssem.at[bp]).wait()
                        pltpu.async_copy(p_hbm.at[idx_s.at[j + LA]],
                                         rows.at[bp], gsem.at[bp])
                    pltpu.make_async_copy(p_hbm.at[idx_s.at[j]],
                                          rows.at[b], gsem.at[b]).wait()
                    pltpu.async_copy(rows.at[b], agg_sh.at[idx_d.at[j]],
                                     ssem.at[b], add=True)
                    if with_deg:
                        pltpu.sync_copy(ones_v, deg_sh.at[idx_d.at[j]],
                                        add=True)
            return 0

        lax.fori_loop(0, k_chunks, chunk_body, 0)
        for jj in range(max(0, k_chunks - NB), k_chunks):
            b = jj % NB
            pltpu.make_async_copy(rows.at[b], agg_sh.at[idx_d.at[0]],
                                  ssem.at[b]).wait()
        plsc.subcore_barrier()

        ob = s * rps
        sl = pl.ds(ob, rps)
        @pl.when(c == 0)
        def _():
            pltpu.sync_copy(agg_sh.at[sl], agg_a.at[sl])
            if with_deg:
                pltpu.sync_copy(deg_sh.at[sl], deg_a.at[sl])
        @pl.when(c == 1)
        def _():
            pltpu.sync_copy(agg_sh.at[sl], agg_b.at[sl])
            if with_deg:
                pltpu.sync_copy(deg_sh.at[sl], deg_b.at[sl])

    return pl.kernel(body, out_type=out_type, mesh=mesh,
                     scratch_types=scratch,
                     compiler_params=pltpu.CompilerParams(
                         use_tc_tiling_on_sc=False))


def _tc1(x, w_self, w_neigh, b, n_blocks):
    grid = (n_blocks,)
    n, d = x.shape

    def body(x_ref, ws_ref, wn_ref, b_ref, s_ref, p_ref):
        xb = x_ref[...]
        s_ref[...] = jnp.dot(xb, ws_ref[...],
                             preferred_element_type=jnp.float32) + b_ref[...]
        p_ref[...] = jnp.dot(xb, wn_ref[...],
                             preferred_element_type=jnp.float32)

    return pl.pallas_call(
        body,
        grid=grid,
        in_specs=[
            pl.BlockSpec((BM, d), lambda i: (i, 0)),
            pl.BlockSpec((d, 16), lambda i: (0, 0)),
            pl.BlockSpec((d, 16), lambda i: (0, 0)),
            pl.BlockSpec((1, 16), lambda i: (0, 0)),
        ],
        out_specs=[
            pl.BlockSpec((BM, 16), lambda i: (i, 0)),
            pl.BlockSpec((BM, 16), lambda i: (i, 0)),
        ],
        out_shape=[
            jax.ShapeDtypeStruct((n, 16), jnp.float32),
            jax.ShapeDtypeStruct((n, 16), jnp.float32),
        ],
    )(x, w_self, w_neigh, b)


def _tc2(s1, agg_a, agg_b, deg_a, deg_b, w_self2, w_neigh2, b2, n_blocks):
    grid = (n_blocks,)
    n = s1.shape[0]
    blk = pl.BlockSpec((BM, 16), lambda i: (i, 0))
    full = pl.BlockSpec((16, 16), lambda i: (0, 0))

    def body(s1_ref, aa_ref, ab_ref, da_ref, db_ref, ws_ref, wn_ref, b_ref,
             s2_ref, p2_ref, rd_ref):
        deg = da_ref[...] + db_ref[...]
        rdeg = 1.0 / jnp.maximum(deg, 1.0)
        h = jnp.maximum(s1_ref[...] + (aa_ref[...] + ab_ref[...]) * rdeg, 0.0)
        s2_ref[...] = jnp.dot(h, ws_ref[...],
                              preferred_element_type=jnp.float32) + b_ref[...]
        p2_ref[...] = jnp.dot(h, wn_ref[...],
                              preferred_element_type=jnp.float32)
        rd_ref[...] = rdeg

    return pl.pallas_call(
        body,
        grid=grid,
        in_specs=[blk, blk, blk, blk, blk, full, full,
                  pl.BlockSpec((1, 16), lambda i: (0, 0))],
        out_specs=[blk, blk, blk],
        out_shape=[
            jax.ShapeDtypeStruct((n, 16), jnp.float32),
            jax.ShapeDtypeStruct((n, 16), jnp.float32),
            jax.ShapeDtypeStruct((n, 16), jnp.float32),
        ],
    )(s1, agg_a, agg_b, deg_a, deg_b, w_self2, w_neigh2, b2)


def _tc3(s2, agg_a, agg_b, rdeg, n_blocks):
    grid = (n_blocks,)
    n = s2.shape[0]
    blk = pl.BlockSpec((BM, 16), lambda i: (i, 0))

    def body(s2_ref, aa_ref, ab_ref, rd_ref, o_ref):
        o_ref[...] = s2_ref[...] + (aa_ref[...] + ab_ref[...]) * rd_ref[...]

    return pl.pallas_call(
        body,
        grid=grid,
        in_specs=[blk, blk, blk, blk],
        out_specs=blk,
        out_shape=jax.ShapeDtypeStruct((n, 16), jnp.float32),
    )(s2, agg_a, agg_b, rdeg)


def kernel(x, edge_index, W_self1, W_neigh1, b1, W_self2, W_neigh2, b2):
    n, d = x.shape
    e = edge_index.shape[1]

    n_acc = ((n + 16 + 127) // 128) * 128
    assert n_acc % (8 * NS) == 0
    n_blocks = -(-n // BM)

    k_chunks = -(-e // (NW * CH))
    k_chunks = ((k_chunks + 7) // 8) * 8
    ept = k_chunks * CH
    e_pad = ept * NW
    pad_dst = n + jnp.arange(e_pad - e, dtype=jnp.int32) % (n_acc - n)
    src = jnp.concatenate(
        [edge_index[0], jnp.zeros((e_pad - e,), jnp.int32)])
    dst = jnp.concatenate([edge_index[1], pad_dst])
    src2d = src.reshape(NW * k_chunks, CH)
    dst2d = dst.reshape(NW * k_chunks, CH)

    zeros = jnp.zeros((n_acc, 16), jnp.float32)
    ones = jnp.ones((CH, 16), jnp.float32)

    b1r = b1.reshape(1, 16)
    b2r = b2.reshape(1, 16)

    s1, p1 = _tc1(x, W_self1, W_neigh1, b1r, n_blocks)
    sc1 = _sc_aggregate(True, n_acc, k_chunks)
    agg1a, agg1b, deg_a, deg_b = sc1(p1, src2d, dst2d, zeros, ones)
    s2, p2, rdeg = _tc2(s1, agg1a, agg1b, deg_a, deg_b,
                        W_self2, W_neigh2, b2r, n_blocks)

    sc2 = _sc_aggregate(False, n_acc, k_chunks)
    agg2a, agg2b = sc2(p2, src2d, dst2d, zeros, ones)
    return _tc3(s2, agg2a, agg2b, rdeg, n_blocks)

# --- scband reference (transcript-rebuilt; emitter-appended) ---
"""Pipeline reference for scband-graph-sage-20976620274055 (READ-ONLY COPY).

The authoritative reference and input builder live on the scoring server;
editing this copy changes nothing except your own understanding.
"""

import jax, jax.numpy as jnp
import numpy as np

N = 10000
E = 320000
D = 128
H = 16


def setup_inputs(seed: int = 0) -> dict:
    key = jax.random.key(seed)
    ks = jax.random.split(key, 8)
    x = jax.random.normal(ks[0], (N, D), dtype=jnp.float32)
    edge_index = jax.random.randint(ks[1], (2, E), 0, N, dtype=jnp.int32)
    W_self1 = jax.random.normal(ks[2], (D, H), dtype=jnp.float32) * (1.0 / np.sqrt(D))
    W_neigh1 = jax.random.normal(ks[3], (D, H), dtype=jnp.float32) * (1.0 / np.sqrt(D))
    b1 = jnp.zeros((H,), dtype=jnp.float32)
    W_self2 = jax.random.normal(ks[4], (H, H), dtype=jnp.float32) * (1.0 / np.sqrt(H))
    W_neigh2 = jax.random.normal(ks[5], (H, H), dtype=jnp.float32) * (1.0 / np.sqrt(H))
    b2 = jnp.zeros((H,), dtype=jnp.float32)
    return {"x": x, "edge_index": edge_index, "W_self1": W_self1, "W_neigh1": W_neigh1,
            "b1": b1, "W_self2": W_self2, "W_neigh2": W_neigh2, "b2": b2}


def _sage_mean_layer(h, edge_index, W_self, W_neigh, b):
    # DGL SAGEConv(aggregator='mean'): out = fc_self(h_dst) + fc_neigh(mean_{src->dst} h_src) + bias
    src = edge_index[0]
    dst = edge_index[1]
    msgs = jnp.take(h, src, axis=0)                       # gather (SparseCore)
    agg = jax.ops.segment_sum(msgs, dst, num_segments=N)  # scatter-add
    deg = jax.ops.segment_sum(jnp.ones((E,), h.dtype), dst, num_segments=N)
    h_neigh = agg / jnp.maximum(deg, 1.0)[:, None]
    return h @ W_self + h_neigh @ W_neigh + b


def reference(x, edge_index, W_self1, W_neigh1, b1, W_self2, W_neigh2, b2):
    h = _sage_mean_layer(x, edge_index, W_self1, W_neigh1, b1)
    h = jax.nn.relu(h)  # relu between layers, not after last
    h = _sage_mean_layer(h, edge_index, W_self2, W_neigh2, b2)
    return h

if __name__ == "__main__":
    import jax
    _d = setup_inputs()
    print(jax.jit(kernel)(*tuple(_d.values())))

</pallas_src>

<mosaic_0001>
#map = affine_map<(d0, d1) -> (0, 0)>
module attributes {stable_mosaic.version = 14 : i64} {
  func.func @body(%arg0: i32, %arg1: i32, %arg2: memref<10000x16xf32, #tpu.memory_space<hbm>>, %arg3: memref<2560x128xi32, #tpu.memory_space<hbm>>, %arg4: memref<2560x128xi32, #tpu.memory_space<hbm>>, %arg5: memref<10112x16xf32, #tpu.memory_space<hbm>>, %arg6: memref<128x16xf32, #tpu.memory_space<hbm>>, %arg7: memref<10112x16xf32, #tpu.memory_space<hbm>>, %arg8: memref<10112x16xf32, #tpu.memory_space<hbm>>, %arg9: memref<10112x16xf32, #tpu.memory_space<hbm>>, %arg10: memref<10112x16xf32, #tpu.memory_space<hbm>>, %arg11: memref<80x128xi32, #tpu.memory_space<vmem>>, %arg12: memref<80x128xi32, #tpu.memory_space<vmem>>, %arg13: memref<8x128x16xf32, #tpu.memory_space<vmem>>, %arg14: memref<128x16xf32, #tpu.memory_space<vmem>>, %arg15: memref<10112x16xf32, #tpu.memory_space<vmem_shared>>, %arg16: memref<10112x16xf32, #tpu.memory_space<vmem_shared>>, %arg17: memref<8x!tpu.dma_semaphore, #tpu.memory_space<semaphore_mem>>, %arg18: memref<8x!tpu.dma_semaphore, #tpu.memory_space<semaphore_mem>>) attributes {dimension_semantics = [#tpu.dimension_semantics<core_parallel>, #tpu.dimension_semantics<subcore_parallel>], iteration_bounds = array<i64: 2, 16>, scalar_prefetch = 0 : i64, scratch_operands = 8 : i64, tpu.core_type = #tpu.core_type<sc_vector_subcore>, window_params = [{transform_indices = #map}, {transform_indices = #map}, {transform_indices = #map}, {transform_indices = #map}, {transform_indices = #map}, {transform_indices = #map}, {transform_indices = #map}, {transform_indices = #map}, {transform_indices = #map}]} {
    %mul3A = arith.constant 2 : i32
    %mul3A_0 = arith.muli %arg1, %mul3A : i32
    %add3A = arith.addi %mul3A_0, %arg0 : i32
    %mul3A_1 = arith.constant 632 : i32
    %mul3A_2 = arith.muli %arg1, %mul3A_1 : i32
    "tpu.region"() ({
      %run_scoped3A = tpu.sem_alloc : memref<!tpu.dma_semaphore, #tpu.memory_space<semaphore_mem>>
      %dma_start3A_201 = arith.constant 0 : i32
      %dma_start3A_202 = tpu.memref_slice %arg15[%mul3A_2, %dma_start3A_201] : memref<10112x16xf32, #tpu.memory_space<vmem_shared>> -> memref<632x16xf32, #tpu.memory_space<vmem_shared>>
      %dma_start3A_203 = arith.constant 0 : i32
      %dma_start3A_204 = tpu.memref_slice %arg5[%mul3A_2, %dma_start3A_203] : memref<10112x16xf32, #tpu.memory_space<hbm>> -> memref<632x16xf32, #tpu.memory_space<hbm>>
      tpu.enqueue_dma source(%dma_start3A_204 : memref<632x16xf32, #tpu.memory_space<hbm>>) target(%dma_start3A_202 : memref<632x16xf32, #tpu.memory_space<vmem_shared>>) target_semaphore(%run_scoped3A : memref<!tpu.dma_semaphore, #tpu.memory_space<semaphore_mem>>)
      %dma_wait3A_205 = arith.constant 0 : i32
      %dma_wait3A_206 = tpu.memref_slice %arg15[%mul3A_2, %dma_wait3A_205] : memref<10112x16xf32, #tpu.memory_space<vmem_shared>> -> memref<632x16xf32, #tpu.memory_space<vmem_shared>>
      %dma_wait3A_207 = arith.constant 0 : i32
      %dma_wait3A_208 = tpu.memref_slice %arg5[%mul3A_2, %dma_wait3A_207] : memref<10112x16xf32, #tpu.memory_space<hbm>> -> memref<632x16xf32, #tpu.memory_space<hbm>>
      tpu.wait_dma2 semaphore(%run_scoped3A : memref<!tpu.dma_semaphore, #tpu.memory_space<semaphore_mem>>) src(%dma_wait3A_208 : memref<632x16xf32, #tpu.memory_space<hbm>>) dst(%dma_wait3A_206 : memref<632x16xf32, #tpu.memory_space<vmem_shared>>)
      tpu.yield
    }) : () -> ()
    "tpu.region"() ({
      %run_scoped3A = tpu.sem_alloc : memref<!tpu.dma_semaphore, #tpu.memory_space<semaphore_mem>>
      %dma_start3A_201 = arith.constant 0 : i32
      %dma_start3A_202 = tpu.memref_slice %arg16[%mul3A_2, %dma_start3A_201] : memref<10112x16xf32, #tpu.memory_space<vmem_shared>> -> memref<632x16xf32, #tpu.memory_space<vmem_shared>>
      %dma_start3A_203 = arith.constant 0 : i32
      %dma_start3A_204 = tpu.memref_slice %arg5[%mul3A_2, %dma_start3A_203] : memref<10112x16xf32, #tpu.memory_space<hbm>> -> memref<632x16xf32, #tpu.memory_space<hbm>>
      tpu.enqueue_dma source(%dma_start3A_204 : memref<632x16xf32, #tpu.memory_space<hbm>>) target(%dma_start3A_202 : memref<632x16xf32, #tpu.memory_space<vmem_shared>>) target_semaphore(%run_scoped3A : memref<!tpu.dma_semaphore, #tpu.memory_space<semaphore_mem>>)
      %dma_wait3A_205 = arith.constant 0 : i32
      %dma_wait3A_206 = tpu.memref_slice %arg16[%mul3A_2, %dma_wait3A_205] : memref<10112x16xf32, #tpu.memory_space<vmem_shared>> -> memref<632x16xf32, #tpu.memory_space<vmem_shared>>
      %dma_wait3A_207 = arith.constant 0 : i32
      %dma_wait3A_208 = tpu.memref_slice %arg5[%mul3A_2, %dma_wait3A_207] : memref<10112x16xf32, #tpu.memory_space<hbm>> -> memref<632x16xf32, #tpu.memory_space<hbm>>
      tpu.wait_dma2 semaphore(%run_scoped3A : memref<!tpu.dma_semaphore, #tpu.memory_space<semaphore_mem>>) src(%dma_wait3A_208 : memref<632x16xf32, #tpu.memory_space<hbm>>) dst(%dma_wait3A_206 : memref<632x16xf32, #tpu.memory_space<vmem_shared>>)
      tpu.yield
    }) : () -> ()
    "tpu.region"() ({
      %run_scoped3A = tpu.sem_alloc : memref<!tpu.dma_semaphore, #tpu.memory_space<semaphore_mem>>
      tpu.enqueue_dma source(%arg6 : memref<128x16xf32, #tpu.memory_space<hbm>>) target(%arg14 : memref<128x16xf32, #tpu.memory_space<vmem>>) target_semaphore(%run_scoped3A : memref<!tpu.dma_semaphore, #tpu.memory_space<semaphore_mem>>)
      tpu.wait_dma2 semaphore(%run_scoped3A : memref<!tpu.dma_semaphore, #tpu.memory_space<semaphore_mem>>) src(%arg6 : memref<128x16xf32, #tpu.memory_space<hbm>>) dst(%arg14 : memref<128x16xf32, #tpu.memory_space<vmem>>)
      tpu.yield
    }) : () -> ()
    %mul3A_3 = arith.constant 80 : i32
    %mul3A_4 = arith.muli %add3A, %mul3A_3 : i32
    "tpu.region"() ({
      %run_scoped3A = tpu.sem_alloc : memref<!tpu.dma_semaphore, #tpu.memory_space<semaphore_mem>>
      %dma_start3A_201 = arith.constant 0 : i32
      %dma_start3A_202 = tpu.memref_slice %arg3[%mul3A_4, %dma_start3A_201] : memref<2560x128xi32, #tpu.memory_space<hbm>> -> memref<80x128xi32, #tpu.memory_space<hbm>>
      %dma_start3A_203 = arith.constant 0 : i32
      %dma_start3A_204 = tpu.memref_slice %arg3[%mul3A_4, %dma_start3A_203] : memref<2560x128xi32, #tpu.memory_space<hbm>> -> memref<80x128xi32, #tpu.memory_space<hbm>>
      tpu.enqueue_dma source(%dma_start3A_204 : memref<80x128xi32, #tpu.memory_space<hbm>>) target(%arg11 : memref<80x128xi32, #tpu.memory_space<vmem>>) target_semaphore(%run_scoped3A : memref<!tpu.dma_semaphore, #tpu.memory_space<semaphore_mem>>)
      %dma_wait3A_205 = arith.constant 0 : i32
      %dma_wait3A_206 = tpu.memref_slice %arg3[%mul3A_4, %dma_wait3A_205] : memref<2560x128xi32, #tpu.memory_space<hbm>> -> memref<80x128xi32, #tpu.memory_space<hbm>>
      %dma_wait3A_207 = arith.constant 0 : i32
      %dma_wait3A_208 = tpu.memref_slice %arg3[%mul3A_4, %dma_wait3A_207] : memref<2560x128xi32, #tpu.memory_space<hbm>> -> memref<80x128xi32, #tpu.memory_space<hbm>>
      tpu.wait_dma2 semaphore(%run_scoped3A : memref<!tpu.dma_semaphore, #tpu.memory_space<semaphore_mem>>) src(%dma_wait3A_208 : memref<80x128xi32, #tpu.memory_space<hbm>>) dst(%arg11 : memref<80x128xi32, #tpu.memory_space<vmem>>)
      tpu.yield
    }) : () -> ()
    %mul3A_5 = arith.constant 80 : i32
    %mul3A_6 = arith.muli %add3A, %mul3A_5 : i32
    "tpu.region"() ({
      %run_scoped3A = tpu.sem_alloc : memref<!tpu.dma_semaphore, #tpu.memory_space<semaphore_mem>>
      %dma_start3A_201 = arith.constant 0 : i32
      %dma_start3A_202 = tpu.memref_slice %arg4[%mul3A_6, %dma_start3A_201] : memref<2560x128xi32, #tpu.memory_space<hbm>> -> memref<80x128xi32, #tpu.memory_space<hbm>>
      %dma_start3A_203 = arith.constant 0 : i32
      %dma_start3A_204 = tpu.memref_slice %arg4[%mul3A_6, %dma_start3A_203] : memref<2560x128xi32, #tpu.memory_space<hbm>> -> memref<80x128xi32, #tpu.memory_space<hbm>>
      tpu.enqueue_dma source(%dma_start3A_204 : memref<80x128xi32, #tpu.memory_space<hbm>>) target(%arg12 : memref<80x128xi32, #tpu.memory_space<vmem>>) target_semaphore(%run_scoped3A : memref<!tpu.dma_semaphore, #tpu.memory_space<semaphore_mem>>)
      %dma_wait3A_205 = arith.constant 0 : i32
      %dma_wait3A_206 = tpu.memref_slice %arg4[%mul3A_6, %dma_wait3A_205] : memref<2560x128xi32, #tpu.memory_space<hbm>> -> memref<80x128xi32, #tpu.memory_space<hbm>>
      %dma_wait3A_207 = arith.constant 0 : i32
      %dma_wait3A_208 = tpu.memref_slice %arg4[%mul3A_6, %dma_wait3A_207] : memref<2560x128xi32, #tpu.memory_space<hbm>> -> memref<80x128xi32, #tpu.memory_space<hbm>>
      tpu.wait_dma2 semaphore(%run_scoped3A : memref<!tpu.dma_semaphore, #tpu.memory_space<semaphore_mem>>) src(%dma_wait3A_208 : memref<80x128xi32, #tpu.memory_space<hbm>>) dst(%arg12 : memref<80x128xi32, #tpu.memory_space<vmem>>)
      tpu.yield
    }) : () -> ()
    %barrier3A = arith.constant 0 : index
    tpu.barrier barrier_id(%barrier3A)
    %dma_start3A = arith.constant 0 : i32
    %dma_start3A_7 = arith.constant 0 : i32
    %dma_start3A_8 = arith.constant 0 : i32
    %dma_start3A_9 = arith.constant 0 : i32
    %dma_start3A_10 = arith.constant 0 : i32
    %dma_start3A_11 = tpu.memref_slice %arg13[%dma_start3A_7, %dma_start3A_9, %dma_start3A_10] : memref<8x128x16xf32, #tpu.memory_space<vmem>> -> memref<1x128x16xf32, #tpu.memory_space<vmem>>
    %dma_start3A_12 = tpu.memref_squeeze %dma_start3A_11 : memref<1x128x16xf32, #tpu.memory_space<vmem>> -> memref<128x16xf32, #tpu.memory_space<vmem>>
    %dma_start3A_13 = arith.constant 0 : i32
    %dma_start3A_14 = tpu.memref_slice %arg11[%dma_start3A, %dma_start3A_13] : memref<80x128xi32, #tpu.memory_space<vmem>> -> memref<1x128xi32, #tpu.memory_space<vmem>>
    %dma_start3A_15 = tpu.memref_squeeze %dma_start3A_14 : memref<1x128xi32, #tpu.memory_space<vmem>> -> memref<128xi32, #tpu.memory_space<vmem>>
    %dma_start3A_16 = arith.constant 0 : i32
    %dma_start3A_17 = arith.constant 0 : i32
    %dma_start3A_18 = tpu.memref_slice %arg2[%dma_start3A_16, %dma_start3A_17] : memref<10000x16xf32, #tpu.memory_space<hbm>> -> memref<10000x16xf32, #tpu.memory_space<hbm>>
    %dma_start3A_19 = tpu.memref_slice %arg17[%dma_start3A_8] : memref<8x!tpu.dma_semaphore, #tpu.memory_space<semaphore_mem>> -> memref<1x!tpu.dma_semaphore, #tpu.memory_space<semaphore_mem>>
    %dma_start3A_20 = tpu.memref_squeeze %dma_start3A_19 : memref<1x!tpu.dma_semaphore, #tpu.memory_space<semaphore_mem>> -> memref<!tpu.dma_semaphore, #tpu.memory_space<semaphore_mem>>
    tpu.enqueue_indirect_dma source(%dma_start3A_18 : memref<10000x16xf32, #tpu.memory_space<hbm>>) target(%dma_start3A_12 : memref<128x16xf32, #tpu.memory_space<vmem>>) offsets(%dma_start3A_15 : memref<128xi32, #tpu.memory_space<vmem>>) semaphore(%dma_start3A_20 : memref<!tpu.dma_semaphore, #tpu.memory_space<semaphore_mem>>)
    %dma_start3A_21 = arith.constant 1 : i32
    %dma_start3A_22 = arith.constant 1 : i32
    %dma_start3A_23 = arith.constant 1 : i32
    %dma_start3A_24 = arith.constant 0 : i32
    %dma_start3A_25 = arith.constant 0 : i32
    %dma_start3A_26 = tpu.memref_slice %arg13[%dma_start3A_22, %dma_start3A_24, %dma_start3A_25] : memref<8x128x16xf32, #tpu.memory_space<vmem>> -> memref<1x128x16xf32, #tpu.memory_space<vmem>>
    %dma_start3A_27 = tpu.memref_squeeze %dma_start3A_26 : memref<1x128x16xf32, #tpu.memory_space<vmem>> -> memref<128x16xf32, #tpu.memory_space<vmem>>
    %dma_start3A_28 = arith.constant 0 : i32
    %dma_start3A_29 = tpu.memref_slice %arg11[%dma_start3A_21, %dma_start3A_28] : memref<80x128xi32, #tpu.memory_space<vmem>> -> memref<1x128xi32, #tpu.memory_space<vmem>>
    %dma_start3A_30 = tpu.memref_squeeze %dma_start3A_29 : memref<1x128xi32, #tpu.memory_space<vmem>> -> memref<128xi32, #tpu.memory_space<vmem>>
    %dma_start3A_31 = arith.constant 0 : i32
    %dma_start3A_32 = arith.constant 0 : i32
    %dma_start3A_33 = tpu.memref_slice %arg2[%dma_start3A_31, %dma_start3A_32] : memref<10000x16xf32, #tpu.memory_space<hbm>> -> memref<10000x16xf32, #tpu.memory_space<hbm>>
    %dma_start3A_34 = tpu.memref_slice %arg17[%dma_start3A_23] : memref<8x!tpu.dma_semaphore, #tpu.memory_space<semaphore_mem>> -> memref<1x!tpu.dma_semaphore, #tpu.memory_space<semaphore_mem>>
    %dma_start3A_35 = tpu.memref_squeeze %dma_start3A_34 : memref<1x!tpu.dma_semaphore, #tpu.memory_space<semaphore_mem>> -> memref<!tpu.dma_semaphore, #tpu.memory_space<semaphore_mem>>
    tpu.enqueue_indirect_dma source(%dma_start3A_33 : memref<10000x16xf32, #tpu.memory_space<hbm>>) target(%dma_start3A_27 : memref<128x16xf32, #tpu.memory_space<vmem>>) offsets(%dma_start3A_30 : memref<128xi32, #tpu.memory_space<vmem>>) semaphore(%dma_start3A_35 : memref<!tpu.dma_semaphore, #tpu.memory_space<semaphore_mem>>)
    %dma_start3A_36 = arith.constant 2 : i32
    %dma_start3A_37 = arith.constant 2 : i32
    %dma_start3A_38 = arith.constant 2 : i32
    %dma_start3A_39 = arith.constant 0 : i32
    %dma_start3A_40 = arith.constant 0 : i32
    %dma_start3A_41 = tpu.memref_slice %arg13[%dma_start3A_37, %dma_start3A_39, %dma_start3A_40] : memref<8x128x16xf32, #tpu.memory_space<vmem>> -> memref<1x128x16xf32, #tpu.memory_space<vmem>>
    %dma_start3A_42 = tpu.memref_squeeze %dma_start3A_41 : memref<1x128x16xf32, #tpu.memory_space<vmem>> -> memref<128x16xf32, #tpu.memory_space<vmem>>
    %dma_start3A_43 = arith.constant 0 : i32
    %dma_start3A_44 = tpu.memref_slice %arg11[%dma_start3A_36, %dma_start3A_43] : memref<80x128xi32, #tpu.memory_space<vmem>> -> memref<1x128xi32, #tpu.memory_space<vmem>>
    %dma_start3A_45 = tpu.memref_squeeze %dma_start3A_44 : memref<1x128xi32, #tpu.memory_space<vmem>> -> memref<128xi32, #tpu.memory_space<vmem>>
    %dma_start3A_46 = arith.constant 0 : i32
    %dma_start3A_47 = arith.constant 0 : i32
    %dma_start3A_48 = tpu.memref_slice %arg2[%dma_start3A_46, %dma_start3A_47] : memref<10000x16xf32, #tpu.memory_space<hbm>> -> memref<10000x16xf32, #tpu.memory_space<hbm>>
    %dma_start3A_49 = tpu.memref_slice %arg17[%dma_start3A_38] : memref<8x!tpu.dma_semaphore, #tpu.memory_space<semaphore_mem>> -> memref<1x!tpu.dma_semaphore, #tpu.memory_space<semaphore_mem>>
    %dma_start3A_50 = tpu.memref_squeeze %dma_start3A_49 : memref<1x!tpu.dma_semaphore, #tpu.memory_space<semaphore_mem>> -> memref<!tpu.dma_semaphore, #tpu.memory_space<semaphore_mem>>
    tpu.enqueue_indirect_dma source(%dma_start3A_48 : memref<10000x16xf32, #tpu.memory_space<hbm>>) target(%dma_start3A_42 : memref<128x16xf32, #tpu.memory_space<vmem>>) offsets(%dma_start3A_45 : memref<128xi32, #tpu.memory_space<vmem>>) semaphore(%dma_start3A_50 : memref<!tpu.dma_semaphore, #tpu.memory_space<semaphore_mem>>)
    %dma_start3A_51 = arith.constant 3 : i32
    %dma_start3A_52 = arith.constant 3 : i32
    %dma_start3A_53 = arith.constant 3 : i32
    %dma_start3A_54 = arith.constant 0 : i32
    %dma_start3A_55 = arith.constant 0 : i32
    %dma_start3A_56 = tpu.memref_slice %arg13[%dma_start3A_52, %dma_start3A_54, %dma_start3A_55] : memref<8x128x16xf32, #tpu.memory_space<vmem>> -> memref<1x128x16xf32, #tpu.memory_space<vmem>>
    %dma_start3A_57 = tpu.memref_squeeze %dma_start3A_56 : memref<1x128x16xf32, #tpu.memory_space<vmem>> -> memref<128x16xf32, #tpu.memory_space<vmem>>
    %dma_start3A_58 = arith.constant 0 : i32
    %dma_start3A_59 = tpu.memref_slice %arg11[%dma_start3A_51, %dma_start3A_58] : memref<80x128xi32, #tpu.memory_space<vmem>> -> memref<1x128xi32, #tpu.memory_space<vmem>>
    %dma_start3A_60 = tpu.memref_squeeze %dma_start3A_59 : memref<1x128xi32, #tpu.memory_space<vmem>> -> memref<128xi32, #tpu.memory_space<vmem>>
    %dma_start3A_61 = arith.constant 0 : i32
    %dma_start3A_62 = arith.constant 0 : i32
    %dma_start3A_63 = tpu.memref_slice %arg2[%dma_start3A_61, %dma_start3A_62] : memref<10000x16xf32, #tpu.memory_space<hbm>> -> memref<10000x16xf32, #tpu.memory_space<hbm>>
    %dma_start3A_64 = tpu.memref_slice %arg17[%dma_start3A_53] : memref<8x!tpu.dma_semaphore, #tpu.memory_space<semaphore_mem>> -> memref<1x!tpu.dma_semaphore, #tpu.memory_space<semaphore_mem>>
    %dma_start3A_65 = tpu.memref_squeeze %dma_start3A_64 : memref<1x!tpu.dma_semaphore, #tpu.memory_space<semaphore_mem>> -> memref<!tpu.dma_semaphore, #tpu.memory_space<semaphore_mem>>
    tpu.enqueue_indirect_dma source(%dma_start3A_63 : memref<10000x16xf32, #tpu.memory_space<hbm>>) target(%dma_start3A_57 : memref<128x16xf32, #tpu.memory_space<vmem>>) offsets(%dma_start3A_60 : memref<128xi32, #tpu.memory_space<vmem>>) semaphore(%dma_start3A_65 : memref<!tpu.dma_semaphore, #tpu.memory_space<semaphore_mem>>)
    %scan3A = arith.constant 0 : i32
    %scan3A_66 = arith.constant 0 : i32
    %scan3A_67 = arith.constant 80 : i32
    %scan3A_68 = arith.addi %scan3A_66, %scan3A_67 : i32
    %scan3A_69 = arith.constant 1 : i32
    %scan3A_70 = scf.for %scan3A_201 = %scan3A_66 to %scan3A_68 step %scan3A_69 iter_args(%scan3A_202 = %scan3A) -> (i32)  : i32 {
      %jit3A = arith.constant 8 : i32
      %eq3A_203 = arith.constant 0 : i32
      %eq3A_204 = arith.cmpi eq, %jit3A, %eq3A_203 : i32
      %jit3A_205 = arith.constant 1 : i32
      %select_n3A = arith.select %eq3A_204, %jit3A_205, %jit3A : i32
      %rem3A = arith.remsi %scan3A_201, %select_n3A : i32
      %ne3A = arith.constant 0 : i32
      %ne3A_206 = arith.cmpi ne, %rem3A, %ne3A : i32
      %lt3A = arith.constant 0 : i32
      %lt3A_207 = arith.cmpi slt, %rem3A, %lt3A : i32
      %lt3A_208 = arith.constant 0 : i32
      %lt3A_209 = arith.cmpi slt, %select_n3A, %lt3A_208 : i32
      %ne3A_210 = arith.xori %lt3A_207, %lt3A_209 : i1
      %and3A = arith.andi %ne3A_210, %ne3A_206 : i1
      %add3A_211 = arith.addi %rem3A, %select_n3A : i32
      %select_n3A_212 = arith.select %and3A, %add3A_211, %rem3A : i32
      %eq3A_213 = arith.constant 0 : i32
      %eq3A_214 = arith.cmpi eq, %select_n3A_212, %eq3A_213 : i32
      %convert_element_type3A_215 = arith.extui %eq3A_214 : i1 to i32
      %cond3A_216 = arith.constant 0 : i32
      %cond3A_217 = arith.cmpi ne, %convert_element_type3A_215, %cond3A_216 : i32
      scf.if %cond3A_217 {
        %add3A_254 = arith.constant 4 : i32
        %add3A_255 = arith.addi %scan3A_201, %add3A_254 : i32
        %lt3A_256 = arith.constant 80 : i32
        %lt3A_257 = arith.cmpi slt, %add3A_255, %lt3A_256 : i32
        %convert_element_type3A_258 = arith.extui %lt3A_257 : i1 to i32
        %cond3A_259 = arith.constant 0 : i32
        %cond3A_260 = arith.cmpi ne, %convert_element_type3A_258, %cond3A_259 : i32
        scf.if %cond3A_260 {
          %ge3A = arith.constant 4 : i32
          %ge3A_289 = arith.cmpi sge, %scan3A_201, %ge3A : i32
          %convert_element_type3A_290 = arith.extui %ge3A_289 : i1 to i32
          %cond3A_291 = arith.constant 0 : i32
          %cond3A_292 = arith.cmpi ne, %convert_element_type3A_290, %cond3A_291 : i32
          scf.if %cond3A_292 {
            %dma_wait3A_309 = arith.constant 4 : i32
            %dma_wait3A_310 = arith.constant 0 : i32
            %dma_wait3A_311 = arith.constant 4 : i32
            %dma_wait3A_312 = arith.constant 0 : i32
            %dma_wait3A_313 = arith.constant 0 : i32
            %dma_wait3A_314 = tpu.memref_slice %arg13[%dma_wait3A_309, %dma_wait3A_312, %dma_wait3A_313] : memref<8x128x16xf32, #tpu.memory_space<vmem>> -> memref<1x128x16xf32, #tpu.memory_space<vmem>>
            %dma_wait3A_315 = tpu.memref_squeeze %dma_wait3A_314 : memref<1x128x16xf32, #tpu.memory_space<vmem>> -> memref<128x16xf32, #tpu.memory_space<vmem>>
            %dma_wait3A_316 = arith.constant 0 : i32
            %dma_wait3A_317 = tpu.memref_slice %arg12[%dma_wait3A_310, %dma_wait3A_316] : memref<80x128xi32, #tpu.memory_space<vmem>> -> memref<1x128xi32, #tpu.memory_space<vmem>>
            %dma_wait3A_318 = tpu.memref_squeeze %dma_wait3A_317 : memref<1x128xi32, #tpu.memory_space<vmem>> -> memref<128xi32, #tpu.memory_space<vmem>>
            %dma_wait3A_319 = arith.constant 0 : i32
            %dma_wait3A_320 = arith.constant 0 : i32
            %dma_wait3A_321 = tpu.memref_slice %arg15[%dma_wait3A_319, %dma_wait3A_320] : memref<10112x16xf32, #tpu.memory_space<vmem_shared>> -> memref<10112x16xf32, #tpu.memory_space<vmem_shared>>
            %dma_wait3A_322 = tpu.memref_slice %arg18[%dma_wait3A_311] : memref<8x!tpu.dma_semaphore, #tpu.memory_space<semaphore_mem>> -> memref<1x!tpu.dma_semaphore, #tpu.memory_space<semaphore_mem>>
            %dma_wait3A_323 = tpu.memref_squeeze %dma_wait3A_322 : memref<1x!tpu.dma_semaphore, #tpu.memory_space<semaphore_mem>> -> memref<!tpu.dma_semaphore, #tpu.memory_space<semaphore_mem>>
            tpu.wait_indirect_dma semaphore(%dma_wait3A_323 : memref<!tpu.dma_semaphore, #tpu.memory_space<semaphore_mem>>) src(%dma_wait3A_315 : memref<128x16xf32, #tpu.memory_space<vmem>>) dst(%dma_wait3A_321 : memref<10112x16xf32, #tpu.memory_space<vmem_shared>>)
          } else {
          }
          %add3A_293 = arith.constant 4 : i32
          %add3A_294 = arith.addi %scan3A_201, %add3A_293 : i32
          %dma_start3A_295 = arith.constant 4 : i32
          %dma_start3A_296 = arith.constant 4 : i32
          %dma_start3A_297 = arith.constant 0 : i32
          %dma_start3A_298 = arith.constant 0 : i32
          %dma_start3A_299 = tpu.memref_slice %arg13[%dma_start3A_295, %dma_start3A_297, %dma_start3A_298] : memref<8x128x16xf32, #tpu.memory_space<vmem>> -> memref<1x128x16xf32, #tpu.memory_space<vmem>>
          %dma_start3A_300 = tpu.memref_squeeze %dma_start3A_299 : memref<1x128x16xf32, #tpu.memory_space<vmem>> -> memref<128x16xf32, #tpu.memory_space<vmem>>
          %dma_start3A_301 = arith.constant 0 : i32
          %dma_start3A_302 = tpu.memref_slice %arg11[%add3A_294, %dma_start3A_301] : memref<80x128xi32, #tpu.memory_space<vmem>> -> memref<1x128xi32, #tpu.memory_space<vmem>>
          %dma_start3A_303 = tpu.memref_squeeze %dma_start3A_302 : memref<1x128xi32, #tpu.memory_space<vmem>> -> memref<128xi32, #tpu.memory_space<vmem>>
          %dma_start3A_304 = arith.constant 0 : i32
          %dma_start3A_305 = arith.constant 0 : i32
          %dma_start3A_306 = tpu.memref_slice %arg2[%dma_start3A_304, %dma_start3A_305] : memref<10000x16xf32, #tpu.memory_space<hbm>> -> memref<10000x16xf32, #tpu.memory_space<hbm>>
          %dma_start3A_307 = tpu.memref_slice %arg17[%dma_start3A_296] : memref<8x!tpu.dma_semaphore, #tpu.memory_space<semaphore_mem>> -> memref<1x!tpu.dma_semaphore, #tpu.memory_space<semaphore_mem>>
          %dma_start3A_308 = tpu.memref_squeeze %dma_start3A_307 : memref<1x!tpu.dma_semaphore, #tpu.memory_space<semaphore_mem>> -> memref<!tpu.dma_semaphore, #tpu.memory_space<semaphore_mem>>
          tpu.enqueue_indirect_dma source(%dma_start3A_306 : memref<10000x16xf32, #tpu.memory_space<hbm>>) target(%dma_start3A_300 : memref<128x16xf32, #tpu.memory_space<vmem>>) offsets(%dma_start3A_303 : memref<128xi32, #tpu.memory_space<vmem>>) semaphore(%dma_start3A_308 : memref<!tpu.dma_semaphore, #tpu.memory_space<semaphore_mem>>)
        } else {
        }
        %dma_wait3A_261 = arith.constant 0 : i32
        %dma_wait3A_262 = arith.constant 0 : i32
        %dma_wait3A_263 = arith.constant 0 : i32
        %dma_wait3A_264 = arith.constant 0 : i32
        %dma_wait3A_265 = tpu.memref_slice %arg13[%dma_wait3A_261, %dma_wait3A_263, %dma_wait3A_264] : memref<8x128x16xf32, #tpu.memory_space<vmem>> -> memref<1x128x16xf32, #tpu.memory_space<vmem>>
        %dma_wait3A_266 = tpu.memref_squeeze %dma_wait3A_265 : memref<1x128x16xf32, #tpu.memory_space<vmem>> -> memref<128x16xf32, #tpu.memory_space<vmem>>
        %dma_wait3A_267 = arith.constant 0 : i32
        %dma_wait3A_268 = tpu.memref_slice %arg11[%scan3A_201, %dma_wait3A_267] : memref<80x128xi32, #tpu.memory_space<vmem>> -> memref<1x128xi32, #tpu.memory_space<vmem>>
        %dma_wait3A_269 = tpu.memref_squeeze %dma_wait3A_268 : memref<1x128xi32, #tpu.memory_space<vmem>> -> memref<128xi32, #tpu.memory_space<vmem>>
        %dma_wait3A_270 = arith.constant 0 : i32
        %dma_wait3A_271 = arith.constant 0 : i32
        %dma_wait3A_272 = tpu.memref_slice %arg2[%dma_wait3A_270, %dma_wait3A_271] : memref<10000x16xf32, #tpu.memory_space<hbm>> -> memref<10000x16xf32, #tpu.memory_space<hbm>>
        %dma_wait3A_273 = tpu.memref_slice %arg17[%dma_wait3A_262] : memref<8x!tpu.dma_semaphore, #tpu.memory_space<semaphore_mem>> -> memref<1x!tpu.dma_semaphore, #tpu.memory_space<semaphore_mem>>
        %dma_wait3A_274 = tpu.memref_squeeze %dma_wait3A_273 : memref<1x!tpu.dma_semaphore, #tpu.memory_space<semaphore_mem>> -> memref<!tpu.dma_semaphore, #tpu.memory_space<semaphore_mem>>
        tpu.wait_indirect_dma semaphore(%dma_wait3A_274 : memref<!tpu.dma_semaphore, #tpu.memory_space<semaphore_mem>>) src(%dma_wait3A_272 : memref<10000x16xf32, #tpu.memory_space<hbm>>) dst(%dma_wait3A_266 : memref<128x16xf32, #tpu.memory_space<vmem>>)
        %dma_start3A_275 = arith.constant 0 : i32
        %dma_start3A_276 = arith.constant 0 : i32
        %dma_start3A_277 = arith.constant 0 : i32
        %dma_start3A_278 = arith.constant 0 : i32
        %dma_start3A_279 = tpu.memref_slice %arg13[%dma_start3A_275, %dma_start3A_277, %dma_start3A_278] : memref<8x128x16xf32, #tpu.memory_space<vmem>> -> memref<1x128x16xf32, #tpu.memory_space<vmem>>
        %dma_start3A_280 = tpu.memref_squeeze %dma_start3A_279 : memref<1x128x16xf32, #tpu.memory_space<vmem>> -> memref<128x16xf32, #tpu.memory_space<vmem>>
        %dma_start3A_281 = arith.constant 0 : i32
        %dma_start3A_282 = tpu.memref_slice %arg12[%scan3A_201, %dma_start3A_281] : memref<80x128xi32, #tpu.memory_space<vmem>> -> memref<1x128xi32, #tpu.memory_space<vmem>>
        %dma_start3A_283 = tpu.memref_squeeze %dma_start3A_282 : memref<1x128xi32, #tpu.memory_space<vmem>> -> memref<128xi32, #tpu.memory_space<vmem>>
        %dma_start3A_284 = arith.constant 0 : i32
        %dma_start3A_285 = arith.constant 0 : i32
        %dma_start3A_286 = tpu.memref_slice %arg15[%dma_start3A_284, %dma_start3A_285] : memref<10112x16xf32, #tpu.memory_space<vmem_shared>> -> memref<10112x16xf32, #tpu.memory_space<vmem_shared>>
        %dma_start3A_287 = tpu.memref_slice %arg18[%dma_start3A_276] : memref<8x!tpu.dma_semaphore, #tpu.memory_space<semaphore_mem>> -> memref<1x!tpu.dma_semaphore, #tpu.memory_space<semaphore_mem>>
        %dma_start3A_288 = tpu.memref_squeeze %dma_start3A_287 : memref<1x!tpu.dma_semaphore, #tpu.memory_space<semaphore_mem>> -> memref<!tpu.dma_semaphore, #tpu.memory_space<semaphore_mem>>
        tpu.enqueue_indirect_dma source(%dma_start3A_280 : memref<128x16xf32, #tpu.memory_space<vmem>>) target(%dma_start3A_286 : memref<10112x16xf32, #tpu.memory_space<vmem_shared>>) offsets(%dma_start3A_283 : memref<128xi32, #tpu.memory_space<vmem>>) semaphore(%dma_start3A_288 : memref<!tpu.dma_semaphore, #tpu.memory_space<semaphore_mem>>) {add = true}
        "tpu.region"() ({
          %run_scoped3A = tpu.sem_alloc : memref<!tpu.dma_semaphore, #tpu.memory_space<semaphore_mem>>
          %dma_start3A_289 = arith.constant 0 : i32
          %dma_start3A_290 = tpu.memref_slice %arg12[%scan3A_201, %dma_start3A_289] : memref<80x128xi32, #tpu.memory_space<vmem>> -> memref<1x128xi32, #tpu.memory_space<vmem>>
          %dma_start3A_291 = tpu.memref_squeeze %dma_start3A_290 : memref<1x128xi32, #tpu.memory_space<vmem>> -> memref<128xi32, #tpu.memory_space<vmem>>
          %dma_start3A_292 = arith.constant 0 : i32
          %dma_start3A_293 = arith.constant 0 : i32
          %dma_start3A_294 = tpu.memref_slice %arg16[%dma_start3A_292, %dma_start3A_293] : memref<10112x16xf32, #tpu.memory_space<vmem_shared>> -> memref<10112x16xf32, #tpu.memory_space<vmem_shared>>
          tpu.enqueue_indirect_dma source(%arg14 : memref<128x16xf32, #tpu.memory_space<vmem>>) target(%dma_start3A_294 : memref<10112x16xf32, #tpu.memory_space<vmem_shared>>) offsets(%dma_start3A_291 : memref<128xi32, #tpu.memory_space<vmem>>) semaphore(%run_scoped3A : memref<!tpu.dma_semaphore, #tpu.memory_space<semaphore_mem>>) {add = true}
          %dma_wait3A_295 = arith.constant 0 : i32
          %dma_wait3A_296 = tpu.memref_slice %arg12[%scan3A_201, %dma_wait3A_295] : memref<80x128xi32, #tpu.memory_space<vmem>> -> memref<1x128xi32, #tpu.memory_space<vmem>>
          %dma_wait3A_297 = tpu.memref_squeeze %dma_wait3A_296 : memref<1x128xi32, #tpu.memory_space<vmem>> -> memref<128xi32, #tpu.memory_space<vmem>>
          %dma_wait3A_298 = arith.constant 0 : i32
          %dma_wait3A_299 = arith.constant 0 : i32
          %dma_wait3A_300 = tpu.memref_slice %arg16[%dma_wait3A_298, %dma_wait3A_299] : memref<10112x16xf32, #tpu.memory_space<vmem_shared>> -> memref<10112x16xf32, #tpu.memory_space<vmem_shared>>
          tpu.wait_indirect_dma semaphore(%run_scoped3A : memref<!tpu.dma_semaphore, #tpu.memory_space<semaphore_mem>>) src(%arg14 : memref<128x16xf32, #tpu.memory_space<vmem>>) dst(%dma_wait3A_300 : memref<10112x16xf32, #tpu.memory_space<vmem_shared>>)
          tpu.yield
        }) : () -> ()
      } else {
      }
      %eq3A_218 = arith.constant 1 : i32
      %eq3A_219 = arith.cmpi eq, %select_n3A_212, %eq3A_218 : i32
      %convert_element_type3A_220 = arith.extui %eq3A_219 : i1 to i32
      %cond3A_221 = arith.constant 0 : i32
      %cond3A_222 = arith.cmpi ne, %convert_element_type3A_220, %cond3A_221 : i32
      scf.if %cond3A_222 {
        %add3A_254 = arith.constant 4 : i32
        %add3A_255 = arith.addi %scan3A_201, %add3A_254 : i32
        %lt3A_256 = arith.constant 80 : i32
        %lt3A_257 = arith.cmpi slt, %add3A_255, %lt3A_256 : i32
        %convert_element_type3A_258 = arith.extui %lt3A_257 : i1 to i32
        %cond3A_259 = arith.constant 0 : i32
        %cond3A_260 = arith.cmpi ne, %convert_element_type3A_258, %cond3A_259 : i32
        scf.if %cond3A_260 {
          %ge3A = arith.constant 4 : i32
          %ge3A_289 = arith.cmpi sge, %scan3A_201, %ge3A : i32
          %convert_element_type3A_290 = arith.extui %ge3A_289 : i1 to i32
          %cond3A_291 = arith.constant 0 : i32
          %cond3A_292 = arith.cmpi ne, %convert_element_type3A_290, %cond3A_291 : i32
          scf.if %cond3A_292 {
            %dma_wait3A_309 = arith.constant 5 : i32
            %dma_wait3A_310 = arith.constant 0 : i32
            %dma_wait3A_311 = arith.constant 5 : i32
            %dma_wait3A_312 = arith.constant 0 : i32
            %dma_wait3A_313 = arith.constant 0 : i32
            %dma_wait3A_314 = tpu.memref_slice %arg13[%dma_wait3A_309, %dma_wait3A_312, %dma_wait3A_313] : memref<8x128x16xf32, #tpu.memory_space<vmem>> -> memref<1x128x16xf32, #tpu.memory_space<vmem>>
            %dma_wait3A_315 = tpu.memref_squeeze %dma_wait3A_314 : memref<1x128x16xf32, #tpu.memory_space<vmem>> -> memref<128x16xf32, #tpu.memory_space<vmem>>
            %dma_wait3A_316 = arith.constant 0 : i32
            %dma_wait3A_317 = tpu.memref_slice %arg12[%dma_wait3A_310, %dma_wait3A_316] : memref<80x128xi32, #tpu.memory_space<vmem>> -> memref<1x128xi32, #tpu.memory_space<vmem>>
            %dma_wait3A_318 = tpu.memref_squeeze %dma_wait3A_317 : memref<1x128xi32, #tpu.memory_space<vmem>> -> memref<128xi32, #tpu.memory_space<vmem>>
            %dma_wait3A_319 = arith.constant 0 : i32
            %dma_wait3A_320 = arith.constant 0 : i32
            %dma_wait3A_321 = tpu.memref_slice %arg15[%dma_wait3A_319, %dma_wait3A_320] : memref<10112x16xf32, #tpu.memory_space<vmem_shared>> -> memref<10112x16xf32, #tpu.memory_space<vmem_shared>>
            %dma_wait3A_322 = tpu.memref_slice %arg18[%dma_wait3A_311] : memref<8x!tpu.dma_semaphore, #tpu.memory_space<semaphore_mem>> -> memref<1x!tpu.dma_semaphore, #tpu.memory_space<semaphore_mem>>
            %dma_wait3A_323 = tpu.memref_squeeze %dma_wait3A_322 : memref<1x!tpu.dma_semaphore, #tpu.memory_space<semaphore_mem>> -> memref<!tpu.dma_semaphore, #tpu.memory_space<semaphore_mem>>
            tpu.wait_indirect_dma semaphore(%dma_wait3A_323 : memref<!tpu.dma_semaphore, #tpu.memory_space<semaphore_mem>>) src(%dma_wait3A_315 : memref<128x16xf32, #tpu.memory_space<vmem>>) dst(%dma_wait3A_321 : memref<10112x16xf32, #tpu.memory_space<vmem_shared>>)
          } else {
          }
          %add3A_293 = arith.constant 4 : i32
          %add3A_294 = arith.addi %scan3A_201, %add3A_293 : i32
          %dma_start3A_295 = arith.constant 5 : i32
          %dma_start3A_296 = arith.constant 5 : i32
          %dma_start3A_297 = arith.constant 0 : i32
          %dma_start3A_298 = arith.constant 0 : i32
          %dma_start3A_299 = tpu.memref_slice %arg13[%dma_start3A_295, %dma_start3A_297, %dma_start3A_298] : memref<8x128x16xf32, #tpu.memory_space<vmem>> -> memref<1x128x16xf32, #tpu.memory_space<vmem>>
          %dma_start3A_300 = tpu.memref_squeeze %dma_start3A_299 : memref<1x128x16xf32, #tpu.memory_space<vmem>> -> memref<128x16xf32, #tpu.memory_space<vmem>>
          %dma_start3A_301 = arith.constant 0 : i32
          %dma_start3A_302 = tpu.memref_slice %arg11[%add3A_294, %dma_start3A_301] : memref<80x128xi32, #tpu.memory_space<vmem>> -> memref<1x128xi32, #tpu.memory_space<vmem>>
          %dma_start3A_303 = tpu.memref_squeeze %dma_start3A_302 : memref<1x128xi32, #tpu.memory_space<vmem>> -> memref<128xi32, #tpu.memory_space<vmem>>
          %dma_start3A_304 = arith.constant 0 : i32
          %dma_start3A_305 = arith.constant 0 : i32
          %dma_start3A_306 = tpu.memref_slice %arg2[%dma_start3A_304, %dma_start3A_305] : memref<10000x16xf32, #tpu.memory_space<hbm>> -> memref<10000x16xf32, #tpu.memory_space<hbm>>
          %dma_start3A_307 = tpu.memref_slice %arg17[%dma_start3A_296] : memref<8x!tpu.dma_semaphore, #tpu.memory_space<semaphore_mem>> -> memref<1x!tpu.dma_semaphore, #tpu.memory_space<semaphore_mem>>
          %dma_start3A_308 = tpu.memref_squeeze %dma_start3A_307 : memref<1x!tpu.dma_semaphore, #tpu.memory_space<semaphore_mem>> -> memref<!tpu.dma_semaphore, #tpu.memory_space<semaphore_mem>>
          tpu.enqueue_indirect_dma source(%dma_start3A_306 : memref<10000x16xf32, #tpu.memory_space<hbm>>) target(%dma_start3A_300 : memref<128x16xf32, #tpu.memory_space<vmem>>) offsets(%dma_start3A_303 : memref<128xi32, #tpu.memory_space<vmem>>) semaphore(%dma_start3A_308 : memref<!tpu.dma_semaphore, #tpu.memory_space<semaphore_mem>>)
        } else {
        }
        %dma_wait3A_261 = arith.constant 1 : i32
        %dma_wait3A_262 = arith.constant 1 : i32
        %dma_wait3A_263 = arith.constant 0 : i32
        %dma_wait3A_264 = arith.constant 0 : i32
        %dma_wait3A_265 = tpu.memref_slice %arg13[%dma_wait3A_261, %dma_wait3A_263, %dma_wait3A_264] : memref<8x128x16xf32, #tpu.memory_space<vmem>> -> memref<1x128x16xf32, #tpu.memory_space<vmem>>
        %dma_wait3A_266 = tpu.memref_squeeze %dma_wait3A_265 : memref<1x128x16xf32, #tpu.memory_space<vmem>> -> memref<128x16xf32, #tpu.memory_space<vmem>>
        %dma_wait3A_267 = arith.constant 0 : i32
        %dma_wait3A_268 = tpu.memref_slice %arg11[%scan3A_201, %dma_wait3A_267] : memref<80x128xi32, #tpu.memory_space<vmem>> -> memref<1x128xi32, #tpu.memory_space<vmem>>
        %dma_wait3A_269 = tpu.memref_squeeze %dma_wait3A_268 : memref<1x128xi32, #tpu.memory_space<vmem>> -> memref<128xi32, #tpu.memory_space<vmem>>
        %dma_wait3A_270 = arith.constant 0 : i32
        %dma_wait3A_271 = arith.constant 0 : i32
        %dma_wait3A_272 = tpu.memref_slice %arg2[%dma_wait3A_270, %dma_wait3A_271] : memref<10000x16xf32, #tpu.memory_space<hbm>> -> memref<10000x16xf32, #tpu.memory_space<hbm>>
        %dma_wait3A_273 = tpu.memref_slice %arg17[%dma_wait3A_262] : memref<8x!tpu.dma_semaphore, #tpu.memory_space<semaphore_mem>> -> memref<1x!tpu.dma_semaphore, #tpu.memory_space<semaphore_mem>>
        %dma_wait3A_274 = tpu.memref_squeeze %dma_wait3A_273 : memref<1x!tpu.dma_semaphore, #tpu.memory_space<semaphore_mem>> -> memref<!tpu.dma_semaphore, #tpu.memory_space<semaphore_mem>>
        tpu.wait_indirect_dma semaphore(%dma_wait3A_274 : memref<!tpu.dma_semaphore, #tpu.memory_space<semaphore_mem>>) src(%dma_wait3A_272 : memref<10000x16xf32, #tpu.memory_space<hbm>>) dst(%dma_wait3A_266 : memref<128x16xf32, #tpu.memory_space<vmem>>)
        %dma_start3A_275 = arith.constant 1 : i32
        %dma_start3A_276 = arith.constant 1 : i32
        %dma_start3A_277 = arith.constant 0 : i32
        %dma_start3A_278 = arith.constant 0 : i32
        %dma_start3A_279 = tpu.memref_slice %arg13[%dma_start3A_275, %dma_start3A_277, %dma_start3A_278] : memref<8x128x16xf32, #tpu.memory_space<vmem>> -> memref<1x128x16xf32, #tpu.memory_space<vmem>>
        %dma_start3A_280 = tpu.memref_squeeze %dma_start3A_279 : memref<1x128x16xf32, #tpu.memory_space<vmem>> -> memref<128x16xf32, #tpu.memory_space<vmem>>
        %dma_start3A_281 = arith.constant 0 : i32
        %dma_start3A_282 = tpu.memref_slice %arg12[%scan3A_201, %dma_start3A_281] : memref<80x128xi32, #tpu.memory_space<vmem>> -> memref<1x128xi32, #tpu.memory_space<vmem>>
        %dma_start3A_283 = tpu.memref_squeeze %dma_start3A_282 : memref<1x128xi32, #tpu.memory_space<vmem>> -> memref<128xi32, #tpu.memory_space<vmem>>
        %dma_start3A_284 = arith.constant 0 : i32
        %dma_start3A_285 = arith.constant 0 : i32
        %dma_start3A_286 = tpu.memref_slice %arg15[%dma_start3A_284, %dma_start3A_285] : memref<10112x16xf32, #tpu.memory_space<vmem_shared>> -> memref<10112x16xf32, #tpu.memory_space<vmem_shared>>
        %dma_start3A_287 = tpu.memref_slice %arg18[%dma_start3A_276] : memref<8x!tpu.dma_semaphore, #tpu.memory_space<semaphore_mem>> -> memref<1x!tpu.dma_semaphore, #tpu.memory_space<semaphore_mem>>
        %dma_start3A_288 = tpu.memref_squeeze %dma_start3A_287 : memref<1x!tpu.dma_semaphore, #tpu.memory_space<semaphore_mem>> -> memref<!tpu.dma_semaphore, #tpu.memory_space<semaphore_mem>>
        tpu.enqueue_indirect_dma source(%dma_start3A_280 : memref<128x16xf32, #tpu.memory_space<vmem>>) target(%dma_start3A_286 : memref<10112x16xf32, #tpu.memory_space<vmem_shared>>) offsets(%dma_start3A_283 : memref<128xi32, #tpu.memory_space<vmem>>) semaphore(%dma_start3A_288 : memref<!tpu.dma_semaphore, #tpu.memory_space<semaphore_mem>>) {add = true}
        "tpu.region"() ({
          %run_scoped3A = tpu.sem_alloc : memref<!tpu.dma_semaphore, #tpu.memory_space<semaphore_mem>>
          %dma_start3A_289 = arith.constant 0 : i32
          %dma_start3A_290 = tpu.memref_slice %arg12[%scan3A_201, %dma_start3A_289] : memref<80x128xi32, #tpu.memory_space<vmem>> -> memref<1x128xi32, #tpu.memory_space<vmem>>
          %dma_start3A_291 = tpu.memref_squeeze %dma_start3A_290 : memref<1x128xi32, #tpu.memory_space<vmem>> -> memref<128xi32, #tpu.memory_space<vmem>>
          %dma_start3A_292 = arith.constant 0 : i32
          %dma_start3A_293 = arith.constant 0 : i32
          %dma_start3A_294 = tpu.memref_slice %arg16[%dma_start3A_292, %dma_start3A_293] : memref<10112x16xf32, #tpu.memory_space<vmem_shared>> -> memref<10112x16xf32, #tpu.memory_space<vmem_shared>>
          tpu.enqueue_indirect_dma source(%arg14 : memref<128x16xf32, #tpu.memory_space<vmem>>) target(%dma_start3A_294 : memref<10112x16xf32, #tpu.memory_space<vmem_shared>>) offsets(%dma_start3A_291 : memref<128xi32, #tpu.memory_space<vmem>>) semaphore(%run_scoped3A : memref<!tpu.dma_semaphore, #tpu.memory_space<semaphore_mem>>) {add = true}
          %dma_wait3A_295 = arith.constant 0 : i32
          %dma_wait3A_296 = tpu.memref_slice %arg12[%scan3A_201, %dma_wait3A_295] : memref<80x128xi32, #tpu.memory_space<vmem>> -> memref<1x128xi32, #tpu.memory_space<vmem>>
          %dma_wait3A_297 = tpu.memref_squeeze %dma_wait3A_296 : memref<1x128xi32, #tpu.memory_space<vmem>> -> memref<128xi32, #tpu.memory_space<vmem>>
          %dma_wait3A_298 = arith.constant 0 : i32
          %dma_wait3A_299 = arith.constant 0 : i32
          %dma_wait3A_300 = tpu.memref_slice %arg16[%dma_wait3A_298, %dma_wait3A_299] : memref<10112x16xf32, #tpu.memory_space<vmem_shared>> -> memref<10112x16xf32, #tpu.memory_space<vmem_shared>>
          tpu.wait_indirect_dma semaphore(%run_scoped3A : memref<!tpu.dma_semaphore, #tpu.memory_space<semaphore_mem>>) src(%arg14 : memref<128x16xf32, #tpu.memory_space<vmem>>) dst(%dma_wait3A_300 : memref<10112x16xf32, #tpu.memory_space<vmem_shared>>)
          tpu.yield
        }) : () -> ()
      } else {
      }
      %eq3A_223 = arith.constant 2 : i32
      %eq3A_224 = arith.cmpi eq, %select_n3A_212, %eq3A_223 : i32
      %convert_element_type3A_225 = arith.extui %eq3A_224 : i1 to i32
      %cond3A_226 = arith.constant 0 : i32
      %cond3A_227 = arith.cmpi ne, %convert_element_type3A_225, %cond3A_226 : i32
      scf.if %cond3A_227 {
        %add3A_254 = arith.constant 4 : i32
        %add3A_255 = arith.addi %scan3A_201, %add3A_254 : i32
        %lt3A_256 = arith.constant 80 : i32
        %lt3A_257 = arith.cmpi slt, %add3A_255, %lt3A_256 : i32
        %convert_element_type3A_258 = arith.extui %lt3A_257 : i1 to i32
        %cond3A_259 = arith.constant 0 : i32
        %cond3A_260 = arith.cmpi ne, %convert_element_type3A_258, %cond3A_259 : i32
        scf.if %cond3A_260 {
          %ge3A = arith.constant 4 : i32
          %ge3A_289 = arith.cmpi sge, %scan3A_201, %ge3A : i32
          %convert_element_type3A_290 = arith.extui %ge3A_289 : i1 to i32
          %cond3A_291 = arith.constant 0 : i32
          %cond3A_292 = arith.cmpi ne, %convert_element_type3A_290, %cond3A_291 : i32
          scf.if %cond3A_292 {
            %dma_wait3A_309 = arith.constant 6 : i32
            %dma_wait3A_310 = arith.constant 0 : i32
            %dma_wait3A_311 = arith.constant 6 : i32
            %dma_wait3A_312 = arith.constant 0 : i32
            %dma_wait3A_313 = arith.constant 0 : i32
            %dma_wait3A_314 = tpu.memref_slice %arg13[%dma_wait3A_309, %dma_wait3A_312, %dma_wait3A_313] : memref<8x128x16xf32, #tpu.memory_space<vmem>> -> memref<1x128x16xf32, #tpu.memory_space<vmem>>
            %dma_wait3A_315 = tpu.memref_squeeze %dma_wait3A_314 : memref<1x128x16xf32, #tpu.memory_space<vmem>> -> memref<128x16xf32, #tpu.memory_space<vmem>>
            %dma_wait3A_316 = arith.constant 0 : i32
            %dma_wait3A_317 = tpu.memref_slice %arg12[%dma_wait3A_310, %dma_wait3A_316] : memref<80x128xi32, #tpu.memory_space<vmem>> -> memref<1x128xi32, #tpu.memory_space<vmem>>
            %dma_wait3A_318 = tpu.memref_squeeze %dma_wait3A_317 : memref<1x128xi32, #tpu.memory_space<vmem>> -> memref<128xi32, #tpu.memory_space<vmem>>
            %dma_wait3A_319 = arith.constant 0 : i32
            %dma_wait3A_320 = arith.constant 0 : i32
            %dma_wait3A_321 = tpu.memref_slice %arg15[%dma_wait3A_319, %dma_wait3A_320] : memref<10112x16xf32, #tpu.memory_space<vmem_shared>> -> memref<10112x16xf32, #tpu.memory_space<vmem_shared>>
            %dma_wait3A_322 = tpu.memref_slice %arg18[%dma_wait3A_311] : memref<8x!tpu.dma_semaphore, #tpu.memory_space<semaphore_mem>> -> memref<1x!tpu.dma_semaphore, #tpu.memory_space<semaphore_mem>>
            %dma_wait3A_323 = tpu.memref_squeeze %dma_wait3A_322 : memref<1x!tpu.dma_semaphore, #tpu.memory_space<semaphore_mem>> -> memref<!tpu.dma_semaphore, #tpu.memory_space<semaphore_mem>>
            tpu.wait_indirect_dma semaphore(%dma_wait3A_323 : memref<!tpu.dma_semaphore, #tpu.memory_space<semaphore_mem>>) src(%dma_wait3A_315 : memref<128x16xf32, #tpu.memory_space<vmem>>) dst(%dma_wait3A_321 : memref<10112x16xf32, #tpu.memory_space<vmem_shared>>)
          } else {
          }
          %add3A_293 = arith.constant 4 : i32
          %add3A_294 = arith.addi %scan3A_201, %add3A_293 : i32
          %dma_start3A_295 = arith.constant 6 : i32
          %dma_start3A_296 = arith.constant 6 : i32
          %dma_start3A_297 = arith.constant 0 : i32
          %dma_start3A_298 = arith.constant 0 : i32
          %dma_start3A_299 = tpu.memref_slice %arg13[%dma_start3A_295, %dma_start3A_297, %dma_start3A_298] : memref<8x128x16xf32, #tpu.memory_space<vmem>> -> memref<1x128x16xf32, #tpu.memory_space<vmem>>
          %dma_start3A_300 = tpu.memref_squeeze %dma_start3A_299 : memref<1x128x16xf32, #tpu.memory_space<vmem>> -> memref<128x16xf32, #tpu.memory_space<vmem>>
          %dma_start3A_301 = arith.constant 0 : i32
          %dma_start3A_302 = tpu.memref_slice %arg11[%add3A_294, %dma_start3A_301] : memref<80x128xi32, #tpu.memory_space<vmem>> -> memref<1x128xi32, #tpu.memory_space<vmem>>
          %dma_start3A_303 = tpu.memref_squeeze %dma_start3A_302 : memref<1x128xi32, #tpu.memory_space<vmem>> -> memref<128xi32, #tpu.memory_space<vmem>>
          %dma_start3A_304 = arith.constant 0 : i32
          %dma_start3A_305 = arith.constant 0 : i32
          %dma_start3A_306 = tpu.memref_slice %arg2[%dma_start3A_304, %dma_start3A_305] : memref<10000x16xf32, #tpu.memory_space<hbm>> -> memref<10000x16xf32, #tpu.memory_space<hbm>>
          %dma_start3A_307 = tpu.memref_slice %arg17[%dma_start3A_296] : memref<8x!tpu.dma_semaphore, #tpu.memory_space<semaphore_mem>> -> memref<1x!tpu.dma_semaphore, #tpu.memory_space<semaphore_mem>>
          %dma_start3A_308 = tpu.memref_squeeze %dma_start3A_307 : memref<1x!tpu.dma_semaphore, #tpu.memory_space<semaphore_mem>> -> memref<!tpu.dma_semaphore, #tpu.memory_space<semaphore_mem>>
          tpu.enqueue_indirect_dma source(%dma_start3A_306 : memref<10000x16xf32, #tpu.memory_space<hbm>>) target(%dma_start3A_300 : memref<128x16xf32, #tpu.memory_space<vmem>>) offsets(%dma_start3A_303 : memref<128xi32, #tpu.memory_space<vmem>>) semaphore(%dma_start3A_308 : memref<!tpu.dma_semaphore, #tpu.memory_space<semaphore_mem>>)
        } else {
        }
        %dma_wait3A_261 = arith.constant 2 : i32
        %dma_wait3A_262 = arith.constant 2 : i32
        %dma_wait3A_263 = arith.constant 0 : i32
        %dma_wait3A_264 = arith.constant 0 : i32
        %dma_wait3A_265 = tpu.memref_slice %arg13[%dma_wait3A_261, %dma_wait3A_263, %dma_wait3A_264] : memref<8x128x16xf32, #tpu.memory_space<vmem>> -> memref<1x128x16xf32, #tpu.memory_space<vmem>>
        %dma_wait3A_266 = tpu.memref_squeeze %dma_wait3A_265 : memref<1x128x16xf32, #tpu.memory_space<vmem>> -> memref<128x16xf32, #tpu.memory_space<vmem>>
        %dma_wait3A_267 = arith.constant 0 : i32
        %dma_wait3A_268 = tpu.memref_slice %arg11[%scan3A_201, %dma_wait3A_267] : memref<80x128xi32, #tpu.memory_space<vmem>> -> memref<1x128xi32, #tpu.memory_space<vmem>>
        %dma_wait3A_269 = tpu.memref_squeeze %dma_wait3A_268 : memref<1x128xi32, #tpu.memory_space<vmem>> -> memref<128xi32, #tpu.memory_space<vmem>>
        %dma_wait3A_270 = arith.constant 0 : i32
        %dma_wait3A_271 = arith.constant 0 : i32
        %dma_wait3A_272 = tpu.memref_slice %arg2[%dma_wait3A_270, %dma_wait3A_271] : memref<10000x16xf32, #tpu.memory_space<hbm>> -> memref<10000x16xf32, #tpu.memory_space<hbm>>
        %dma_wait3A_273 = tpu.memref_slice %arg17[%dma_wait3A_262] : memref<8x!tpu.dma_semaphore, #tpu.memory_space<semaphore_mem>> -> memref<1x!tpu.dma_semaphore, #tpu.memory_space<semaphore_mem>>
        %dma_wait3A_274 = tpu.memref_squeeze %dma_wait3A_273 : memref<1x!tpu.dma_semaphore, #tpu.memory_space<semaphore_mem>> -> memref<!tpu.dma_semaphore, #tpu.memory_space<semaphore_mem>>
        tpu.wait_indirect_dma semaphore(%dma_wait3A_274 : memref<!tpu.dma_semaphore, #tpu.memory_space<semaphore_mem>>) src(%dma_wait3A_272 : memref<10000x16xf32, #tpu.memory_space<hbm>>) dst(%dma_wait3A_266 : memref<128x16xf32, #tpu.memory_space<vmem>>)
        %dma_start3A_275 = arith.constant 2 : i32
        %dma_start3A_276 = arith.constant 2 : i32
        %dma_start3A_277 = arith.constant 0 : i32
        %dma_start3A_278 = arith.constant 0 : i32
        %dma_start3A_279 = tpu.memref_slice %arg13[%dma_start3A_275, %dma_start3A_277, %dma_start3A_278] : memref<8x128x16xf32, #tpu.memory_space<vmem>> -> memref<1x128x16xf32, #tpu.memory_space<vmem>>
        %dma_start3A_280 = tpu.memref_squeeze %dma_start3A_279 : memref<1x128x16xf32, #tpu.memory_space<vmem>> -> memref<128x16xf32, #tpu.memory_space<vmem>>
        %dma_start3A_281 = arith.constant 0 : i32
        %dma_start3A_282 = tpu.memref_slice %arg12[%scan3A_201, %dma_start3A_281] : memref<80x128xi32, #tpu.memory_space<vmem>> -> memref<1x128xi32, #tpu.memory_space<vmem>>
        %dma_start3A_283 = tpu.memref_squeeze %dma_start3A_282 : memref<1x128xi32, #tpu.memory_space<vmem>> -> memref<128xi32, #tpu.memory_space<vmem>>
        %dma_start3A_284 = arith.constant 0 : i32
        %dma_start3A_285 = arith.constant 0 : i32
        %dma_start3A_286 = tpu.memref_slice %arg15[%dma_start3A_284, %dma_start3A_285] : memref<10112x16xf32, #tpu.memory_space<vmem_shared>> -> memref<10112x16xf32, #tpu.memory_space<vmem_shared>>
        %dma_start3A_287 = tpu.memref_slice %arg18[%dma_start3A_276] : memref<8x!tpu.dma_semaphore, #tpu.memory_space<semaphore_mem>> -> memref<1x!tpu.dma_semaphore, #tpu.memory_space<semaphore_mem>>
        %dma_start3A_288 = tpu.memref_squeeze %dma_start3A_287 : memref<1x!tpu.dma_semaphore, #tpu.memory_space<semaphore_mem>> -> memref<!tpu.dma_semaphore, #tpu.memory_space<semaphore_mem>>
        tpu.enqueue_indirect_dma source(%dma_start3A_280 : memref<128x16xf32, #tpu.memory_space<vmem>>) target(%dma_start3A_286 : memref<10112x16xf32, #tpu.memory_space<vmem_shared>>) offsets(%dma_start3A_283 : memref<128xi32, #tpu.memory_space<vmem>>) semaphore(%dma_start3A_288 : memref<!tpu.dma_semaphore, #tpu.memory_space<semaphore_mem>>) {add = true}
        "tpu.region"() ({
          %run_scoped3A = tpu.sem_alloc : memref<!tpu.dma_semaphore, #tpu.memory_space<semaphore_mem>>
          %dma_start3A_289 = arith.constant 0 : i32
          %dma_start3A_290 = tpu.memref_slice %arg12[%scan3A_201, %dma_start3A_289] : memref<80x128xi32, #tpu.memory_space<vmem>> -> memref<1x128xi32, #tpu.memory_space<vmem>>
          %dma_start3A_291 = tpu.memref_squeeze %dma_start3A_290 : memref<1x128xi32, #tpu.memory_space<vmem>> -> memref<128xi32, #tpu.memory_space<vmem>>
          %dma_start3A_292 = arith.constant 0 : i32
          %dma_start3A_293 = arith.constant 0 : i32
          %dma_start3A_294 = tpu.memref_slice %arg16[%dma_start3A_292, %dma_start3A_293] : memref<10112x16xf32, #tpu.memory_space<vmem_shared>> -> memref<10112x16xf32, #tpu.memory_space<vmem_shared>>
          tpu.enqueue_indirect_dma source(%arg14 : memref<128x16xf32, #tpu.memory_space<vmem>>) target(%dma_start3A_294 : memref<10112x16xf32, #tpu.memory_space<vmem_shared>>) offsets(%dma_start3A_291 : memref<128xi32, #tpu.memory_space<vmem>>) semaphore(%run_scoped3A : memref<!tpu.dma_semaphore, #tpu.memory_space<semaphore_mem>>) {add = true}
          %dma_wait3A_295 = arith.constant 0 : i32
          %dma_wait3A_296 = tpu.memref_slice %arg12[%scan3A_201, %dma_wait3A_295] : memref<80x128xi32, #tpu.memory_space<vmem>> -> memref<1x128xi32, #tpu.memory_space<vmem>>
          %dma_wait3A_297 = tpu.memref_squeeze %dma_wait3A_296 : memref<1x128xi32, #tpu.memory_space<vmem>> -> memref<128xi32, #tpu.memory_space<vmem>>
          %dma_wait3A_298 = arith.constant 0 : i32
          %dma_wait3A_299 = arith.constant 0 : i32
          %dma_wait3A_300 = tpu.memref_slice %arg16[%dma_wait3A_298, %dma_wait3A_299] : memref<10112x16xf32, #tpu.memory_space<vmem_shared>> -> memref<10112x16xf32, #tpu.memory_space<vmem_shared>>
          tpu.wait_indirect_dma semaphore(%run_scoped3A : memref<!tpu.dma_semaphore, #tpu.memory_space<semaphore_mem>>) src(%arg14 : memref<128x16xf32, #tpu.memory_space<vmem>>) dst(%dma_wait3A_300 : memref<10112x16xf32, #tpu.memory_space<vmem_shared>>)
          tpu.yield
        }) : () -> ()
      } else {
      }
      %eq3A_228 = arith.constant 3 : i32
      %eq3A_229 = arith.cmpi eq, %select_n3A_212, %eq3A_228 : i32
      %convert_element_type3A_230 = arith.extui %eq3A_229 : i1 to i32
      %cond3A_231 = arith.constant 0 : i32
      %cond3A_232 = arith.cmpi ne, %convert_element_type3A_230, %cond3A_231 : i32
      scf.if %cond3A_232 {
        %add3A_254 = arith.constant 4 : i32
        %add3A_255 = arith.addi %scan3A_201, %add3A_254 : i32
        %lt3A_256 = arith.constant 80 : i32
        %lt3A_257 = arith.cmpi slt, %add3A_255, %lt3A_256 : i32
        %convert_element_type3A_258 = arith.extui %lt3A_257 : i1 to i32
        %cond3A_259 = arith.constant 0 : i32
        %cond3A_260 = arith.cmpi ne, %convert_element_type3A_258, %cond3A_259 : i32
        scf.if %cond3A_260 {
          %ge3A = arith.constant 4 : i32
          %ge3A_289 = arith.cmpi sge, %scan3A_201, %ge3A : i32
          %convert_element_type3A_290 = arith.extui %ge3A_289 : i1 to i32
          %cond3A_291 = arith.constant 0 : i32
          %cond3A_292 = arith.cmpi ne, %convert_element_type3A_290, %cond3A_291 : i32
          scf.if %cond3A_292 {
            %dma_wait3A_309 = arith.constant 7 : i32
            %dma_wait3A_310 = arith.constant 0 : i32
            %dma_wait3A_311 = arith.constant 7 : i32
            %dma_wait3A_312 = arith.constant 0 : i32
            %dma_wait3A_313 = arith.constant 0 : i32
            %dma_wait3A_314 = tpu.memref_slice %arg13[%dma_wait3A_309, %dma_wait3A_312, %dma_wait3A_313] : memref<8x128x16xf32, #tpu.memory_space<vmem>> -> memref<1x128x16xf32, #tpu.memory_space<vmem>>
            %dma_wait3A_315 = tpu.memref_squeeze %dma_wait3A_314 : memref<1x128x16xf32, #tpu.memory_space<vmem>> -> memref<128x16xf32, #tpu.memory_space<vmem>>
            %dma_wait3A_316 = arith.constant 0 : i32
            %dma_wait3A_317 = tpu.memref_slice %arg12[%dma_wait3A_310, %dma_wait3A_316] : memref<80x128xi32, #tpu.memory_space<vmem>> -> memref<1x128xi32, #tpu.memory_space<vmem>>
            %dma_wait3A_318 = tpu.memref_squeeze %dma_wait3A_317 : memref<1x128xi32, #tpu.memory_space<vmem>> -> memref<128xi32, #tpu.memory_space<vmem>>
            %dma_wait3A_319 = arith.constant 0 : i32
            %dma_wait3A_320 = arith.constant 0 : i32
            %dma_wait3A_321 = tpu.memref_slice %arg15[%dma_wait3A_319, %dma_wait3A_320] : memref<10112x16xf32, #tpu.memory_space<vmem_shared>> -> memref<10112x16xf32, #tpu.memory_space<vmem_shared>>
            %dma_wait3A_322 = tpu.memref_slice %arg18[%dma_wait3A_311] : memref<8x!tpu.dma_semaphore, #tpu.memory_space<semaphore_mem>> -> memref<1x!tpu.dma_semaphore, #tpu.memory_space<semaphore_mem>>
            %dma_wait3A_323 = tpu.memref_squeeze %dma_wait3A_322 : memref<1x!tpu.dma_semaphore, #tpu.memory_space<semaphore_mem>> -> memref<!tpu.dma_semaphore, #tpu.memory_space<semaphore_mem>>
            tpu.wait_indirect_dma semaphore(%dma_wait3A_323 : memref<!tpu.dma_semaphore, #tpu.memory_space<semaphore_mem>>) src(%dma_wait3A_315 : memref<128x16xf32, #tpu.memory_space<vmem>>) dst(%dma_wait3A_321 : memref<10112x16xf32, #tpu.memory_space<vmem_shared>>)
          } else {
          }
          %add3A_293 = arith.constant 4 : i32
          %add3A_294 = arith.addi %scan3A_201, %add3A_293 : i32
          %dma_start3A_295 = arith.constant 7 : i32
          %dma_start3A_296 = arith.constant 7 : i32
          %dma_start3A_297 = arith.constant 0 : i32
          %dma_start3A_298 = arith.constant 0 : i32
          %dma_start3A_299 = tpu.memref_slice %arg13[%dma_start3A_295, %dma_start3A_297, %dma_start3A_298] : memref<8x128x16xf32, #tpu.memory_space<vmem>> -> memref<1x128x16xf32, #tpu.memory_space<vmem>>
          %dma_start3A_300 = tpu.memref_squeeze %dma_start3A_299 : memref<1x128x16xf32, #tpu.memory_space<vmem>> -> memref<128x16xf32, #tpu.memory_space<vmem>>
          %dma_start3A_301 = arith.constant 0 : i32
          %dma_start3A_302 = tpu.memref_slice %arg11[%add3A_294, %dma_start3A_301] : memref<80x128xi32, #tpu.memory_space<vmem>> -> memref<1x128xi32, #tpu.memory_space<vmem>>
          %dma_start3A_303 = tpu.memref_squeeze %dma_start3A_302 : memref<1x128xi32, #tpu.memory_space<vmem>> -> memref<128xi32, #tpu.memory_space<vmem>>
          %dma_start3A_304 = arith.constant 0 : i32
          %dma_start3A_305 = arith.constant 0 : i32
          %dma_start3A_306 = tpu.memref_slice %arg2[%dma_start3A_304, %dma_start3A_305] : memref<10000x16xf32, #tpu.memory_space<hbm>> -> memref<10000x16xf32, #tpu.memory_space<hbm>>
          %dma_start3A_307 = tpu.memref_slice %arg17[%dma_start3A_296] : memref<8x!tpu.dma_semaphore, #tpu.memory_space<semaphore_mem>> -> memref<1x!tpu.dma_semaphore, #tpu.memory_space<semaphore_mem>>
          %dma_start3A_308 = tpu.memref_squeeze %dma_start3A_307 : memref<1x!tpu.dma_semaphore, #tpu.memory_space<semaphore_mem>> -> memref<!tpu.dma_semaphore, #tpu.memory_space<semaphore_mem>>
          tpu.enqueue_indirect_dma source(%dma_start3A_306 : memref<10000x16xf32, #tpu.memory_space<hbm>>) target(%dma_start3A_300 : memref<128x16xf32, #tpu.memory_space<vmem>>) offsets(%dma_start3A_303 : memref<128xi32, #tpu.memory_space<vmem>>) semaphore(%dma_start3A_308 : memref<!tpu.dma_semaphore, #tpu.memory_space<semaphore_mem>>)
        } else {
        }
        %dma_wait3A_261 = arith.constant 3 : i32
        %dma_wait3A_262 = arith.constant 3 : i32
        %dma_wait3A_263 = arith.constant 0 : i32
        %dma_wait3A_264 = arith.constant 0 : i32
        %dma_wait3A_265 = tpu.memref_slice %arg13[%dma_wait3A_261, %dma_wait3A_263, %dma_wait3A_264] : memref<8x128x16xf32, #tpu.memory_space<vmem>> -> memref<1x128x16xf32, #tpu.memory_space<vmem>>
        %dma_wait3A_266 = tpu.memref_squeeze %dma_wait3A_265 : memref<1x128x16xf32, #tpu.memory_space<vmem>> -> memref<128x16xf32, #tpu.memory_space<vmem>>
        %dma_wait3A_267 = arith.constant 0 : i32
        %dma_wait3A_268 = tpu.memref_slice %arg11[%scan3A_201, %dma_wait3A_267] : memref<80x128xi32, #tpu.memory_space<vmem>> -> memref<1x128xi32, #tpu.memory_space<vmem>>
        %dma_wait3A_269 = tpu.memref_squeeze %dma_wait3A_268 : memref<1x128xi32, #tpu.memory_space<vmem>> -> memref<128xi32, #tpu.memory_space<vmem>>
        %dma_wait3A_270 = arith.constant 0 : i32
        %dma_wait3A_271 = arith.constant 0 : i32
        %dma_wait3A_272 = tpu.memref_slice %arg2[%dma_wait3A_270, %dma_wait3A_271] : memref<10000x16xf32, #tpu.memory_space<hbm>> -> memref<10000x16xf32, #tpu.memory_space<hbm>>
        %dma_wait3A_273 = tpu.memref_slice %arg17[%dma_wait3A_262] : memref<8x!tpu.dma_semaphore, #tpu.memory_space<semaphore_mem>> -> memref<1x!tpu.dma_semaphore, #tpu.memory_space<semaphore_mem>>
        %dma_wait3A_274 = tpu.memref_squeeze %dma_wait3A_273 : memref<1x!tpu.dma_semaphore, #tpu.memory_space<semaphore_mem>> -> memref<!tpu.dma_semaphore, #tpu.memory_space<semaphore_mem>>
        tpu.wait_indirect_dma semaphore(%dma_wait3A_274 : memref<!tpu.dma_semaphore, #tpu.memory_space<semaphore_mem>>) src(%dma_wait3A_272 : memref<10000x16xf32, #tpu.memory_space<hbm>>) dst(%dma_wait3A_266 : memref<128x16xf32, #tpu.memory_space<vmem>>)
        %dma_start3A_275 = arith.constant 3 : i32
        %dma_start3A_276 = arith.constant 3 : i32
        %dma_start3A_277 = arith.constant 0 : i32
        %dma_start3A_278 = arith.constant 0 : i32
        %dma_start3A_279 = tpu.memref_slice %arg13[%dma_start3A_275, %dma_start3A_277, %dma_start3A_278] : memref<8x128x16xf32, #tpu.memory_space<vmem>> -> memref<1x128x16xf32, #tpu.memory_space<vmem>>
        %dma_start3A_280 = tpu.memref_squeeze %dma_start3A_279 : memref<1x128x16xf32, #tpu.memory_space<vmem>> -> memref<128x16xf32, #tpu.memory_space<vmem>>
        %dma_start3A_281 = arith.constant 0 : i32
        %dma_start3A_282 = tpu.memref_slice %arg12[%scan3A_201, %dma_start3A_281] : memref<80x128xi32, #tpu.memory_space<vmem>> -> memref<1x128xi32, #tpu.memory_space<vmem>>
        %dma_start3A_283 = tpu.memref_squeeze %dma_start3A_282 : memref<1x128xi32, #tpu.memory_space<vmem>> -> memref<128xi32, #tpu.memory_space<vmem>>
        %dma_start3A_284 = arith.constant 0 : i32
        %dma_start3A_285 = arith.constant 0 : i32
        %dma_start3A_286 = tpu.memref_slice %arg15[%dma_start3A_284, %dma_start3A_285] : memref<10112x16xf32, #tpu.memory_space<vmem_shared>> -> memref<10112x16xf32, #tpu.memory_space<vmem_shared>>
        %dma_start3A_287 = tpu.memref_slice %arg18[%dma_start3A_276] : memref<8x!tpu.dma_semaphore, #tpu.memory_space<semaphore_mem>> -> memref<1x!tpu.dma_semaphore, #tpu.memory_space<semaphore_mem>>
        %dma_start3A_288 = tpu.memref_squeeze %dma_start3A_287 : memref<1x!tpu.dma_semaphore, #tpu.memory_space<semaphore_mem>> -> memref<!tpu.dma_semaphore, #tpu.memory_space<semaphore_mem>>
        tpu.enqueue_indirect_dma source(%dma_start3A_280 : memref<128x16xf32, #tpu.memory_space<vmem>>) target(%dma_start3A_286 : memref<10112x16xf32, #tpu.memory_space<vmem_shared>>) offsets(%dma_start3A_283 : memref<128xi32, #tpu.memory_space<vmem>>) semaphore(%dma_start3A_288 : memref<!tpu.dma_semaphore, #tpu.memory_space<semaphore_mem>>) {add = true}
        "tpu.region"() ({
          %run_scoped3A = tpu.sem_alloc : memref<!tpu.dma_semaphore, #tpu.memory_space<semaphore_mem>>
          %dma_start3A_289 = arith.constant 0 : i32
          %dma_start3A_290 = tpu.memref_slice %arg12[%scan3A_201, %dma_start3A_289] : memref<80x128xi32, #tpu.memory_space<vmem>> -> memref<1x128xi32, #tpu.memory_space<vmem>>
          %dma_start3A_291 = tpu.memref_squeeze %dma_start3A_290 : memref<1x128xi32, #tpu.memory_space<vmem>> -> memref<128xi32, #tpu.memory_space<vmem>>
          %dma_start3A_292 = arith.constant 0 : i32
          %dma_start3A_293 = arith.constant 0 : i32
          %dma_start3A_294 = tpu.memref_slice %arg16[%dma_start3A_292, %dma_start3A_293] : memref<10112x16xf32, #tpu.memory_space<vmem_shared>> -> memref<10112x16xf32, #tpu.memory_space<vmem_shared>>
          tpu.enqueue_indirect_dma source(%arg14 : memref<128x16xf32, #tpu.memory_space<vmem>>) target(%dma_start3A_294 : memref<10112x16xf32, #tpu.memory_space<vmem_shared>>) offsets(%dma_start3A_291 : memref<128xi32, #tpu.memory_space<vmem>>) semaphore(%run_scoped3A : memref<!tpu.dma_semaphore, #tpu.memory_space<semaphore_mem>>) {add = true}
          %dma_wait3A_295 = arith.constant 0 : i32
          %dma_wait3A_296 = tpu.memref_slice %arg12[%scan3A_201, %dma_wait3A_295] : memref<80x128xi32, #tpu.memory_space<vmem>> -> memref<1x128xi32, #tpu.memory_space<vmem>>
          %dma_wait3A_297 = tpu.memref_squeeze %dma_wait3A_296 : memref<1x128xi32, #tpu.memory_space<vmem>> -> memref<128xi32, #tpu.memory_space<vmem>>
          %dma_wait3A_298 = arith.constant 0 : i32
          %dma_wait3A_299 = arith.constant 0 : i32
          %dma_wait3A_300 = tpu.memref_slice %arg16[%dma_wait3A_298, %dma_wait3A_299] : memref<10112x16xf32, #tpu.memory_space<vmem_shared>> -> memref<10112x16xf32, #tpu.memory_space<vmem_shared>>
          tpu.wait_indirect_dma semaphore(%run_scoped3A : memref<!tpu.dma_semaphore, #tpu.memory_space<semaphore_mem>>) src(%arg14 : memref<128x16xf32, #tpu.memory_space<vmem>>) dst(%dma_wait3A_300 : memref<10112x16xf32, #tpu.memory_space<vmem_shared>>)
          tpu.yield
        }) : () -> ()
      } else {
      }
      %eq3A_233 = arith.constant 4 : i32
      %eq3A_234 = arith.cmpi eq, %select_n3A_212, %eq3A_233 : i32
      %convert_element_type3A_235 = arith.extui %eq3A_234 : i1 to i32
      %cond3A_236 = arith.constant 0 : i32
      %cond3A_237 = arith.cmpi ne, %convert_element_type3A_235, %cond3A_236 : i32
      scf.if %cond3A_237 {
        %add3A_254 = arith.constant 4 : i32
        %add3A_255 = arith.addi %scan3A_201, %add3A_254 : i32
        %lt3A_256 = arith.constant 80 : i32
        %lt3A_257 = arith.cmpi slt, %add3A_255, %lt3A_256 : i32
        %convert_element_type3A_258 = arith.extui %lt3A_257 : i1 to i32
        %cond3A_259 = arith.constant 0 : i32
        %cond3A_260 = arith.cmpi ne, %convert_element_type3A_258, %cond3A_259 : i32
        scf.if %cond3A_260 {
          %ge3A = arith.constant 4 : i32
          %ge3A_289 = arith.cmpi sge, %scan3A_201, %ge3A : i32
          %convert_element_type3A_290 = arith.extui %ge3A_289 : i1 to i32
          %cond3A_291 = arith.constant 0 : i32
          %cond3A_292 = arith.cmpi ne, %convert_element_type3A_290, %cond3A_291 : i32
          scf.if %cond3A_292 {
            %dma_wait3A_309 = arith.constant 0 : i32
            %dma_wait3A_310 = arith.constant 0 : i32
            %dma_wait3A_311 = arith.constant 0 : i32
            %dma_wait3A_312 = arith.constant 0 : i32
            %dma_wait3A_313 = arith.constant 0 : i32
            %dma_wait3A_314 = tpu.memref_slice %arg13[%dma_wait3A_309, %dma_wait3A_312, %dma_wait3A_313] : memref<8x128x16xf32, #tpu.memory_space<vmem>> -> memref<1x128x16xf32, #tpu.memory_space<vmem>>
            %dma_wait3A_315 = tpu.memref_squeeze %dma_wait3A_314 : memref<1x128x16xf32, #tpu.memory_space<vmem>> -> memref<128x16xf32, #tpu.memory_space<vmem>>
            %dma_wait3A_316 = arith.constant 0 : i32
            %dma_wait3A_317 = tpu.memref_slice %arg12[%dma_wait3A_310, %dma_wait3A_316] : memref<80x128xi32, #tpu.memory_space<vmem>> -> memref<1x128xi32, #tpu.memory_space<vmem>>
            %dma_wait3A_318 = tpu.memref_squeeze %dma_wait3A_317 : memref<1x128xi32, #tpu.memory_space<vmem>> -> memref<128xi32, #tpu.memory_space<vmem>>
            %dma_wait3A_319 = arith.constant 0 : i32
            %dma_wait3A_320 = arith.constant 0 : i32
            %dma_wait3A_321 = tpu.memref_slice %arg15[%dma_wait3A_319, %dma_wait3A_320] : memref<10112x16xf32, #tpu.memory_space<vmem_shared>> -> memref<10112x16xf32, #tpu.memory_space<vmem_shared>>
            %dma_wait3A_322 = tpu.memref_slice %arg18[%dma_wait3A_311] : memref<8x!tpu.dma_semaphore, #tpu.memory_space<semaphore_mem>> -> memref<1x!tpu.dma_semaphore, #tpu.memory_space<semaphore_mem>>
            %dma_wait3A_323 = tpu.memref_squeeze %dma_wait3A_322 : memref<1x!tpu.dma_semaphore, #tpu.memory_space<semaphore_mem>> -> memref<!tpu.dma_semaphore, #tpu.memory_space<semaphore_mem>>
            tpu.wait_indirect_dma semaphore(%dma_wait3A_323 : memref<!tpu.dma_semaphore, #tpu.memory_space<semaphore_mem>>) src(%dma_wait3A_315 : memref<128x16xf32, #tpu.memory_space<vmem>>) dst(%dma_wait3A_321 : memref<10112x16xf32, #tpu.memory_space<vmem_shared>>)
          } else {
          }
          %add3A_293 = arith.constant 4 : i32
          %add3A_294 = arith.addi %scan3A_201, %add3A_293 : i32
          %dma_start3A_295 = arith.constant 0 : i32
          %dma_start3A_296 = arith.constant 0 : i32
          %dma_start3A_297 = arith.constant 0 : i32
          %dma_start3A_298 = arith.constant 0 : i32
          %dma_start3A_299 = tpu.memref_slice %arg13[%dma_start3A_295, %dma_start3A_297, %dma_start3A_298] : memref<8x128x16xf32, #tpu.memory_space<vmem>> -> memref<1x128x16xf32, #tpu.memory_space<vmem>>
          %dma_start3A_300 = tpu.memref_squeeze %dma_start3A_299 : memref<1x128x16xf32, #tpu.memory_space<vmem>> -> memref<128x16xf32, #tpu.memory_space<vmem>>
          %dma_start3A_301 = arith.constant 0 : i32
          %dma_start3A_302 = tpu.memref_slice %arg11[%add3A_294, %dma_start3A_301] : memref<80x128xi32, #tpu.memory_space<vmem>> -> memref<1x128xi32, #tpu.memory_space<vmem>>
          %dma_start3A_303 = tpu.memref_squeeze %dma_start3A_302 : memref<1x128xi32, #tpu.memory_space<vmem>> -> memref<128xi32, #tpu.memory_space<vmem>>
          %dma_start3A_304 = arith.constant 0 : i32
          %dma_start3A_305 = arith.constant 0 : i32
          %dma_start3A_306 = tpu.memref_slice %arg2[%dma_start3A_304, %dma_start3A_305] : memref<10000x16xf32, #tpu.memory_space<hbm>> -> memref<10000x16xf32, #tpu.memory_space<hbm>>
          %dma_start3A_307 = tpu.memref_slice %arg17[%dma_start3A_296] : memref<8x!tpu.dma_semaphore, #tpu.memory_space<semaphore_mem>> -> memref<1x!tpu.dma_semaphore, #tpu.memory_space<semaphore_mem>>
          %dma_start3A_308 = tpu.memref_squeeze %dma_start3A_307 : memref<1x!tpu.dma_semaphore, #tpu.memory_space<semaphore_mem>> -> memref<!tpu.dma_semaphore, #tpu.memory_space<semaphore_mem>>
          tpu.enqueue_indirect_dma source(%dma_start3A_306 : memref<10000x16xf32, #tpu.memory_space<hbm>>) target(%dma_start3A_300 : memref<128x16xf32, #tpu.memory_space<vmem>>) offsets(%dma_start3A_303 : memref<128xi32, #tpu.memory_space<vmem>>) semaphore(%dma_start3A_308 : memref<!tpu.dma_semaphore, #tpu.memory_space<semaphore_mem>>)
        } else {
        }
        %dma_wait3A_261 = arith.constant 4 : i32
        %dma_wait3A_262 = arith.constant 4 : i32
        %dma_wait3A_263 = arith.constant 0 : i32
        %dma_wait3A_264 = arith.constant 0 : i32
        %dma_wait3A_265 = tpu.memref_slice %arg13[%dma_wait3A_261, %dma_wait3A_263, %dma_wait3A_264] : memref<8x128x16xf32, #tpu.memory_space<vmem>> -> memref<1x128x16xf32, #tpu.memory_space<vmem>>
        %dma_wait3A_266 = tpu.memref_squeeze %dma_wait3A_265 : memref<1x128x16xf32, #tpu.memory_space<vmem>> -> memref<128x16xf32, #tpu.memory_space<vmem>>
        %dma_wait3A_267 = arith.constant 0 : i32
        %dma_wait3A_268 = tpu.memref_slice %arg11[%scan3A_201, %dma_wait3A_267] : memref<80x128xi32, #tpu.memory_space<vmem>> -> memref<1x128xi32, #tpu.memory_space<vmem>>
        %dma_wait3A_269 = tpu.memref_squeeze %dma_wait3A_268 : memref<1x128xi32, #tpu.memory_space<vmem>> -> memref<128xi32, #tpu.memory_space<vmem>>
        %dma_wait3A_270 = arith.constant 0 : i32
        %dma_wait3A_271 = arith.constant 0 : i32
        %dma_wait3A_272 = tpu.memref_slice %arg2[%dma_wait3A_270, %dma_wait3A_271] : memref<10000x16xf32, #tpu.memory_space<hbm>> -> memref<10000x16xf32, #tpu.memory_space<hbm>>
        %dma_wait3A_273 = tpu.memref_slice %arg17[%dma_wait3A_262] : memref<8x!tpu.dma_semaphore, #tpu.memory_space<semaphore_mem>> -> memref<1x!tpu.dma_semaphore, #tpu.memory_space<semaphore_mem>>
        %dma_wait3A_274 = tpu.memref_squeeze %dma_wait3A_273 : memref<1x!tpu.dma_semaphore, #tpu.memory_space<semaphore_mem>> -> memref<!tpu.dma_semaphore, #tpu.memory_space<semaphore_mem>>
        tpu.wait_indirect_dma semaphore(%dma_wait3A_274 : memref<!tpu.dma_semaphore, #tpu.memory_space<semaphore_mem>>) src(%dma_wait3A_272 : memref<10000x16xf32, #tpu.memory_space<hbm>>) dst(%dma_wait3A_266 : memref<128x16xf32, #tpu.memory_space<vmem>>)
        %dma_start3A_275 = arith.constant 4 : i32
        %dma_start3A_276 = arith.constant 4 : i32
        %dma_start3A_277 = arith.constant 0 : i32
        %dma_start3A_278 = arith.constant 0 : i32
        %dma_start3A_279 = tpu.memref_slice %arg13[%dma_start3A_275, %dma_start3A_277, %dma_start3A_278] : memref<8x128x16xf32, #tpu.memory_space<vmem>> -> memref<1x128x16xf32, #tpu.memory_space<vmem>>
        %dma_start3A_280 = tpu.memref_squeeze %dma_start3A_279 : memref<1x128x16xf32, #tpu.memory_space<vmem>> -> memref<128x16xf32, #tpu.memory_space<vmem>>
        %dma_start3A_281 = arith.constant 0 : i32
        %dma_start3A_282 = tpu.memref_slice %arg12[%scan3A_201, %dma_start3A_281] : memref<80x128xi32, #tpu.memory_space<vmem>> -> memref<1x128xi32, #tpu.memory_space<vmem>>
        %dma_start3A_283 = tpu.memref_squeeze %dma_start3A_282 : memref<1x128xi32, #tpu.memory_space<vmem>> -> memref<128xi32, #tpu.memory_space<vmem>>
        %dma_start3A_284 = arith.constant 0 : i32
        %dma_start3A_285 = arith.constant 0 : i32
        %dma_start3A_286 = tpu.memref_slice %arg15[%dma_start3A_284, %dma_start3A_285] : memref<10112x16xf32, #tpu.memory_space<vmem_shared>> -> memref<10112x16xf32, #tpu.memory_space<vmem_shared>>
        %dma_start3A_287 = tpu.memref_slice %arg18[%dma_start3A_276] : memref<8x!tpu.dma_semaphore, #tpu.memory_space<semaphore_mem>> -> memref<1x!tpu.dma_semaphore, #tpu.memory_space<semaphore_mem>>
        %dma_start3A_288 = tpu.memref_squeeze %dma_start3A_287 : memref<1x!tpu.dma_semaphore, #tpu.memory_space<semaphore_mem>> -> memref<!tpu.dma_semaphore, #tpu.memory_space<semaphore_mem>>
        tpu.enqueue_indirect_dma source(%dma_start3A_280 : memref<128x16xf32, #tpu.memory_space<vmem>>) target(%dma_start3A_286 : memref<10112x16xf32, #tpu.memory_space<vmem_shared>>) offsets(%dma_start3A_283 : memref<128xi32, #tpu.memory_space<vmem>>) semaphore(%dma_start3A_288 : memref<!tpu.dma_semaphore, #tpu.memory_space<semaphore_mem>>) {add = true}
        "tpu.region"() ({
          %run_scoped3A = tpu.sem_alloc : memref<!tpu.dma_semaphore, #tpu.memory_space<semaphore_mem>>
          %dma_start3A_289 = arith.constant 0 : i32
          %dma_start3A_290 = tpu.memref_slice %arg12[%scan3A_201, %dma_start3A_289] : memref<80x128xi32, #tpu.memory_space<vmem>> -> memref<1x128xi32, #tpu.memory_space<vmem>>
          %dma_start3A_291 = tpu.memref_squeeze %dma_start3A_290 : memref<1x128xi32, #tpu.memory_space<vmem>> -> memref<128xi32, #tpu.memory_space<vmem>>
          %dma_start3A_292 = arith.constant 0 : i32
          %dma_start3A_293 = arith.constant 0 : i32
          %dma_start3A_294 = tpu.memref_slice %arg16[%dma_start3A_292, %dma_start3A_293] : memref<10112x16xf32, #tpu.memory_space<vmem_shared>> -> memref<10112x16xf32, #tpu.memory_space<vmem_shared>>
          tpu.enqueue_indirect_dma source(%arg14 : memref<128x16xf32, #tpu.memory_space<vmem>>) target(%dma_start3A_294 : memref<10112x16xf32, #tpu.memory_space<vmem_shared>>) offsets(%dma_start3A_291 : memref<128xi32, #tpu.memory_space<vmem>>) semaphore(%run_scoped3A : memref<!tpu.dma_semaphore, #tpu.memory_space<semaphore_mem>>) {add = true}
          %dma_wait3A_295 = arith.constant 0 : i32
          %dma_wait3A_296 = tpu.memref_slice %arg12[%scan3A_201, %dma_wait3A_295] : memref<80x128xi32, #tpu.memory_space<vmem>> -> memref<1x128xi32, #tpu.memory_space<vmem>>
          %dma_wait3A_297 = tpu.memref_squeeze %dma_wait3A_296 : memref<1x128xi32, #tpu.memory_space<vmem>> -> memref<128xi32, #tpu.memory_space<vmem>>
          %dma_wait3A_298 = arith.constant 0 : i32
          %dma_wait3A_299 = arith.constant 0 : i32
          %dma_wait3A_300 = tpu.memref_slice %arg16[%dma_wait3A_298, %dma_wait3A_299] : memref<10112x16xf32, #tpu.memory_space<vmem_shared>> -> memref<10112x16xf32, #tpu.memory_space<vmem_shared>>
          tpu.wait_indirect_dma semaphore(%run_scoped3A : memref<!tpu.dma_semaphore, #tpu.memory_space<semaphore_mem>>) src(%arg14 : memref<128x16xf32, #tpu.memory_space<vmem>>) dst(%dma_wait3A_300 : memref<10112x16xf32, #tpu.memory_space<vmem_shared>>)
          tpu.yield
        }) : () -> ()
      } else {
      }
      %eq3A_238 = arith.constant 5 : i32
      %eq3A_239 = arith.cmpi eq, %select_n3A_212, %eq3A_238 : i32
      %convert_element_type3A_240 = arith.extui %eq3A_239 : i1 to i32
      %cond3A_241 = arith.constant 0 : i32
      %cond3A_242 = arith.cmpi ne, %convert_element_type3A_240, %cond3A_241 : i32
      scf.if %cond3A_242 {
        %add3A_254 = arith.constant 4 : i32
        %add3A_255 = arith.addi %scan3A_201, %add3A_254 : i32
        %lt3A_256 = arith.constant 80 : i32
        %lt3A_257 = arith.cmpi slt, %add3A_255, %lt3A_256 : i32
        %convert_element_type3A_258 = arith.extui %lt3A_257 : i1 to i32
        %cond3A_259 = arith.constant 0 : i32
        %cond3A_260 = arith.cmpi ne, %convert_element_type3A_258, %cond3A_259 : i32
        scf.if %cond3A_260 {
          %ge3A = arith.constant 4 : i32
          %ge3A_289 = arith.cmpi sge, %scan3A_201, %ge3A : i32
          %convert_element_type3A_290 = arith.extui %ge3A_289 : i1 to i32
          %cond3A_291 = arith.constant 0 : i32
          %cond3A_292 = arith.cmpi ne, %convert_element_type3A_290, %cond3A_291 : i32
          scf.if %cond3A_292 {
            %dma_wait3A_309 = arith.constant 1 : i32
            %dma_wait3A_310 = arith.constant 0 : i32
            %dma_wait3A_311 = arith.constant 1 : i32
            %dma_wait3A_312 = arith.constant 0 : i32
            %dma_wait3A_313 = arith.constant 0 : i32
            %dma_wait3A_314 = tpu.memref_slice %arg13[%dma_wait3A_309, %dma_wait3A_312, %dma_wait3A_313] : memref<8x128x16xf32, #tpu.memory_space<vmem>> -> memref<1x128x16xf32, #tpu.memory_space<vmem>>
            %dma_wait3A_315 = tpu.memref_squeeze %dma_wait3A_314 : memref<1x128x16xf32, #tpu.memory_space<vmem>> -> memref<128x16xf32, #tpu.memory_space<vmem>>
            %dma_wait3A_316 = arith.constant 0 : i32
            %dma_wait3A_317 = tpu.memref_slice %arg12[%dma_wait3A_310, %dma_wait3A_316] : memref<80x128xi32, #tpu.memory_space<vmem>> -> memref<1x128xi32, #tpu.memory_space<vmem>>
            %dma_wait3A_318 = tpu.memref_squeeze %dma_wait3A_317 : memref<1x128xi32, #tpu.memory_space<vmem>> -> memref<128xi32, #tpu.memory_space<vmem>>
            %dma_wait3A_319 = arith.constant 0 : i32
            %dma_wait3A_320 = arith.constant 0 : i32
            %dma_wait3A_321 = tpu.memref_slice %arg15[%dma_wait3A_319, %dma_wait3A_320] : memref<10112x16xf32, #tpu.memory_space<vmem_shared>> -> memref<10112x16xf32, #tpu.memory_space<vmem_shared>>
            %dma_wait3A_322 = tpu.memref_slice %arg18[%dma_wait3A_311] : memref<8x!tpu.dma_semaphore, #tpu.memory_space<semaphore_mem>> -> memref<1x!tpu.dma_semaphore, #tpu.memory_space<semaphore_mem>>
            %dma_wait3A_323 = tpu.memref_squeeze %dma_wait3A_322 : memref<1x!tpu.dma_semaphore, #tpu.memory_space<semaphore_mem>> -> memref<!tpu.dma_semaphore, #tpu.memory_space<semaphore_mem>>
            tpu.wait_indirect_dma semaphore(%dma_wait3A_323 : memref<!tpu.dma_semaphore, #tpu.memory_space<semaphore_mem>>) src(%dma_wait3A_315 : memref<128x16xf32, #tpu.memory_space<vmem>>) dst(%dma_wait3A_321 : memref<10112x16xf32, #tpu.memory_space<vmem_shared>>)
          } else {
          }
          %add3A_293 = arith.constant 4 : i32
          %add3A_294 = arith.addi %scan3A_201, %add3A_293 : i32
          %dma_start3A_295 = arith.constant 1 : i32
          %dma_start3A_296 = arith.constant 1 : i32
          %dma_start3A_297 = arith.constant 0 : i32
          %dma_start3A_298 = arith.constant 0 : i32
          %dma_start3A_299 = tpu.memref_slice %arg13[%dma_start3A_295, %dma_start3A_297, %dma_start3A_298] : memref<8x128x16xf32, #tpu.memory_space<vmem>> -> memref<1x128x16xf32, #tpu.memory_space<vmem>>
          %dma_start3A_300 = tpu.memref_squeeze %dma_start3A_299 : memref<1x128x16xf32, #tpu.memory_space<vmem>> -> memref<128x16xf32, #tpu.memory_space<vmem>>
          %dma_start3A_301 = arith.constant 0 : i32
          %dma_start3A_302 = tpu.memref_slice %arg11[%add3A_294, %dma_start3A_301] : memref<80x128xi32, #tpu.memory_space<vmem>> -> memref<1x128xi32, #tpu.memory_space<vmem>>
          %dma_start3A_303 = tpu.memref_squeeze %dma_start3A_302 : memref<1x128xi32, #tpu.memory_space<vmem>> -> memref<128xi32, #tpu.memory_space<vmem>>
          %dma_start3A_304 = arith.constant 0 : i32
          %dma_start3A_305 = arith.constant 0 : i32
          %dma_start3A_306 = tpu.memref_slice %arg2[%dma_start3A_304, %dma_start3A_305] : memref<10000x16xf32, #tpu.memory_space<hbm>> -> memref<10000x16xf32, #tpu.memory_space<hbm>>
          %dma_start3A_307 = tpu.memref_slice %arg17[%dma_start3A_296] : memref<8x!tpu.dma_semaphore, #tpu.memory_space<semaphore_mem>> -> memref<1x!tpu.dma_semaphore, #tpu.memory_space<semaphore_mem>>
          %dma_start3A_308 = tpu.memref_squeeze %dma_start3A_307 : memref<1x!tpu.dma_semaphore, #tpu.memory_space<semaphore_mem>> -> memref<!tpu.dma_semaphore, #tpu.memory_space<semaphore_mem>>
          tpu.enqueue_indirect_dma source(%dma_start3A_306 : memref<10000x16xf32, #tpu.memory_space<hbm>>) target(%dma_start3A_300 : memref<128x16xf32, #tpu.memory_space<vmem>>) offsets(%dma_start3A_303 : memref<128xi32, #tpu.memory_space<vmem>>) semaphore(%dma_start3A_308 : memref<!tpu.dma_semaphore, #tpu.memory_space<semaphore_mem>>)
        } else {
        }
        %dma_wait3A_261 = arith.constant 5 : i32
        %dma_wait3A_262 = arith.constant 5 : i32
        %dma_wait3A_263 = arith.constant 0 : i32
        %dma_wait3A_264 = arith.constant 0 : i32
        %dma_wait3A_265 = tpu.memref_slice %arg13[%dma_wait3A_261, %dma_wait3A_263, %dma_wait3A_264] : memref<8x128x16xf32, #tpu.memory_space<vmem>> -> memref<1x128x16xf32, #tpu.memory_space<vmem>>
        %dma_wait3A_266 = tpu.memref_squeeze %dma_wait3A_265 : memref<1x128x16xf32, #tpu.memory_space<vmem>> -> memref<128x16xf32, #tpu.memory_space<vmem>>
        %dma_wait3A_267 = arith.constant 0 : i32
        %dma_wait3A_268 = tpu.memref_slice %arg11[%scan3A_201, %dma_wait3A_267] : memref<80x128xi32, #tpu.memory_space<vmem>> -> memref<1x128xi32, #tpu.memory_space<vmem>>
        %dma_wait3A_269 = tpu.memref_squeeze %dma_wait3A_268 : memref<1x128xi32, #tpu.memory_space<vmem>> -> memref<128xi32, #tpu.memory_space<vmem>>
        %dma_wait3A_270 = arith.constant 0 : i32
        %dma_wait3A_271 = arith.constant 0 : i32
        %dma_wait3A_272 = tpu.memref_slice %arg2[%dma_wait3A_270, %dma_wait3A_271] : memref<10000x16xf32, #tpu.memory_space<hbm>> -> memref<10000x16xf32, #tpu.memory_space<hbm>>
        %dma_wait3A_273 = tpu.memref_slice %arg17[%dma_wait3A_262] : memref<8x!tpu.dma_semaphore, #tpu.memory_space<semaphore_mem>> -> memref<1x!tpu.dma_semaphore, #tpu.memory_space<semaphore_mem>>
        %dma_wait3A_274 = tpu.memref_squeeze %dma_wait3A_273 : memref<1x!tpu.dma_semaphore, #tpu.memory_space<semaphore_mem>> -> memref<!tpu.dma_semaphore, #tpu.memory_space<semaphore_mem>>
        tpu.wait_indirect_dma semaphore(%dma_wait3A_274 : memref<!tpu.dma_semaphore, #tpu.memory_space<semaphore_mem>>) src(%dma_wait3A_272 : memref<10000x16xf32, #tpu.memory_space<hbm>>) dst(%dma_wait3A_266 : memref<128x16xf32, #tpu.memory_space<vmem>>)
        %dma_start3A_275 = arith.constant 5 : i32
        %dma_start3A_276 = arith.constant 5 : i32
        %dma_start3A_277 = arith.constant 0 : i32
        %dma_start3A_278 = arith.constant 0 : i32
        %dma_start3A_279 = tpu.memref_slice %arg13[%dma_start3A_275, %dma_start3A_277, %dma_start3A_278] : memref<8x128x16xf32, #tpu.memory_space<vmem>> -> memref<1x128x16xf32, #tpu.memory_space<vmem>>
        %dma_start3A_280 = tpu.memref_squeeze %dma_start3A_279 : memref<1x128x16xf32, #tpu.memory_space<vmem>> -> memref<128x16xf32, #tpu.memory_space<vmem>>
        %dma_start3A_281 = arith.constant 0 : i32
        %dma_start3A_282 = tpu.memref_slice %arg12[%scan3A_201, %dma_start3A_281] : memref<80x128xi32, #tpu.memory_space<vmem>> -> memref<1x128xi32, #tpu.memory_space<vmem>>
        %dma_start3A_283 = tpu.memref_squeeze %dma_start3A_282 : memref<1x128xi32, #tpu.memory_space<vmem>> -> memref<128xi32, #tpu.memory_space<vmem>>
        %dma_start3A_284 = arith.constant 0 : i32
        %dma_start3A_285 = arith.constant 0 : i32
        %dma_start3A_286 = tpu.memref_slice %arg15[%dma_start3A_284, %dma_start3A_285] : memref<10112x16xf32, #tpu.memory_space<vmem_shared>> -> memref<10112x16xf32, #tpu.memory_space<vmem_shared>>
        %dma_start3A_287 = tpu.memref_slice %arg18[%dma_start3A_276] : memref<8x!tpu.dma_semaphore, #tpu.memory_space<semaphore_mem>> -> memref<1x!tpu.dma_semaphore, #tpu.memory_space<semaphore_mem>>
        %dma_start3A_288 = tpu.memref_squeeze %dma_start3A_287 : memref<1x!tpu.dma_semaphore, #tpu.memory_space<semaphore_mem>> -> memref<!tpu.dma_semaphore, #tpu.memory_space<semaphore_mem>>
        tpu.enqueue_indirect_dma source(%dma_start3A_280 : memref<128x16xf32, #tpu.memory_space<vmem>>) target(%dma_start3A_286 : memref<10112x16xf32, #tpu.memory_space<vmem_shared>>) offsets(%dma_start3A_283 : memref<128xi32, #tpu.memory_space<vmem>>) semaphore(%dma_start3A_288 : memref<!tpu.dma_semaphore, #tpu.memory_space<semaphore_mem>>) {add = true}
        "tpu.region"() ({
          %run_scoped3A = tpu.sem_alloc : memref<!tpu.dma_semaphore, #tpu.memory_space<semaphore_mem>>
          %dma_start3A_289 = arith.constant 0 : i32
          %dma_start3A_290 = tpu.memref_slice %arg12[%scan3A_201, %dma_start3A_289] : memref<80x128xi32, #tpu.memory_space<vmem>> -> memref<1x128xi32, #tpu.memory_space<vmem>>
          %dma_start3A_291 = tpu.memref_squeeze %dma_start3A_290 : memref<1x128xi32, #tpu.memory_space<vmem>> -> memref<128xi32, #tpu.memory_space<vmem>>
          %dma_start3A_292 = arith.constant 0 : i32
          %dma_start3A_293 = arith.constant 0 : i32
          %dma_start3A_294 = tpu.memref_slice %arg16[%dma_start3A_292, %dma_start3A_293] : memref<10112x16xf32, #tpu.memory_space<vmem_shared>> -> memref<10112x16xf32, #tpu.memory_space<vmem_shared>>
          tpu.enqueue_indirect_dma source(%arg14 : memref<128x16xf32, #tpu.memory_space<vmem>>) target(%dma_start3A_294 : memref<10112x16xf32, #tpu.memory_space<vmem_shared>>) offsets(%dma_start3A_291 : memref<128xi32, #tpu.memory_space<vmem>>) semaphore(%run_scoped3A : memref<!tpu.dma_semaphore, #tpu.memory_space<semaphore_mem>>) {add = true}
          %dma_wait3A_295 = arith.constant 0 : i32
          %dma_wait3A_296 = tpu.memref_slice %arg12[%scan3A_201, %dma_wait3A_295] : memref<80x128xi32, #tpu.memory_space<vmem>> -> memref<1x128xi32, #tpu.memory_space<vmem>>
          %dma_wait3A_297 = tpu.memref_squeeze %dma_wait3A_296 : memref<1x128xi32, #tpu.memory_space<vmem>> -> memref<128xi32, #tpu.memory_space<vmem>>
          %dma_wait3A_298 = arith.constant 0 : i32
          %dma_wait3A_299 = arith.constant 0 : i32
          %dma_wait3A_300 = tpu.memref_slice %arg16[%dma_wait3A_298, %dma_wait3A_299] : memref<10112x16xf32, #tpu.memory_space<vmem_shared>> -> memref<10112x16xf32, #tpu.memory_space<vmem_shared>>
          tpu.wait_indirect_dma semaphore(%run_scoped3A : memref<!tpu.dma_semaphore, #tpu.memory_space<semaphore_mem>>) src(%arg14 : memref<128x16xf32, #tpu.memory_space<vmem>>) dst(%dma_wait3A_300 : memref<10112x16xf32, #tpu.memory_space<vmem_shared>>)
          tpu.yield
        }) : () -> ()
      } else {
      }
      %eq3A_243 = arith.constant 6 : i32
      %eq3A_244 = arith.cmpi eq, %select_n3A_212, %eq3A_243 : i32
      %convert_element_type3A_245 = arith.extui %eq3A_244 : i1 to i32
      %cond3A_246 = arith.constant 0 : i32
      %cond3A_247 = arith.cmpi ne, %convert_element_type3A_245, %cond3A_246 : i32
      scf.if %cond3A_247 {
        %add3A_254 = arith.constant 4 : i32
        %add3A_255 = arith.addi %scan3A_201, %add3A_254 : i32
        %lt3A_256 = arith.constant 80 : i32
        %lt3A_257 = arith.cmpi slt, %add3A_255, %lt3A_256 : i32
        %convert_element_type3A_258 = arith.extui %lt3A_257 : i1 to i32
        %cond3A_259 = arith.constant 0 : i32
        %cond3A_260 = arith.cmpi ne, %convert_element_type3A_258, %cond3A_259 : i32
        scf.if %cond3A_260 {
          %ge3A = arith.constant 4 : i32
          %ge3A_289 = arith.cmpi sge, %scan3A_201, %ge3A : i32
          %convert_element_type3A_290 = arith.extui %ge3A_289 : i1 to i32
          %cond3A_291 = arith.constant 0 : i32
          %cond3A_292 = arith.cmpi ne, %convert_element_type3A_290, %cond3A_291 : i32
          scf.if %cond3A_292 {
            %dma_wait3A_309 = arith.constant 2 : i32
            %dma_wait3A_310 = arith.constant 0 : i32
            %dma_wait3A_311 = arith.constant 2 : i32
            %dma_wait3A_312 = arith.constant 0 : i32
            %dma_wait3A_313 = arith.constant 0 : i32
            %dma_wait3A_314 = tpu.memref_slice %arg13[%dma_wait3A_309, %dma_wait3A_312, %dma_wait3A_313] : memref<8x128x16xf32, #tpu.memory_space<vmem>> -> memref<1x128x16xf32, #tpu.memory_space<vmem>>
            %dma_wait3A_315 = tpu.memref_squeeze %dma_wait3A_314 : memref<1x128x16xf32, #tpu.memory_space<vmem>> -> memref<128x16xf32, #tpu.memory_space<vmem>>
            %dma_wait3A_316 = arith.constant 0 : i32
            %dma_wait3A_317 = tpu.memref_slice %arg12[%dma_wait3A_310, %dma_wait3A_316] : memref<80x128xi32, #tpu.memory_space<vmem>> -> memref<1x128xi32, #tpu.memory_space<vmem>>
            %dma_wait3A_318 = tpu.memref_squeeze %dma_wait3A_317 : memref<1x128xi32, #tpu.memory_space<vmem>> -> memref<128xi32, #tpu.memory_space<vmem>>
            %dma_wait3A_319 = arith.constant 0 : i32
            %dma_wait3A_320 = arith.constant 0 : i32
            %dma_wait3A_321 = tpu.memref_slice %arg15[%dma_wait3A_319, %dma_wait3A_320] : memref<10112x16xf32, #tpu.memory_space<vmem_shared>> -> memref<10112x16xf32, #tpu.memory_space<vmem_shared>>
            %dma_wait3A_322 = tpu.memref_slice %arg18[%dma_wait3A_311] : memref<8x!tpu.dma_semaphore, #tpu.memory_space<semaphore_mem>> -> memref<1x!tpu.dma_semaphore, #tpu.memory_space<semaphore_mem>>
            %dma_wait3A_323 = tpu.memref_squeeze %dma_wait3A_322 : memref<1x!tpu.dma_semaphore, #tpu.memory_space<semaphore_mem>> -> memref<!tpu.dma_semaphore, #tpu.memory_space<semaphore_mem>>
            tpu.wait_indirect_dma semaphore(%dma_wait3A_323 : memref<!tpu.dma_semaphore, #tpu.memory_space<semaphore_mem>>) src(%dma_wait3A_315 : memref<128x16xf32, #tpu.memory_space<vmem>>) dst(%dma_wait3A_321 : memref<10112x16xf32, #tpu.memory_space<vmem_shared>>)
          } else {
          }
          %add3A_293 = arith.constant 4 : i32
          %add3A_294 = arith.addi %scan3A_201, %add3A_293 : i32
          %dma_start3A_295 = arith.constant 2 : i32
          %dma_start3A_296 = arith.constant 2 : i32
          %dma_start3A_297 = arith.constant 0 : i32
          %dma_start3A_298 = arith.constant 0 : i32
          %dma_start3A_299 = tpu.memref_slice %arg13[%dma_start3A_295, %dma_start3A_297, %dma_start3A_298] : memref<8x128x16xf32, #tpu.memory_space<vmem>> -> memref<1x128x16xf32, #tpu.memory_space<vmem>>
          %dma_start3A_300 = tpu.memref_squeeze %dma_start3A_299 : memref<1x128x16xf32, #tpu.memory_space<vmem>> -> memref<128x16xf32, #tpu.memory_space<vmem>>
          %dma_start3A_301 = arith.constant 0 : i32
          %dma_start3A_302 = tpu.memref_slice %arg11[%add3A_294, %dma_start3A_301] : memref<80x128xi32, #tpu.memory_space<vmem>> -> memref<1x128xi32, #tpu.memory_space<vmem>>
          %dma_start3A_303 = tpu.memref_squeeze %dma_start3A_302 : memref<1x128xi32, #tpu.memory_space<vmem>> -> memref<128xi32, #tpu.memory_space<vmem>>
          %dma_start3A_304 = arith.constant 0 : i32
          %dma_start3A_305 = arith.constant 0 : i32
          %dma_start3A_306 = tpu.memref_slice %arg2[%dma_start3A_304, %dma_start3A_305] : memref<10000x16xf32, #tpu.memory_space<hbm>> -> memref<10000x16xf32, #tpu.memory_space<hbm>>
          %dma_start3A_307 = tpu.memref_slice %arg17[%dma_start3A_296] : memref<8x!tpu.dma_semaphore, #tpu.memory_space<semaphore_mem>> -> memref<1x!tpu.dma_semaphore, #tpu.memory_space<semaphore_mem>>
          %dma_start3A_308 = tpu.memref_squeeze %dma_start3A_307 : memref<1x!tpu.dma_semaphore, #tpu.memory_space<semaphore_mem>> -> memref<!tpu.dma_semaphore, #tpu.memory_space<semaphore_mem>>
          tpu.enqueue_indirect_dma source(%dma_start3A_306 : memref<10000x16xf32, #tpu.memory_space<hbm>>) target(%dma_start3A_300 : memref<128x16xf32, #tpu.memory_space<vmem>>) offsets(%dma_start3A_303 : memref<128xi32, #tpu.memory_space<vmem>>) semaphore(%dma_start3A_308 : memref<!tpu.dma_semaphore, #tpu.memory_space<semaphore_mem>>)
        } else {
        }
        %dma_wait3A_261 = arith.constant 6 : i32
        %dma_wait3A_262 = arith.constant 6 : i32
        %dma_wait3A_263 = arith.constant 0 : i32
        %dma_wait3A_264 = arith.constant 0 : i32
        %dma_wait3A_265 = tpu.memref_slice %arg13[%dma_wait3A_261, %dma_wait3A_263, %dma_wait3A_264] : memref<8x128x16xf32, #tpu.memory_space<vmem>> -> memref<1x128x16xf32, #tpu.memory_space<vmem>>
        %dma_wait3A_266 = tpu.memref_squeeze %dma_wait3A_265 : memref<1x128x16xf32, #tpu.memory_space<vmem>> -> memref<128x16xf32, #tpu.memory_space<vmem>>
        %dma_wait3A_267 = arith.constant 0 : i32
        %dma_wait3A_268 = tpu.memref_slice %arg11[%scan3A_201, %dma_wait3A_267] : memref<80x128xi32, #tpu.memory_space<vmem>> -> memref<1x128xi32, #tpu.memory_space<vmem>>
        %dma_wait3A_269 = tpu.memref_squeeze %dma_wait3A_268 : memref<1x128xi32, #tpu.memory_space<vmem>> -> memref<128xi32, #tpu.memory_space<vmem>>
        %dma_wait3A_270 = arith.constant 0 : i32
        %dma_wait3A_271 = arith.constant 0 : i32
        %dma_wait3A_272 = tpu.memref_slice %arg2[%dma_wait3A_270, %dma_wait3A_271] : memref<10000x16xf32, #tpu.memory_space<hbm>> -> memref<10000x16xf32, #tpu.memory_space<hbm>>
        %dma_wait3A_273 = tpu.memref_slice %arg17[%dma_wait3A_262] : memref<8x!tpu.dma_semaphore, #tpu.memory_space<semaphore_mem>> -> memref<1x!tpu.dma_semaphore, #tpu.memory_space<semaphore_mem>>
        %dma_wait3A_274 = tpu.memref_squeeze %dma_wait3A_273 : memref<1x!tpu.dma_semaphore, #tpu.memory_space<semaphore_mem>> -> memref<!tpu.dma_semaphore, #tpu.memory_space<semaphore_mem>>
        tpu.wait_indirect_dma semaphore(%dma_wait3A_274 : memref<!tpu.dma_semaphore, #tpu.memory_space<semaphore_mem>>) src(%dma_wait3A_272 : memref<10000x16xf32, #tpu.memory_space<hbm>>) dst(%dma_wait3A_266 : memref<128x16xf32, #tpu.memory_space<vmem>>)
        %dma_start3A_275 = arith.constant 6 : i32
        %dma_start3A_276 = arith.constant 6 : i32
        %dma_start3A_277 = arith.constant 0 : i32
        %dma_start3A_278 = arith.constant 0 : i32
        %dma_start3A_279 = tpu.memref_slice %arg13[%dma_start3A_275, %dma_start3A_277, %dma_start3A_278] : memref<8x128x16xf32, #tpu.memory_space<vmem>> -> memref<1x128x16xf32, #tpu.memory_space<vmem>>
        %dma_start3A_280 = tpu.memref_squeeze %dma_start3A_279 : memref<1x128x16xf32, #tpu.memory_space<vmem>> -> memref<128x16xf32, #tpu.memory_space<vmem>>
        %dma_start3A_281 = arith.constant 0 : i32
        %dma_start3A_282 = tpu.memref_slice %arg12[%scan3A_201, %dma_start3A_281] : memref<80x128xi32, #tpu.memory_space<vmem>> -> memref<1x128xi32, #tpu.memory_space<vmem>>
        %dma_start3A_283 = tpu.memref_squeeze %dma_start3A_282 : memref<1x128xi32, #tpu.memory_space<vmem>> -> memref<128xi32, #tpu.memory_space<vmem>>
        %dma_start3A_284 = arith.constant 0 : i32
        %dma_start3A_285 = arith.constant 0 : i32
        %dma_start3A_286 = tpu.memref_slice %arg15[%dma_start3A_284, %dma_start3A_285] : memref<10112x16xf32, #tpu.memory_space<vmem_shared>> -> memref<10112x16xf32, #tpu.memory_space<vmem_shared>>
        %dma_start3A_287 = tpu.memref_slice %arg18[%dma_start3A_276] : memref<8x!tpu.dma_semaphore, #tpu.memory_space<semaphore_mem>> -> memref<1x!tpu.dma_semaphore, #tpu.memory_space<semaphore_mem>>
        %dma_start3A_288 = tpu.memref_squeeze %dma_start3A_287 : memref<1x!tpu.dma_semaphore, #tpu.memory_space<semaphore_mem>> -> memref<!tpu.dma_semaphore, #tpu.memory_space<semaphore_mem>>
        tpu.enqueue_indirect_dma source(%dma_start3A_280 : memref<128x16xf32, #tpu.memory_space<vmem>>) target(%dma_start3A_286 : memref<10112x16xf32, #tpu.memory_space<vmem_shared>>) offsets(%dma_start3A_283 : memref<128xi32, #tpu.memory_space<vmem>>) semaphore(%dma_start3A_288 : memref<!tpu.dma_semaphore, #tpu.memory_space<semaphore_mem>>) {add = true}
        "tpu.region"() ({
          %run_scoped3A = tpu.sem_alloc : memref<!tpu.dma_semaphore, #tpu.memory_space<semaphore_mem>>
          %dma_start3A_289 = arith.constant 0 : i32
          %dma_start3A_290 = tpu.memref_slice %arg12[%scan3A_201, %dma_start3A_289] : memref<80x128xi32, #tpu.memory_space<vmem>> -> memref<1x128xi32, #tpu.memory_space<vmem>>
          %dma_start3A_291 = tpu.memref_squeeze %dma_start3A_290 : memref<1x128xi32, #tpu.memory_space<vmem>> -> memref<128xi32, #tpu.memory_space<vmem>>
          %dma_start3A_292 = arith.constant 0 : i32
          %dma_start3A_293 = arith.constant 0 : i32
          %dma_start3A_294 = tpu.memref_slice %arg16[%dma_start3A_292, %dma_start3A_293] : memref<10112x16xf32, #tpu.memory_space<vmem_shared>> -> memref<10112x16xf32, #tpu.memory_space<vmem_shared>>
          tpu.enqueue_indirect_dma source(%arg14 : memref<128x16xf32, #tpu.memory_space<vmem>>) target(%dma_start3A_294 : memref<10112x16xf32, #tpu.memory_space<vmem_shared>>) offsets(%dma_start3A_291 : memref<128xi32, #tpu.memory_space<vmem>>) semaphore(%run_scoped3A : memref<!tpu.dma_semaphore, #tpu.memory_space<semaphore_mem>>) {add = true}
          %dma_wait3A_295 = arith.constant 0 : i32
          %dma_wait3A_296 = tpu.memref_slice %arg12[%scan3A_201, %dma_wait3A_295] : memref<80x128xi32, #tpu.memory_space<vmem>> -> memref<1x128xi32, #tpu.memory_space<vmem>>
          %dma_wait3A_297 = tpu.memref_squeeze %dma_wait3A_296 : memref<1x128xi32, #tpu.memory_space<vmem>> -> memref<128xi32, #tpu.memory_space<vmem>>
          %dma_wait3A_298 = arith.constant 0 : i32
          %dma_wait3A_299 = arith.constant 0 : i32
          %dma_wait3A_300 = tpu.memref_slice %arg16[%dma_wait3A_298, %dma_wait3A_299] : memref<10112x16xf32, #tpu.memory_space<vmem_shared>> -> memref<10112x16xf32, #tpu.memory_space<vmem_shared>>
          tpu.wait_indirect_dma semaphore(%run_scoped3A : memref<!tpu.dma_semaphore, #tpu.memory_space<semaphore_mem>>) src(%arg14 : memref<128x16xf32, #tpu.memory_space<vmem>>) dst(%dma_wait3A_300 : memref<10112x16xf32, #tpu.memory_space<vmem_shared>>)
          tpu.yield
        }) : () -> ()
      } else {
      }
      %eq3A_248 = arith.constant 7 : i32
      %eq3A_249 = arith.cmpi eq, %select_n3A_212, %eq3A_248 : i32
      %convert_element_type3A_250 = arith.extui %eq3A_249 : i1 to i32
      %cond3A_251 = arith.constant 0 : i32
      %cond3A_252 = arith.cmpi ne, %convert_element_type3A_250, %cond3A_251 : i32
      scf.if %cond3A_252 {
        %add3A_254 = arith.constant 4 : i32
        %add3A_255 = arith.addi %scan3A_201, %add3A_254 : i32
        %lt3A_256 = arith.constant 80 : i32
        %lt3A_257 = arith.cmpi slt, %add3A_255, %lt3A_256 : i32
        %convert_element_type3A_258 = arith.extui %lt3A_257 : i1 to i32
        %cond3A_259 = arith.constant 0 : i32
        %cond3A_260 = arith.cmpi ne, %convert_element_type3A_258, %cond3A_259 : i32
        scf.if %cond3A_260 {
          %ge3A = arith.constant 4 : i32
          %ge3A_289 = arith.cmpi sge, %scan3A_201, %ge3A : i32
          %convert_element_type3A_290 = arith.extui %ge3A_289 : i1 to i32
          %cond3A_291 = arith.constant 0 : i32
          %cond3A_292 = arith.cmpi ne, %convert_element_type3A_290, %cond3A_291 : i32
          scf.if %cond3A_292 {
            %dma_wait3A_309 = arith.constant 3 : i32
            %dma_wait3A_310 = arith.constant 0 : i32
            %dma_wait3A_311 = arith.constant 3 : i32
            %dma_wait3A_312 = arith.constant 0 : i32
            %dma_wait3A_313 = arith.constant 0 : i32
            %dma_wait3A_314 = tpu.memref_slice %arg13[%dma_wait3A_309, %dma_wait3A_312, %dma_wait3A_313] : memref<8x128x16xf32, #tpu.memory_space<vmem>> -> memref<1x128x16xf32, #tpu.memory_space<vmem>>
            %dma_wait3A_315 = tpu.memref_squeeze %dma_wait3A_314 : memref<1x128x16xf32, #tpu.memory_space<vmem>> -> memref<128x16xf32, #tpu.memory_space<vmem>>
            %dma_wait3A_316 = arith.constant 0 : i32
            %dma_wait3A_317 = tpu.memref_slice %arg12[%dma_wait3A_310, %dma_wait3A_316] : memref<80x128xi32, #tpu.memory_space<vmem>> -> memref<1x128xi32, #tpu.memory_space<vmem>>
            %dma_wait3A_318 = tpu.memref_squeeze %dma_wait3A_317 : memref<1x128xi32, #tpu.memory_space<vmem>> -> memref<128xi32, #tpu.memory_space<vmem>>
            %dma_wait3A_319 = arith.constant 0 : i32
            %dma_wait3A_320 = arith.constant 0 : i32
            %dma_wait3A_321 = tpu.memref_slice %arg15[%dma_wait3A_319, %dma_wait3A_320] : memref<10112x16xf32, #tpu.memory_space<vmem_shared>> -> memref<10112x16xf32, #tpu.memory_space<vmem_shared>>
            %dma_wait3A_322 = tpu.memref_slice %arg18[%dma_wait3A_311] : memref<8x!tpu.dma_semaphore, #tpu.memory_space<semaphore_mem>> -> memref<1x!tpu.dma_semaphore, #tpu.memory_space<semaphore_mem>>
            %dma_wait3A_323 = tpu.memref_squeeze %dma_wait3A_322 : memref<1x!tpu.dma_semaphore, #tpu.memory_space<semaphore_mem>> -> memref<!tpu.dma_semaphore, #tpu.memory_space<semaphore_mem>>
            tpu.wait_indirect_dma semaphore(%dma_wait3A_323 : memref<!tpu.dma_semaphore, #tpu.memory_space<semaphore_mem>>) src(%dma_wait3A_315 : memref<128x16xf32, #tpu.memory_space<vmem>>) dst(%dma_wait3A_321 : memref<10112x16xf32, #tpu.memory_space<vmem_shared>>)
          } else {
          }
          %add3A_293 = arith.constant 4 : i32
          %add3A_294 = arith.addi %scan3A_201, %add3A_293 : i32
          %dma_start3A_295 = arith.constant 3 : i32
          %dma_start3A_296 = arith.constant 3 : i32
          %dma_start3A_297 = arith.constant 0 : i32
          %dma_start3A_298 = arith.constant 0 : i32
          %dma_start3A_299 = tpu.memref_slice %arg13[%dma_start3A_295, %dma_start3A_297, %dma_start3A_298] : memref<8x128x16xf32, #tpu.memory_space<vmem>> -> memref<1x128x16xf32, #tpu.memory_space<vmem>>
          %dma_start3A_300 = tpu.memref_squeeze %dma_start3A_299 : memref<1x128x16xf32, #tpu.memory_space<vmem>> -> memref<128x16xf32, #tpu.memory_space<vmem>>
          %dma_start3A_301 = arith.constant 0 : i32
          %dma_start3A_302 = tpu.memref_slice %arg11[%add3A_294, %dma_start3A_301] : memref<80x128xi32, #tpu.memory_space<vmem>> -> memref<1x128xi32, #tpu.memory_space<vmem>>
          %dma_start3A_303 = tpu.memref_squeeze %dma_start3A_302 : memref<1x128xi32, #tpu.memory_space<vmem>> -> memref<128xi32, #tpu.memory_space<vmem>>
          %dma_start3A_304 = arith.constant 0 : i32
          %dma_start3A_305 = arith.constant 0 : i32
          %dma_start3A_306 = tpu.memref_slice %arg2[%dma_start3A_304, %dma_start3A_305] : memref<10000x16xf32, #tpu.memory_space<hbm>> -> memref<10000x16xf32, #tpu.memory_space<hbm>>
          %dma_start3A_307 = tpu.memref_slice %arg17[%dma_start3A_296] : memref<8x!tpu.dma_semaphore, #tpu.memory_space<semaphore_mem>> -> memref<1x!tpu.dma_semaphore, #tpu.memory_space<semaphore_mem>>
          %dma_start3A_308 = tpu.memref_squeeze %dma_start3A_307 : memref<1x!tpu.dma_semaphore, #tpu.memory_space<semaphore_mem>> -> memref<!tpu.dma_semaphore, #tpu.memory_space<semaphore_mem>>
          tpu.enqueue_indirect_dma source(%dma_start3A_306 : memref<10000x16xf32, #tpu.memory_space<hbm>>) target(%dma_start3A_300 : memref<128x16xf32, #tpu.memory_space<vmem>>) offsets(%dma_start3A_303 : memref<128xi32, #tpu.memory_space<vmem>>) semaphore(%dma_start3A_308 : memref<!tpu.dma_semaphore, #tpu.memory_space<semaphore_mem>>)
        } else {
        }
        %dma_wait3A_261 = arith.constant 7 : i32
        %dma_wait3A_262 = arith.constant 7 : i32
        %dma_wait3A_263 = arith.constant 0 : i32
        %dma_wait3A_264 = arith.constant 0 : i32
        %dma_wait3A_265 = tpu.memref_slice %arg13[%dma_wait3A_261, %dma_wait3A_263, %dma_wait3A_264] : memref<8x128x16xf32, #tpu.memory_space<vmem>> -> memref<1x128x16xf32, #tpu.memory_space<vmem>>
        %dma_wait3A_266 = tpu.memref_squeeze %dma_wait3A_265 : memref<1x128x16xf32, #tpu.memory_space<vmem>> -> memref<128x16xf32, #tpu.memory_space<vmem>>
        %dma_wait3A_267 = arith.constant 0 : i32
        %dma_wait3A_268 = tpu.memref_slice %arg11[%scan3A_201, %dma_wait3A_267] : memref<80x128xi32, #tpu.memory_space<vmem>> -> memref<1x128xi32, #tpu.memory_space<vmem>>
        %dma_wait3A_269 = tpu.memref_squeeze %dma_wait3A_268 : memref<1x128xi32, #tpu.memory_space<vmem>> -> memref<128xi32, #tpu.memory_space<vmem>>
        %dma_wait3A_270 = arith.constant 0 : i32
        %dma_wait3A_271 = arith.constant 0 : i32
        %dma_wait3A_272 = tpu.memref_slice %arg2[%dma_wait3A_270, %dma_wait3A_271] : memref<10000x16xf32, #tpu.memory_space<hbm>> -> memref<10000x16xf32, #tpu.memory_space<hbm>>
        %dma_wait3A_273 = tpu.memref_slice %arg17[%dma_wait3A_262] : memref<8x!tpu.dma_semaphore, #tpu.memory_space<semaphore_mem>> -> memref<1x!tpu.dma_semaphore, #tpu.memory_space<semaphore_mem>>
        %dma_wait3A_274 = tpu.memref_squeeze %dma_wait3A_273 : memref<1x!tpu.dma_semaphore, #tpu.memory_space<semaphore_mem>> -> memref<!tpu.dma_semaphore, #tpu.memory_space<semaphore_mem>>
        tpu.wait_indirect_dma semaphore(%dma_wait3A_274 : memref<!tpu.dma_semaphore, #tpu.memory_space<semaphore_mem>>) src(%dma_wait3A_272 : memref<10000x16xf32, #tpu.memory_space<hbm>>) dst(%dma_wait3A_266 : memref<128x16xf32, #tpu.memory_space<vmem>>)
        %dma_start3A_275 = arith.constant 7 : i32
        %dma_start3A_276 = arith.constant 7 : i32
        %dma_start3A_277 = arith.constant 0 : i32
        %dma_start3A_278 = arith.constant 0 : i32
        %dma_start3A_279 = tpu.memref_slice %arg13[%dma_start3A_275, %dma_start3A_277, %dma_start3A_278] : memref<8x128x16xf32, #tpu.memory_space<vmem>> -> memref<1x128x16xf32, #tpu.memory_space<vmem>>
        %dma_start3A_280 = tpu.memref_squeeze %dma_start3A_279 : memref<1x128x16xf32, #tpu.memory_space<vmem>> -> memref<128x16xf32, #tpu.memory_space<vmem>>
        %dma_start3A_281 = arith.constant 0 : i32
        %dma_start3A_282 = tpu.memref_slice %arg12[%scan3A_201, %dma_start3A_281] : memref<80x128xi32, #tpu.memory_space<vmem>> -> memref<1x128xi32, #tpu.memory_space<vmem>>
        %dma_start3A_283 = tpu.memref_squeeze %dma_start3A_282 : memref<1x128xi32, #tpu.memory_space<vmem>> -> memref<128xi32, #tpu.memory_space<vmem>>
        %dma_start3A_284 = arith.constant 0 : i32
        %dma_start3A_285 = arith.constant 0 : i32
        %dma_start3A_286 = tpu.memref_slice %arg15[%dma_start3A_284, %dma_start3A_285] : memref<10112x16xf32, #tpu.memory_space<vmem_shared>> -> memref<10112x16xf32, #tpu.memory_space<vmem_shared>>
        %dma_start3A_287 = tpu.memref_slice %arg18[%dma_start3A_276] : memref<8x!tpu.dma_semaphore, #tpu.memory_space<semaphore_mem>> -> memref<1x!tpu.dma_semaphore, #tpu.memory_space<semaphore_mem>>
        %dma_start3A_288 = tpu.memref_squeeze %dma_start3A_287 : memref<1x!tpu.dma_semaphore, #tpu.memory_space<semaphore_mem>> -> memref<!tpu.dma_semaphore, #tpu.memory_space<semaphore_mem>>
        tpu.enqueue_indirect_dma source(%dma_start3A_280 : memref<128x16xf32, #tpu.memory_space<vmem>>) target(%dma_start3A_286 : memref<10112x16xf32, #tpu.memory_space<vmem_shared>>) offsets(%dma_start3A_283 : memref<128xi32, #tpu.memory_space<vmem>>) semaphore(%dma_start3A_288 : memref<!tpu.dma_semaphore, #tpu.memory_space<semaphore_mem>>) {add = true}
        "tpu.region"() ({
          %run_scoped3A = tpu.sem_alloc : memref<!tpu.dma_semaphore, #tpu.memory_space<semaphore_mem>>
          %dma_start3A_289 = arith.constant 0 : i32
          %dma_start3A_290 = tpu.memref_slice %arg12[%scan3A_201, %dma_start3A_289] : memref<80x128xi32, #tpu.memory_space<vmem>> -> memref<1x128xi32, #tpu.memory_space<vmem>>
          %dma_start3A_291 = tpu.memref_squeeze %dma_start3A_290 : memref<1x128xi32, #tpu.memory_space<vmem>> -> memref<128xi32, #tpu.memory_space<vmem>>
          %dma_start3A_292 = arith.constant 0 : i32
          %dma_start3A_293 = arith.constant 0 : i32
          %dma_start3A_294 = tpu.memref_slice %arg16[%dma_start3A_292, %dma_start3A_293] : memref<10112x16xf32, #tpu.memory_space<vmem_shared>> -> memref<10112x16xf32, #tpu.memory_space<vmem_shared>>
          tpu.enqueue_indirect_dma source(%arg14 : memref<128x16xf32, #tpu.memory_space<vmem>>) target(%dma_start3A_294 : memref<10112x16xf32, #tpu.memory_space<vmem_shared>>) offsets(%dma_start3A_291 : memref<128xi32, #tpu.memory_space<vmem>>) semaphore(%run_scoped3A : memref<!tpu.dma_semaphore, #tpu.memory_space<semaphore_mem>>) {add = true}
          %dma_wait3A_295 = arith.constant 0 : i32
          %dma_wait3A_296 = tpu.memref_slice %arg12[%scan3A_201, %dma_wait3A_295] : memref<80x128xi32, #tpu.memory_space<vmem>> -> memref<1x128xi32, #tpu.memory_space<vmem>>
          %dma_wait3A_297 = tpu.memref_squeeze %dma_wait3A_296 : memref<1x128xi32, #tpu.memory_space<vmem>> -> memref<128xi32, #tpu.memory_space<vmem>>
          %dma_wait3A_298 = arith.constant 0 : i32
          %dma_wait3A_299 = arith.constant 0 : i32
          %dma_wait3A_300 = tpu.memref_slice %arg16[%dma_wait3A_298, %dma_wait3A_299] : memref<10112x16xf32, #tpu.memory_space<vmem_shared>> -> memref<10112x16xf32, #tpu.memory_space<vmem_shared>>
          tpu.wait_indirect_dma semaphore(%run_scoped3A : memref<!tpu.dma_semaphore, #tpu.memory_space<semaphore_mem>>) src(%arg14 : memref<128x16xf32, #tpu.memory_space<vmem>>) dst(%dma_wait3A_300 : memref<10112x16xf32, #tpu.memory_space<vmem_shared>>)
          tpu.yield
        }) : () -> ()
      } else {
      }
      %scan3A_253 = arith.constant 0 : i32
      scf.yield %scan3A_253 : i32
    }
    %scan3A_71 = arith.constant 80 : i32
    %dma_wait3A = arith.constant 0 : i32
    %dma_wait3A_72 = arith.constant 0 : i32
    %dma_wait3A_73 = arith.constant 0 : i32
    %dma_wait3A_74 = arith.constant 0 : i32
    %dma_wait3A_75 = arith.constant 0 : i32
    %dma_wait3A_76 = tpu.memref_slice %arg13[%dma_wait3A, %dma_wait3A_74, %dma_wait3A_75] : memref<8x128x16xf32, #tpu.memory_space<vmem>> -> memref<1x128x16xf32, #tpu.memory_space<vmem>>
    %dma_wait3A_77 = tpu.memref_squeeze %dma_wait3A_76 : memref<1x128x16xf32, #tpu.memory_space<vmem>> -> memref<128x16xf32, #tpu.memory_space<vmem>>
    %dma_wait3A_78 = arith.constant 0 : i32
    %dma_wait3A_79 = tpu.memref_slice %arg12[%dma_wait3A_72, %dma_wait3A_78] : memref<80x128xi32, #tpu.memory_space<vmem>> -> memref<1x128xi32, #tpu.memory_space<vmem>>
    %dma_wait3A_80 = tpu.memref_squeeze %dma_wait3A_79 : memref<1x128xi32, #tpu.memory_space<vmem>> -> memref<128xi32, #tpu.memory_space<vmem>>
    %dma_wait3A_81 = arith.constant 0 : i32
    %dma_wait3A_82 = arith.constant 0 : i32
    %dma_wait3A_83 = tpu.memref_slice %arg15[%dma_wait3A_81, %dma_wait3A_82] : memref<10112x16xf32, #tpu.memory_space<vmem_shared>> -> memref<10112x16xf32, #tpu.memory_space<vmem_shared>>
    %dma_wait3A_84 = tpu.memref_slice %arg18[%dma_wait3A_73] : memref<8x!tpu.dma_semaphore, #tpu.memory_space<semaphore_mem>> -> memref<1x!tpu.dma_semaphore, #tpu.memory_space<semaphore_mem>>
    %dma_wait3A_85 = tpu.memref_squeeze %dma_wait3A_84 : memref<1x!tpu.dma_semaphore, #tpu.memory_space<semaphore_mem>> -> memref<!tpu.dma_semaphore, #tpu.memory_space<semaphore_mem>>
    tpu.wait_indirect_dma semaphore(%dma_wait3A_85 : memref<!tpu.dma_semaphore, #tpu.memory_space<semaphore_mem>>) src(%dma_wait3A_77 : memref<128x16xf32, #tpu.memory_space<vmem>>) dst(%dma_wait3A_83 : memref<10112x16xf32, #tpu.memory_space<vmem_shared>>)
    %dma_wait3A_86 = arith.constant 1 : i32
    %dma_wait3A_87 = arith.constant 0 : i32
    %dma_wait3A_88 = arith.constant 1 : i32
    %dma_wait3A_89 = arith.constant 0 : i32
    %dma_wait3A_90 = arith.constant 0 : i32
    %dma_wait3A_91 = tpu.memref_slice %arg13[%dma_wait3A_86, %dma_wait3A_89, %dma_wait3A_90] : memref<8x128x16xf32, #tpu.memory_space<vmem>> -> memref<1x128x16xf32, #tpu.memory_space<vmem>>
    %dma_wait3A_92 = tpu.memref_squeeze %dma_wait3A_91 : memref<1x128x16xf32, #tpu.memory_space<vmem>> -> memref<128x16xf32, #tpu.memory_space<vmem>>
    %dma_wait3A_93 = arith.constant 0 : i32
    %dma_wait3A_94 = tpu.memref_slice %arg12[%dma_wait3A_87, %dma_wait3A_93] : memref<80x128xi32, #tpu.memory_space<vmem>> -> memref<1x128xi32, #tpu.memory_space<vmem>>
    %dma_wait3A_95 = tpu.memref_squeeze %dma_wait3A_94 : memref<1x128xi32, #tpu.memory_space<vmem>> -> memref<128xi32, #tpu.memory_space<vmem>>
    %dma_wait3A_96 = arith.constant 0 : i32
    %dma_wait3A_97 = arith.constant 0 : i32
    %dma_wait3A_98 = tpu.memref_slice %arg15[%dma_wait3A_96, %dma_wait3A_97] : memref<10112x16xf32, #tpu.memory_space<vmem_shared>> -> memref<10112x16xf32, #tpu.memory_space<vmem_shared>>
    %dma_wait3A_99 = tpu.memref_slice %arg18[%dma_wait3A_88] : memref<8x!tpu.dma_semaphore, #tpu.memory_space<semaphore_mem>> -> memref<1x!tpu.dma_semaphore, #tpu.memory_space<semaphore_mem>>
    %dma_wait3A_100 = tpu.memref_squeeze %dma_wait3A_99 : memref<1x!tpu.dma_semaphore, #tpu.memory_space<semaphore_mem>> -> memref<!tpu.dma_semaphore, #tpu.memory_space<semaphore_mem>>
    tpu.wait_indirect_dma semaphore(%dma_wait3A_100 : memref<!tpu.dma_semaphore, #tpu.memory_space<semaphore_mem>>) src(%dma_wait3A_92 : memref<128x16xf32, #tpu.memory_space<vmem>>) dst(%dma_wait3A_98 : memref<10112x16xf32, #tpu.memory_space<vmem_shared>>)
    %dma_wait3A_101 = arith.constant 2 : i32
    %dma_wait3A_102 = arith.constant 0 : i32
    %dma_wait3A_103 = arith.constant 2 : i32
    %dma_wait3A_104 = arith.constant 0 : i32
    %dma_wait3A_105 = arith.constant 0 : i32
    %dma_wait3A_106 = tpu.memref_slice %arg13[%dma_wait3A_101, %dma_wait3A_104, %dma_wait3A_105] : memref<8x128x16xf32, #tpu.memory_space<vmem>> -> memref<1x128x16xf32, #tpu.memory_space<vmem>>
    %dma_wait3A_107 = tpu.memref_squeeze %dma_wait3A_106 : memref<1x128x16xf32, #tpu.memory_space<vmem>> -> memref<128x16xf32, #tpu.memory_space<vmem>>
    %dma_wait3A_108 = arith.constant 0 : i32
    %dma_wait3A_109 = tpu.memref_slice %arg12[%dma_wait3A_102, %dma_wait3A_108] : memref<80x128xi32, #tpu.memory_space<vmem>> -> memref<1x128xi32, #tpu.memory_space<vmem>>
    %dma_wait3A_110 = tpu.memref_squeeze %dma_wait3A_109 : memref<1x128xi32, #tpu.memory_space<vmem>> -> memref<128xi32, #tpu.memory_space<vmem>>
    %dma_wait3A_111 = arith.constant 0 : i32
    %dma_wait3A_112 = arith.constant 0 : i32
    %dma_wait3A_113 = tpu.memref_slice %arg15[%dma_wait3A_111, %dma_wait3A_112] : memref<10112x16xf32, #tpu.memory_space<vmem_shared>> -> memref<10112x16xf32, #tpu.memory_space<vmem_shared>>
    %dma_wait3A_114 = tpu.memref_slice %arg18[%dma_wait3A_103] : memref<8x!tpu.dma_semaphore, #tpu.memory_space<semaphore_mem>> -> memref<1x!tpu.dma_semaphore, #tpu.memory_space<semaphore_mem>>
    %dma_wait3A_115 = tpu.memref_squeeze %dma_wait3A_114 : memref<1x!tpu.dma_semaphore, #tpu.memory_space<semaphore_mem>> -> memref<!tpu.dma_semaphore, #tpu.memory_space<semaphore_mem>>
    tpu.wait_indirect_dma semaphore(%dma_wait3A_115 : memref<!tpu.dma_semaphore, #tpu.memory_space<semaphore_mem>>) src(%dma_wait3A_107 : memref<128x16xf32, #tpu.memory_space<vmem>>) dst(%dma_wait3A_113 : memref<10112x16xf32, #tpu.memory_space<vmem_shared>>)
    %dma_wait3A_116 = arith.constant 3 : i32
    %dma_wait3A_117 = arith.constant 0 : i32
    %dma_wait3A_118 = arith.constant 3 : i32
    %dma_wait3A_119 = arith.constant 0 : i32
    %dma_wait3A_120 = arith.constant 0 : i32
    %dma_wait3A_121 = tpu.memref_slice %arg13[%dma_wait3A_116, %dma_wait3A_119, %dma_wait3A_120] : memref<8x128x16xf32, #tpu.memory_space<vmem>> -> memref<1x128x16xf32, #tpu.memory_space<vmem>>
    %dma_wait3A_122 = tpu.memref_squeeze %dma_wait3A_121 : memref<1x128x16xf32, #tpu.memory_space<vmem>> -> memref<128x16xf32, #tpu.memory_space<vmem>>
    %dma_wait3A_123 = arith.constant 0 : i32
    %dma_wait3A_124 = tpu.memref_slice %arg12[%dma_wait3A_117, %dma_wait3A_123] : memref<80x128xi32, #tpu.memory_space<vmem>> -> memref<1x128xi32, #tpu.memory_space<vmem>>
    %dma_wait3A_125 = tpu.memref_squeeze %dma_wait3A_124 : memref<1x128xi32, #tpu.memory_space<vmem>> -> memref<128xi32, #tpu.memory_space<vmem>>
    %dma_wait3A_126 = arith.constant 0 : i32
    %dma_wait3A_127 = arith.constant 0 : i32
    %dma_wait3A_128 = tpu.memref_slice %arg15[%dma_wait3A_126, %dma_wait3A_127] : memref<10112x16xf32, #tpu.memory_space<vmem_shared>> -> memref<10112x16xf32, #tpu.memory_space<vmem_shared>>
    %dma_wait3A_129 = tpu.memref_slice %arg18[%dma_wait3A_118] : memref<8x!tpu.dma_semaphore, #tpu.memory_space<semaphore_mem>> -> memref<1x!tpu.dma_semaphore, #tpu.memory_space<semaphore_mem>>
    %dma_wait3A_130 = tpu.memref_squeeze %dma_wait3A_129 : memref<1x!tpu.dma_semaphore, #tpu.memory_space<semaphore_mem>> -> memref<!tpu.dma_semaphore, #tpu.memory_space<semaphore_mem>>
    tpu.wait_indirect_dma semaphore(%dma_wait3A_130 : memref<!tpu.dma_semaphore, #tpu.memory_space<semaphore_mem>>) src(%dma_wait3A_122 : memref<128x16xf32, #tpu.memory_space<vmem>>) dst(%dma_wait3A_128 : memref<10112x16xf32, #tpu.memory_space<vmem_shared>>)
    %dma_wait3A_131 = arith.constant 4 : i32
    %dma_wait3A_132 = arith.constant 0 : i32
    %dma_wait3A_133 = arith.constant 4 : i32
    %dma_wait3A_134 = arith.constant 0 : i32
    %dma_wait3A_135 = arith.constant 0 : i32
    %dma_wait3A_136 = tpu.memref_slice %arg13[%dma_wait3A_131, %dma_wait3A_134, %dma_wait3A_135] : memref<8x128x16xf32, #tpu.memory_space<vmem>> -> memref<1x128x16xf32, #tpu.memory_space<vmem>>
    %dma_wait3A_137 = tpu.memref_squeeze %dma_wait3A_136 : memref<1x128x16xf32, #tpu.memory_space<vmem>> -> memref<128x16xf32, #tpu.memory_space<vmem>>
    %dma_wait3A_138 = arith.constant 0 : i32
    %dma_wait3A_139 = tpu.memref_slice %arg12[%dma_wait3A_132, %dma_wait3A_138] : memref<80x128xi32, #tpu.memory_space<vmem>> -> memref<1x128xi32, #tpu.memory_space<vmem>>
    %dma_wait3A_140 = tpu.memref_squeeze %dma_wait3A_139 : memref<1x128xi32, #tpu.memory_space<vmem>> -> memref<128xi32, #tpu.memory_space<vmem>>
    %dma_wait3A_141 = arith.constant 0 : i32
    %dma_wait3A_142 = arith.constant 0 : i32
    %dma_wait3A_143 = tpu.memref_slice %arg15[%dma_wait3A_141, %dma_wait3A_142] : memref<10112x16xf32, #tpu.memory_space<vmem_shared>> -> memref<10112x16xf32, #tpu.memory_space<vmem_shared>>
    %dma_wait3A_144 = tpu.memref_slice %arg18[%dma_wait3A_133] : memref<8x!tpu.dma_semaphore, #tpu.memory_space<semaphore_mem>> -> memref<1x!tpu.dma_semaphore, #tpu.memory_space<semaphore_mem>>
    %dma_wait3A_145 = tpu.memref_squeeze %dma_wait3A_144 : memref<1x!tpu.dma_semaphore, #tpu.memory_space<semaphore_mem>> -> memref<!tpu.dma_semaphore, #tpu.memory_space<semaphore_mem>>
    tpu.wait_indirect_dma semaphore(%dma_wait3A_145 : memref<!tpu.dma_semaphore, #tpu.memory_space<semaphore_mem>>) src(%dma_wait3A_137 : memref<128x16xf32, #tpu.memory_space<vmem>>) dst(%dma_wait3A_143 : memref<10112x16xf32, #tpu.memory_space<vmem_shared>>)
    %dma_wait3A_146 = arith.constant 5 : i32
    %dma_wait3A_147 = arith.constant 0 : i32
    %dma_wait3A_148 = arith.constant 5 : i32
    %dma_wait3A_149 = arith.constant 0 : i32
    %dma_wait3A_150 = arith.constant 0 : i32
    %dma_wait3A_151 = tpu.memref_slice %arg13[%dma_wait3A_146, %dma_wait3A_149, %dma_wait3A_150] : memref<8x128x16xf32, #tpu.memory_space<vmem>> -> memref<1x128x16xf32, #tpu.memory_space<vmem>>
    %dma_wait3A_152 = tpu.memref_squeeze %dma_wait3A_151 : memref<1x128x16xf32, #tpu.memory_space<vmem>> -> memref<128x16xf32, #tpu.memory_space<vmem>>
    %dma_wait3A_153 = arith.constant 0 : i32
    %dma_wait3A_154 = tpu.memref_slice %arg12[%dma_wait3A_147, %dma_wait3A_153] : memref<80x128xi32, #tpu.memory_space<vmem>> -> memref<1x128xi32, #tpu.memory_space<vmem>>
    %dma_wait3A_155 = tpu.memref_squeeze %dma_wait3A_154 : memref<1x128xi32, #tpu.memory_space<vmem>> -> memref<128xi32, #tpu.memory_space<vmem>>
    %dma_wait3A_156 = arith.constant 0 : i32
    %dma_wait3A_157 = arith.constant 0 : i32
    %dma_wait3A_158 = tpu.memref_slice %arg15[%dma_wait3A_156, %dma_wait3A_157] : memref<10112x16xf32, #tpu.memory_space<vmem_shared>> -> memref<10112x16xf32, #tpu.memory_space<vmem_shared>>
    %dma_wait3A_159 = tpu.memref_slice %arg18[%dma_wait3A_148] : memref<8x!tpu.dma_semaphore, #tpu.memory_space<semaphore_mem>> -> memref<1x!tpu.dma_semaphore, #tpu.memory_space<semaphore_mem>>
    %dma_wait3A_160 = tpu.memref_squeeze %dma_wait3A_159 : memref<1x!tpu.dma_semaphore, #tpu.memory_space<semaphore_mem>> -> memref<!tpu.dma_semaphore, #tpu.memory_space<semaphore_mem>>
    tpu.wait_indirect_dma semaphore(%dma_wait3A_160 : memref<!tpu.dma_semaphore, #tpu.memory_space<semaphore_mem>>) src(%dma_wait3A_152 : memref<128x16xf32, #tpu.memory_space<vmem>>) dst(%dma_wait3A_158 : memref<10112x16xf32, #tpu.memory_space<vmem_shared>>)
    %dma_wait3A_161 = arith.constant 6 : i32
    %dma_wait3A_162 = arith.constant 0 : i32
    %dma_wait3A_163 = arith.constant 6 : i32
    %dma_wait3A_164 = arith.constant 0 : i32
    %dma_wait3A_165 = arith.constant 0 : i32
    %dma_wait3A_166 = tpu.memref_slice %arg13[%dma_wait3A_161, %dma_wait3A_164, %dma_wait3A_165] : memref<8x128x16xf32, #tpu.memory_space<vmem>> -> memref<1x128x16xf32, #tpu.memory_space<vmem>>
    %dma_wait3A_167 = tpu.memref_squeeze %dma_wait3A_166 : memref<1x128x16xf32, #tpu.memory_space<vmem>> -> memref<128x16xf32, #tpu.memory_space<vmem>>
    %dma_wait3A_168 = arith.constant 0 : i32
    %dma_wait3A_169 = tpu.memref_slice %arg12[%dma_wait3A_162, %dma_wait3A_168] : memref<80x128xi32, #tpu.memory_space<vmem>> -> memref<1x128xi32, #tpu.memory_space<vmem>>
    %dma_wait3A_170 = tpu.memref_squeeze %dma_wait3A_169 : memref<1x128xi32, #tpu.memory_space<vmem>> -> memref<128xi32, #tpu.memory_space<vmem>>
    %dma_wait3A_171 = arith.constant 0 : i32
    %dma_wait3A_172 = arith.constant 0 : i32
    %dma_wait3A_173 = tpu.memref_slice %arg15[%dma_wait3A_171, %dma_wait3A_172] : memref<10112x16xf32, #tpu.memory_space<vmem_shared>> -> memref<10112x16xf32, #tpu.memory_space<vmem_shared>>
    %dma_wait3A_174 = tpu.memref_slice %arg18[%dma_wait3A_163] : memref<8x!tpu.dma_semaphore, #tpu.memory_space<semaphore_mem>> -> memref<1x!tpu.dma_semaphore, #tpu.memory_space<semaphore_mem>>
    %dma_wait3A_175 = tpu.memref_squeeze %dma_wait3A_174 : memref<1x!tpu.dma_semaphore, #tpu.memory_space<semaphore_mem>> -> memref<!tpu.dma_semaphore, #tpu.memory_space<semaphore_mem>>
    tpu.wait_indirect_dma semaphore(%dma_wait3A_175 : memref<!tpu.dma_semaphore, #tpu.memory_space<semaphore_mem>>) src(%dma_wait3A_167 : memref<128x16xf32, #tpu.memory_space<vmem>>) dst(%dma_wait3A_173 : memref<10112x16xf32, #tpu.memory_space<vmem_shared>>)
    %dma_wait3A_176 = arith.constant 7 : i32
    %dma_wait3A_177 = arith.constant 0 : i32
    %dma_wait3A_178 = arith.constant 7 : i32
    %dma_wait3A_179 = arith.constant 0 : i32
    %dma_wait3A_180 = arith.constant 0 : i32
    %dma_wait3A_181 = tpu.memref_slice %arg13[%dma_wait3A_176, %dma_wait3A_179, %dma_wait3A_180] : memref<8x128x16xf32, #tpu.memory_space<vmem>> -> memref<1x128x16xf32, #tpu.memory_space<vmem>>
    %dma_wait3A_182 = tpu.memref_squeeze %dma_wait3A_181 : memref<1x128x16xf32, #tpu.memory_space<vmem>> -> memref<128x16xf32, #tpu.memory_space<vmem>>
    %dma_wait3A_183 = arith.constant 0 : i32
    %dma_wait3A_184 = tpu.memref_slice %arg12[%dma_wait3A_177, %dma_wait3A_183] : memref<80x128xi32, #tpu.memory_space<vmem>> -> memref<1x128xi32, #tpu.memory_space<vmem>>
    %dma_wait3A_185 = tpu.memref_squeeze %dma_wait3A_184 : memref<1x128xi32, #tpu.memory_space<vmem>> -> memref<128xi32, #tpu.memory_space<vmem>>
    %dma_wait3A_186 = arith.constant 0 : i32
    %dma_wait3A_187 = arith.constant 0 : i32
    %dma_wait3A_188 = tpu.memref_slice %arg15[%dma_wait3A_186, %dma_wait3A_187] : memref<10112x16xf32, #tpu.memory_space<vmem_shared>> -> memref<10112x16xf32, #tpu.memory_space<vmem_shared>>
    %dma_wait3A_189 = tpu.memref_slice %arg18[%dma_wait3A_178] : memref<8x!tpu.dma_semaphore, #tpu.memory_space<semaphore_mem>> -> memref<1x!tpu.dma_semaphore, #tpu.memory_space<semaphore_mem>>
    %dma_wait3A_190 = tpu.memref_squeeze %dma_wait3A_189 : memref<1x!tpu.dma_semaphore, #tpu.memory_space<semaphore_mem>> -> memref<!tpu.dma_semaphore, #tpu.memory_space<semaphore_mem>>
    tpu.wait_indirect_dma semaphore(%dma_wait3A_190 : memref<!tpu.dma_semaphore, #tpu.memory_space<semaphore_mem>>) src(%dma_wait3A_182 : memref<128x16xf32, #tpu.memory_space<vmem>>) dst(%dma_wait3A_188 : memref<10112x16xf32, #tpu.memory_space<vmem_shared>>)
    %barrier3A_191 = arith.constant 0 : index
    tpu.barrier barrier_id(%barrier3A_191)
    %mul3A_192 = arith.constant 632 : i32
    %mul3A_193 = arith.muli %arg1, %mul3A_192 : i32
    %eq3A = arith.constant 0 : i32
    %eq3A_194 = arith.cmpi eq, %arg0, %eq3A : i32
    %convert_element_type3A = arith.extui %eq3A_194 : i1 to i32
    %cond3A = arith.constant 0 : i32
    %cond3A_195 = arith.cmpi ne, %convert_element_type3A, %cond3A : i32
    scf.if %cond3A_195 {
      "tpu.region"() ({
        %run_scoped3A = tpu.sem_alloc : memref<!tpu.dma_semaphore, #tpu.memory_space<semaphore_mem>>
        %dma_start3A_201 = arith.constant 0 : i32
        %dma_start3A_202 = tpu.memref_slice %arg7[%mul3A_193, %dma_start3A_201] : memref<10112x16xf32, #tpu.memory_space<hbm>> -> memref<632x16xf32, #tpu.memory_space<hbm>>
        %dma_start3A_203 = arith.constant 0 : i32
        %dma_start3A_204 = tpu.memref_slice %arg15[%mul3A_193, %dma_start3A_203] : memref<10112x16xf32, #tpu.memory_space<vmem_shared>> -> memref<632x16xf32, #tpu.memory_space<vmem_shared>>
        tpu.enqueue_dma source(%dma_start3A_204 : memref<632x16xf32, #tpu.memory_space<vmem_shared>>) target(%dma_start3A_202 : memref<632x16xf32, #tpu.memory_space<hbm>>) target_semaphore(%run_scoped3A : memref<!tpu.dma_semaphore, #tpu.memory_space<semaphore_mem>>)
        %dma_wait3A_205 = arith.constant 0 : i32
        %dma_wait3A_206 = tpu.memref_slice %arg7[%mul3A_193, %dma_wait3A_205] : memref<10112x16xf32, #tpu.memory_space<hbm>> -> memref<632x16xf32, #tpu.memory_space<hbm>>
        %dma_wait3A_207 = arith.constant 0 : i32
        %dma_wait3A_208 = tpu.memref_slice %arg15[%mul3A_193, %dma_wait3A_207] : memref<10112x16xf32, #tpu.memory_space<vmem_shared>> -> memref<632x16xf32, #tpu.memory_space<vmem_shared>>
        tpu.wait_dma2 semaphore(%run_scoped3A : memref<!tpu.dma_semaphore, #tpu.memory_space<semaphore_mem>>) src(%dma_wait3A_208 : memref<632x16xf32, #tpu.memory_space<vmem_shared>>) dst(%dma_wait3A_206 : memref<632x16xf32, #tpu.memory_space<hbm>>)
        tpu.yield
      }) : () -> ()
      "tpu.region"() ({
        %run_scoped3A = tpu.sem_alloc : memref<!tpu.dma_semaphore, #tpu.memory_space<semaphore_mem>>
        %dma_start3A_201 = arith.constant 0 : i32
        %dma_start3A_202 = tpu.memref_slice %arg9[%mul3A_193, %dma_start3A_201] : memref<10112x16xf32, #tpu.memory_space<hbm>> -> memref<632x16xf32, #tpu.memory_space<hbm>>
        %dma_start3A_203 = arith.constant 0 : i32
        %dma_start3A_204 = tpu.memref_slice %arg16[%mul3A_193, %dma_start3A_203] : memref<10112x16xf32, #tpu.memory_space<vmem_shared>> -> memref<632x16xf32, #tpu.memory_space<vmem_shared>>
        tpu.enqueue_dma source(%dma_start3A_204 : memref<632x16xf32, #tpu.memory_space<vmem_shared>>) target(%dma_start3A_202 : memref<632x16xf32, #tpu.memory_space<hbm>>) target_semaphore(%run_scoped3A : memref<!tpu.dma_semaphore, #tpu.memory_space<semaphore_mem>>)
        %dma_wait3A_205 = arith.constant 0 : i32
        %dma_wait3A_206 = tpu.memref_slice %arg9[%mul3A_193, %dma_wait3A_205] : memref<10112x16xf32, #tpu.memory_space<hbm>> -> memref<632x16xf32, #tpu.memory_space<hbm>>
        %dma_wait3A_207 = arith.constant 0 : i32
        %dma_wait3A_208 = tpu.memref_slice %arg16[%mul3A_193, %dma_wait3A_207] : memref<10112x16xf32, #tpu.memory_space<vmem_shared>> -> memref<632x16xf32, #tpu.memory_space<vmem_shared>>
        tpu.wait_dma2 semaphore(%run_scoped3A : memref<!tpu.dma_semaphore, #tpu.memory_space<semaphore_mem>>) src(%dma_wait3A_208 : memref<632x16xf32, #tpu.memory_space<vmem_shared>>) dst(%dma_wait3A_206 : memref<632x16xf32, #tpu.memory_space<hbm>>)
        tpu.yield
      }) : () -> ()
    } else {
    }
    %eq3A_196 = arith.constant 1 : i32
    %eq3A_197 = arith.cmpi eq, %arg0, %eq3A_196 : i32
    %convert_element_type3A_198 = arith.extui %eq3A_197 : i1 to i32
    %cond3A_199 = arith.constant 0 : i32
    %cond3A_200 = arith.cmpi ne, %convert_element_type3A_198, %cond3A_199 : i32
    scf.if %cond3A_200 {
      "tpu.region"() ({
        %run_scoped3A = tpu.sem_alloc : memref<!tpu.dma_semaphore, #tpu.memory_space<semaphore_mem>>
        %dma_start3A_201 = arith.constant 0 : i32
        %dma_start3A_202 = tpu.memref_slice %arg8[%mul3A_193, %dma_start3A_201] : memref<10112x16xf32, #tpu.memory_space<hbm>> -> memref<632x16xf32, #tpu.memory_space<hbm>>
        %dma_start3A_203 = arith.constant 0 : i32
        %dma_start3A_204 = tpu.memref_slice %arg15[%mul3A_193, %dma_start3A_203] : memref<10112x16xf32, #tpu.memory_space<vmem_shared>> -> memref<632x16xf32, #tpu.memory_space<vmem_shared>>
        tpu.enqueue_dma source(%dma_start3A_204 : memref<632x16xf32, #tpu.memory_space<vmem_shared>>) target(%dma_start3A_202 : memref<632x16xf32, #tpu.memory_space<hbm>>) target_semaphore(%run_scoped3A : memref<!tpu.dma_semaphore, #tpu.memory_space<semaphore_mem>>)
        %dma_wait3A_205 = arith.constant 0 : i32
        %dma_wait3A_206 = tpu.memref_slice %arg8[%mul3A_193, %dma_wait3A_205] : memref<10112x16xf32, #tpu.memory_space<hbm>> -> memref<632x16xf32, #tpu.memory_space<hbm>>
        %dma_wait3A_207 = arith.constant 0 : i32
        %dma_wait3A_208 = tpu.memref_slice %arg15[%mul3A_193, %dma_wait3A_207] : memref<10112x16xf32, #tpu.memory_space<vmem_shared>> -> memref<632x16xf32, #tpu.memory_space<vmem_shared>>
        tpu.wait_dma2 semaphore(%run_scoped3A : memref<!tpu.dma_semaphore, #tpu.memory_space<semaphore_mem>>) src(%dma_wait3A_208 : memref<632x16xf32, #tpu.memory_space<vmem_shared>>) dst(%dma_wait3A_206 : memref<632x16xf32, #tpu.memory_space<hbm>>)
        tpu.yield
      }) : () -> ()
      "tpu.region"() ({
        %run_scoped3A = tpu.sem_alloc : memref<!tpu.dma_semaphore, #tpu.memory_space<semaphore_mem>>
        %dma_start3A_201 = arith.constant 0 : i32
        %dma_start3A_202 = tpu.memref_slice %arg10[%mul3A_193, %dma_start3A_201] : memref<10112x16xf32, #tpu.memory_space<hbm>> -> memref<632x16xf32, #tpu.memory_space<hbm>>
        %dma_start3A_203 = arith.constant 0 : i32
        %dma_start3A_204 = tpu.memref_slice %arg16[%mul3A_193, %dma_start3A_203] : memref<10112x16xf32, #tpu.memory_space<vmem_shared>> -> memref<632x16xf32, #tpu.memory_space<vmem_shared>>
        tpu.enqueue_dma source(%dma_start3A_204 : memref<632x16xf32, #tpu.memory_space<vmem_shared>>) target(%dma_start3A_202 : memref<632x16xf32, #tpu.memory_space<hbm>>) target_semaphore(%run_scoped3A : memref<!tpu.dma_semaphore, #tpu.memory_space<semaphore_mem>>)
        %dma_wait3A_205 = arith.constant 0 : i32
        %dma_wait3A_206 = tpu.memref_slice %arg10[%mul3A_193, %dma_wait3A_205] : memref<10112x16xf32, #tpu.memory_space<hbm>> -> memref<632x16xf32, #tpu.memory_space<hbm>>
        %dma_wait3A_207 = arith.constant 0 : i32
        %dma_wait3A_208 = tpu.memref_slice %arg16[%mul3A_193, %dma_wait3A_207] : memref<10112x16xf32, #tpu.memory_space<vmem_shared>> -> memref<632x16xf32, #tpu.memory_space<vmem_shared>>
        tpu.wait_dma2 semaphore(%run_scoped3A : memref<!tpu.dma_semaphore, #tpu.memory_space<semaphore_mem>>) src(%dma_wait3A_208 : memref<632x16xf32, #tpu.memory_space<vmem_shared>>) dst(%dma_wait3A_206 : memref<632x16xf32, #tpu.memory_space<hbm>>)
        tpu.yield
      }) : () -> ()
    } else {
    }
    return
  }
}

#map = affine_map<(d0, d1) -> (0, 0)>
module attributes {stable_mosaic.version = 14 : i64} {
  func.func @body(%arg0: i32, %arg1: i32, %arg2: memref<10000x16xf32, #tpu.memory_space<hbm>>, %arg3: memref<2560x128xi32, #tpu.memory_space<hbm>>, %arg4: memref<2560x128xi32, #tpu.memory_space<hbm>>, %arg5: memref<10112x16xf32, #tpu.memory_space<hbm>>, %arg6: memref<128x16xf32, #tpu.memory_space<hbm>>, %arg7: memref<10112x16xf32, #tpu.memory_space<hbm>>, %arg8: memref<10112x16xf32, #tpu.memory_space<hbm>>, %arg9: memref<80x128xi32, #tpu.memory_space<vmem>>, %arg10: memref<80x128xi32, #tpu.memory_space<vmem>>, %arg11: memref<8x128x16xf32, #tpu.memory_space<vmem>>, %arg12: memref<128x16xf32, #tpu.memory_space<vmem>>, %arg13: memref<10112x16xf32, #tpu.memory_space<vmem_shared>>, %arg14: memref<8x!tpu.dma_semaphore, #tpu.memory_space<semaphore_mem>>, %arg15: memref<8x!tpu.dma_semaphore, #tpu.memory_space<semaphore_mem>>) attributes {dimension_semantics = [#tpu.dimension_semantics<core_parallel>, #tpu.dimension_semantics<subcore_parallel>], iteration_bounds = array<i64: 2, 16>, scalar_prefetch = 0 : i64, scratch_operands = 7 : i64, tpu.core_type = #tpu.core_type<sc_vector_subcore>, window_params = [{transform_indices = #map}, {transform_indices = #map}, {transform_indices = #map}, {transform_indices = #map}, {transform_indices = #map}, {transform_indices = #map}, {transform_indices = #map}]} {
    %mul3A = arith.constant 2 : i32
    %mul3A_0 = arith.muli %arg1, %mul3A : i32
    %add3A = arith.addi %mul3A_0, %arg0 : i32
    %mul3A_1 = arith.constant 632 : i32
    %mul3A_2 = arith.muli %arg1, %mul3A_1 : i32
    "tpu.region"() ({
      %run_scoped3A = tpu.sem_alloc : memref<!tpu.dma_semaphore, #tpu.memory_space<semaphore_mem>>
      %dma_start3A_201 = arith.constant 0 : i32
      %dma_start3A_202 = tpu.memref_slice %arg13[%mul3A_2, %dma_start3A_201] : memref<10112x16xf32, #tpu.memory_space<vmem_shared>> -> memref<632x16xf32, #tpu.memory_space<vmem_shared>>
      %dma_start3A_203 = arith.constant 0 : i32
      %dma_start3A_204 = tpu.memref_slice %arg5[%mul3A_2, %dma_start3A_203] : memref<10112x16xf32, #tpu.memory_space<hbm>> -> memref<632x16xf32, #tpu.memory_space<hbm>>
      tpu.enqueue_dma source(%dma_start3A_204 : memref<632x16xf32, #tpu.memory_space<hbm>>) target(%dma_start3A_202 : memref<632x16xf32, #tpu.memory_space<vmem_shared>>) target_semaphore(%run_scoped3A : memref<!tpu.dma_semaphore, #tpu.memory_space<semaphore_mem>>)
      %dma_wait3A_205 = arith.constant 0 : i32
      %dma_wait3A_206 = tpu.memref_slice %arg13[%mul3A_2, %dma_wait3A_205] : memref<10112x16xf32, #tpu.memory_space<vmem_shared>> -> memref<632x16xf32, #tpu.memory_space<vmem_shared>>
      %dma_wait3A_207 = arith.constant 0 : i32
      %dma_wait3A_208 = tpu.memref_slice %arg5[%mul3A_2, %dma_wait3A_207] : memref<10112x16xf32, #tpu.memory_space<hbm>> -> memref<632x16xf32, #tpu.memory_space<hbm>>
      tpu.wait_dma2 semaphore(%run_scoped3A : memref<!tpu.dma_semaphore, #tpu.memory_space<semaphore_mem>>) src(%dma_wait3A_208 : memref<632x16xf32, #tpu.memory_space<hbm>>) dst(%dma_wait3A_206 : memref<632x16xf32, #tpu.memory_space<vmem_shared>>)
      tpu.yield
    }) : () -> ()
    %mul3A_3 = arith.constant 80 : i32
    %mul3A_4 = arith.muli %add3A, %mul3A_3 : i32
    "tpu.region"() ({
      %run_scoped3A = tpu.sem_alloc : memref<!tpu.dma_semaphore, #tpu.memory_space<semaphore_mem>>
      %dma_start3A_201 = arith.constant 0 : i32
      %dma_start3A_202 = tpu.memref_slice %arg3[%mul3A_4, %dma_start3A_201] : memref<2560x128xi32, #tpu.memory_space<hbm>> -> memref<80x128xi32, #tpu.memory_space<hbm>>
      %dma_start3A_203 = arith.constant 0 : i32
      %dma_start3A_204 = tpu.memref_slice %arg3[%mul3A_4, %dma_start3A_203] : memref<2560x128xi32, #tpu.memory_space<hbm>> -> memref<80x128xi32, #tpu.memory_space<hbm>>
      tpu.enqueue_dma source(%dma_start3A_204 : memref<80x128xi32, #tpu.memory_space<hbm>>) target(%arg9 : memref<80x128xi32, #tpu.memory_space<vmem>>) target_semaphore(%run_scoped3A : memref<!tpu.dma_semaphore, #tpu.memory_space<semaphore_mem>>)
      %dma_wait3A_205 = arith.constant 0 : i32
      %dma_wait3A_206 = tpu.memref_slice %arg3[%mul3A_4, %dma_wait3A_205] : memref<2560x128xi32, #tpu.memory_space<hbm>> -> memref<80x128xi32, #tpu.memory_space<hbm>>
      %dma_wait3A_207 = arith.constant 0 : i32
      %dma_wait3A_208 = tpu.memref_slice %arg3[%mul3A_4, %dma_wait3A_207] : memref<2560x128xi32, #tpu.memory_space<hbm>> -> memref<80x128xi32, #tpu.memory_space<hbm>>
      tpu.wait_dma2 semaphore(%run_scoped3A : memref<!tpu.dma_semaphore, #tpu.memory_space<semaphore_mem>>) src(%dma_wait3A_208 : memref<80x128xi32, #tpu.memory_space<hbm>>) dst(%arg9 : memref<80x128xi32, #tpu.memory_space<vmem>>)
      tpu.yield
    }) : () -> ()
    %mul3A_5 = arith.constant 80 : i32
    %mul3A_6 = arith.muli %add3A, %mul3A_5 : i32
    "tpu.region"() ({
      %run_scoped3A = tpu.sem_alloc : memref<!tpu.dma_semaphore, #tpu.memory_space<semaphore_mem>>
      %dma_start3A_201 = arith.constant 0 : i32
      %dma_start3A_202 = tpu.memref_slice %arg4[%mul3A_6, %dma_start3A_201] : memref<2560x128xi32, #tpu.memory_space<hbm>> -> memref<80x128xi32, #tpu.memory_space<hbm>>
      %dma_start3A_203 = arith.constant 0 : i32
      %dma_start3A_204 = tpu.memref_slice %arg4[%mul3A_6, %dma_start3A_203] : memref<2560x128xi32, #tpu.memory_space<hbm>> -> memref<80x128xi32, #tpu.memory_space<hbm>>
      tpu.enqueue_dma source(%dma_start3A_204 : memref<80x128xi32, #tpu.memory_space<hbm>>) target(%arg10 : memref<80x128xi32, #tpu.memory_space<vmem>>) target_semaphore(%run_scoped3A : memref<!tpu.dma_semaphore, #tpu.memory_space<semaphore_mem>>)
      %dma_wait3A_205 = arith.constant 0 : i32
      %dma_wait3A_206 = tpu.memref_slice %arg4[%mul3A_6, %dma_wait3A_205] : memref<2560x128xi32, #tpu.memory_space<hbm>> -> memref<80x128xi32, #tpu.memory_space<hbm>>
      %dma_wait3A_207 = arith.constant 0 : i32
      %dma_wait3A_208 = tpu.memref_slice %arg4[%mul3A_6, %dma_wait3A_207] : memref<2560x128xi32, #tpu.memory_space<hbm>> -> memref<80x128xi32, #tpu.memory_space<hbm>>
      tpu.wait_dma2 semaphore(%run_scoped3A : memref<!tpu.dma_semaphore, #tpu.memory_space<semaphore_mem>>) src(%dma_wait3A_208 : memref<80x128xi32, #tpu.memory_space<hbm>>) dst(%arg10 : memref<80x128xi32, #tpu.memory_space<vmem>>)
      tpu.yield
    }) : () -> ()
    %barrier3A = arith.constant 0 : index
    tpu.barrier barrier_id(%barrier3A)
    %dma_start3A = arith.constant 0 : i32
    %dma_start3A_7 = arith.constant 0 : i32
    %dma_start3A_8 = arith.constant 0 : i32
    %dma_start3A_9 = arith.constant 0 : i32
    %dma_start3A_10 = arith.constant 0 : i32
    %dma_start3A_11 = tpu.memref_slice %arg11[%dma_start3A_7, %dma_start3A_9, %dma_start3A_10] : memref<8x128x16xf32, #tpu.memory_space<vmem>> -> memref<1x128x16xf32, #tpu.memory_space<vmem>>
    %dma_start3A_12 = tpu.memref_squeeze %dma_start3A_11 : memref<1x128x16xf32, #tpu.memory_space<vmem>> -> memref<128x16xf32, #tpu.memory_space<vmem>>
    %dma_start3A_13 = arith.constant 0 : i32
    %dma_start3A_14 = tpu.memref_slice %arg9[%dma_start3A, %dma_start3A_13] : memref<80x128xi32, #tpu.memory_space<vmem>> -> memref<1x128xi32, #tpu.memory_space<vmem>>
    %dma_start3A_15 = tpu.memref_squeeze %dma_start3A_14 : memref<1x128xi32, #tpu.memory_space<vmem>> -> memref<128xi32, #tpu.memory_space<vmem>>
    %dma_start3A_16 = arith.constant 0 : i32
    %dma_start3A_17 = arith.constant 0 : i32
    %dma_start3A_18 = tpu.memref_slice %arg2[%dma_start3A_16, %dma_start3A_17] : memref<10000x16xf32, #tpu.memory_space<hbm>> -> memref<10000x16xf32, #tpu.memory_space<hbm>>
    %dma_start3A_19 = tpu.memref_slice %arg14[%dma_start3A_8] : memref<8x!tpu.dma_semaphore, #tpu.memory_space<semaphore_mem>> -> memref<1x!tpu.dma_semaphore, #tpu.memory_space<semaphore_mem>>
    %dma_start3A_20 = tpu.memref_squeeze %dma_start3A_19 : memref<1x!tpu.dma_semaphore, #tpu.memory_space<semaphore_mem>> -> memref<!tpu.dma_semaphore, #tpu.memory_space<semaphore_mem>>
    tpu.enqueue_indirect_dma source(%dma_start3A_18 : memref<10000x16xf32, #tpu.memory_space<hbm>>) target(%dma_start3A_12 : memref<128x16xf32, #tpu.memory_space<vmem>>) offsets(%dma_start3A_15 : memref<128xi32, #tpu.memory_space<vmem>>) semaphore(%dma_start3A_20 : memref<!tpu.dma_semaphore, #tpu.memory_space<semaphore_mem>>)
    %dma_start3A_21 = arith.constant 1 : i32
    %dma_start3A_22 = arith.constant 1 : i32
    %dma_start3A_23 = arith.constant 1 : i32
    %dma_start3A_24 = arith.constant 0 : i32
    %dma_start3A_25 = arith.constant 0 : i32
    %dma_start3A_26 = tpu.memref_slice %arg11[%dma_start3A_22, %dma_start3A_24, %dma_start3A_25] : memref<8x128x16xf32, #tpu.memory_space<vmem>> -> memref<1x128x16xf32, #tpu.memory_space<vmem>>
    %dma_start3A_27 = tpu.memref_squeeze %dma_start3A_26 : memref<1x128x16xf32, #tpu.memory_space<vmem>> -> memref<128x16xf32, #tpu.memory_space<vmem>>
    %dma_start3A_28 = arith.constant 0 : i32
    %dma_start3A_29 = tpu.memref_slice %arg9[%dma_start3A_21, %dma_start3A_28] : memref<80x128xi32, #tpu.memory_space<vmem>> -> memref<1x128xi32, #tpu.memory_space<vmem>>
    %dma_start3A_30 = tpu.memref_squeeze %dma_start3A_29 : memref<1x128xi32, #tpu.memory_space<vmem>> -> memref<128xi32, #tpu.memory_space<vmem>>
    %dma_start3A_31 = arith.constant 0 : i32
    %dma_start3A_32 = arith.constant 0 : i32
    %dma_start3A_33 = tpu.memref_slice %arg2[%dma_start3A_31, %dma_start3A_32] : memref<10000x16xf32, #tpu.memory_space<hbm>> -> memref<10000x16xf32, #tpu.memory_space<hbm>>
    %dma_start3A_34 = tpu.memref_slice %arg14[%dma_start3A_23] : memref<8x!tpu.dma_semaphore, #tpu.memory_space<semaphore_mem>> -> memref<1x!tpu.dma_semaphore, #tpu.memory_space<semaphore_mem>>
    %dma_start3A_35 = tpu.memref_squeeze %dma_start3A_34 : memref<1x!tpu.dma_semaphore, #tpu.memory_space<semaphore_mem>> -> memref<!tpu.dma_semaphore, #tpu.memory_space<semaphore_mem>>
    tpu.enqueue_indirect_dma source(%dma_start3A_33 : memref<10000x16xf32, #tpu.memory_space<hbm>>) target(%dma_start3A_27 : memref<128x16xf32, #tpu.memory_space<vmem>>) offsets(%dma_start3A_30 : memref<128xi32, #tpu.memory_space<vmem>>) semaphore(%dma_start3A_35 : memref<!tpu.dma_semaphore, #tpu.memory_space<semaphore_mem>>)
    %dma_start3A_36 = arith.constant 2 : i32
    %dma_start3A_37 = arith.constant 2 : i32
    %dma_start3A_38 = arith.constant 2 : i32
    %dma_start3A_39 = arith.constant 0 : i32
    %dma_start3A_40 = arith.constant 0 : i32
    %dma_start3A_41 = tpu.memref_slice %arg11[%dma_start3A_37, %dma_start3A_39, %dma_start3A_40] : memref<8x128x16xf32, #tpu.memory_space<vmem>> -> memref<1x128x16xf32, #tpu.memory_space<vmem>>
    %dma_start3A_42 = tpu.memref_squeeze %dma_start3A_41 : memref<1x128x16xf32, #tpu.memory_space<vmem>> -> memref<128x16xf32, #tpu.memory_space<vmem>>
    %dma_start3A_43 = arith.constant 0 : i32
    %dma_start3A_44 = tpu.memref_slice %arg9[%dma_start3A_36, %dma_start3A_43] : memref<80x128xi32, #tpu.memory_space<vmem>> -> memref<1x128xi32, #tpu.memory_space<vmem>>
    %dma_start3A_45 = tpu.memref_squeeze %dma_start3A_44 : memref<1x128xi32, #tpu.memory_space<vmem>> -> memref<128xi32, #tpu.memory_space<vmem>>
    %dma_start3A_46 = arith.constant 0 : i32
    %dma_start3A_47 = arith.constant 0 : i32
    %dma_start3A_48 = tpu.memref_slice %arg2[%dma_start3A_46, %dma_start3A_47] : memref<10000x16xf32, #tpu.memory_space<hbm>> -> memref<10000x16xf32, #tpu.memory_space<hbm>>
    %dma_start3A_49 = tpu.memref_slice %arg14[%dma_start3A_38] : memref<8x!tpu.dma_semaphore, #tpu.memory_space<semaphore_mem>> -> memref<1x!tpu.dma_semaphore, #tpu.memory_space<semaphore_mem>>
    %dma_start3A_50 = tpu.memref_squeeze %dma_start3A_49 : memref<1x!tpu.dma_semaphore, #tpu.memory_space<semaphore_mem>> -> memref<!tpu.dma_semaphore, #tpu.memory_space<semaphore_mem>>
    tpu.enqueue_indirect_dma source(%dma_start3A_48 : memref<10000x16xf32, #tpu.memory_space<hbm>>) target(%dma_start3A_42 : memref<128x16xf32, #tpu.memory_space<vmem>>) offsets(%dma_start3A_45 : memref<128xi32, #tpu.memory_space<vmem>>) semaphore(%dma_start3A_50 : memref<!tpu.dma_semaphore, #tpu.memory_space<semaphore_mem>>)
    %dma_start3A_51 = arith.constant 3 : i32
    %dma_start3A_52 = arith.constant 3 : i32
    %dma_start3A_53 = arith.constant 3 : i32
    %dma_start3A_54 = arith.constant 0 : i32
    %dma_start3A_55 = arith.constant 0 : i32
    %dma_start3A_56 = tpu.memref_slice %arg11[%dma_start3A_52, %dma_start3A_54, %dma_start3A_55] : memref<8x128x16xf32, #tpu.memory_space<vmem>> -> memref<1x128x16xf32, #tpu.memory_space<vmem>>
    %dma_start3A_57 = tpu.memref_squeeze %dma_start3A_56 : memref<1x128x16xf32, #tpu.memory_space<vmem>> -> memref<128x16xf32, #tpu.memory_space<vmem>>
    %dma_start3A_58 = arith.constant 0 : i32
    %dma_start3A_59 = tpu.memref_slice %arg9[%dma_start3A_51, %dma_start3A_58] : memref<80x128xi32, #tpu.memory_space<vmem>> -> memref<1x128xi32, #tpu.memory_space<vmem>>
    %dma_start3A_60 = tpu.memref_squeeze %dma_start3A_59 : memref<1x128xi32, #tpu.memory_space<vmem>> -> memref<128xi32, #tpu.memory_space<vmem>>
    %dma_start3A_61 = arith.constant 0 : i32
    %dma_start3A_62 = arith.constant 0 : i32
    %dma_start3A_63 = tpu.memref_slice %arg2[%dma_start3A_61, %dma_start3A_62] : memref<10000x16xf32, #tpu.memory_space<hbm>> -> memref<10000x16xf32, #tpu.memory_space<hbm>>
    %dma_start3A_64 = tpu.memref_slice %arg14[%dma_start3A_53] : memref<8x!tpu.dma_semaphore, #tpu.memory_space<semaphore_mem>> -> memref<1x!tpu.dma_semaphore, #tpu.memory_space<semaphore_mem>>
    %dma_start3A_65 = tpu.memref_squeeze %dma_start3A_64 : memref<1x!tpu.dma_semaphore, #tpu.memory_space<semaphore_mem>> -> memref<!tpu.dma_semaphore, #tpu.memory_space<semaphore_mem>>
    tpu.enqueue_indirect_dma source(%dma_start3A_63 : memref<10000x16xf32, #tpu.memory_space<hbm>>) target(%dma_start3A_57 : memref<128x16xf32, #tpu.memory_space<vmem>>) offsets(%dma_start3A_60 : memref<128xi32, #tpu.memory_space<vmem>>) semaphore(%dma_start3A_65 : memref<!tpu.dma_semaphore, #tpu.memory_space<semaphore_mem>>)
    %scan3A = arith.constant 0 : i32
    %scan3A_66 = arith.constant 0 : i32
    %scan3A_67 = arith.constant 80 : i32
    %scan3A_68 = arith.addi %scan3A_66, %scan3A_67 : i32
    %scan3A_69 = arith.constant 1 : i32
    %scan3A_70 = scf.for %scan3A_201 = %scan3A_66 to %scan3A_68 step %scan3A_69 iter_args(%scan3A_202 = %scan3A) -> (i32)  : i32 {
      %jit3A = arith.constant 8 : i32
      %eq3A_203 = arith.constant 0 : i32
      %eq3A_204 = arith.cmpi eq, %jit3A, %eq3A_203 : i32
      %jit3A_205 = arith.constant 1 : i32
      %select_n3A = arith.select %eq3A_204, %jit3A_205, %jit3A : i32
      %rem3A = arith.remsi %scan3A_201, %select_n3A : i32
      %ne3A = arith.constant 0 : i32
      %ne3A_206 = arith.cmpi ne, %rem3A, %ne3A : i32
      %lt3A = arith.constant 0 : i32
      %lt3A_207 = arith.cmpi slt, %rem3A, %lt3A : i32
      %lt3A_208 = arith.constant 0 : i32
      %lt3A_209 = arith.cmpi slt, %select_n3A, %lt3A_208 : i32
      %ne3A_210 = arith.xori %lt3A_207, %lt3A_209 : i1
      %and3A = arith.andi %ne3A_210, %ne3A_206 : i1
      %add3A_211 = arith.addi %rem3A, %select_n3A : i32
      %select_n3A_212 = arith.select %and3A, %add3A_211, %rem3A : i32
      %eq3A_213 = arith.constant 0 : i32
      %eq3A_214 = arith.cmpi eq, %select_n3A_212, %eq3A_213 : i32
      %convert_element_type3A_215 = arith.extui %eq3A_214 : i1 to i32
      %cond3A_216 = arith.constant 0 : i32
      %cond3A_217 = arith.cmpi ne, %convert_element_type3A_215, %cond3A_216 : i32
      scf.if %cond3A_217 {
        %add3A_254 = arith.constant 4 : i32
        %add3A_255 = arith.addi %scan3A_201, %add3A_254 : i32
        %lt3A_256 = arith.constant 80 : i32
        %lt3A_257 = arith.cmpi slt, %add3A_255, %lt3A_256 : i32
        %convert_element_type3A_258 = arith.extui %lt3A_257 : i1 to i32
        %cond3A_259 = arith.constant 0 : i32
        %cond3A_260 = arith.cmpi ne, %convert_element_type3A_258, %cond3A_259 : i32
        scf.if %cond3A_260 {
          %ge3A = arith.constant 4 : i32
          %ge3A_289 = arith.cmpi sge, %scan3A_201, %ge3A : i32
          %convert_element_type3A_290 = arith.extui %ge3A_289 : i1 to i32
          %cond3A_291 = arith.constant 0 : i32
          %cond3A_292 = arith.cmpi ne, %convert_element_type3A_290, %cond3A_291 : i32
          scf.if %cond3A_292 {
            %dma_wait3A_309 = arith.constant 4 : i32
            %dma_wait3A_310 = arith.constant 0 : i32
            %dma_wait3A_311 = arith.constant 4 : i32
            %dma_wait3A_312 = arith.constant 0 : i32
            %dma_wait3A_313 = arith.constant 0 : i32
            %dma_wait3A_314 = tpu.memref_slice %arg11[%dma_wait3A_309, %dma_wait3A_312, %dma_wait3A_313] : memref<8x128x16xf32, #tpu.memory_space<vmem>> -> memref<1x128x16xf32, #tpu.memory_space<vmem>>
            %dma_wait3A_315 = tpu.memref_squeeze %dma_wait3A_314 : memref<1x128x16xf32, #tpu.memory_space<vmem>> -> memref<128x16xf32, #tpu.memory_space<vmem>>
            %dma_wait3A_316 = arith.constant 0 : i32
            %dma_wait3A_317 = tpu.memref_slice %arg10[%dma_wait3A_310, %dma_wait3A_316] : memref<80x128xi32, #tpu.memory_space<vmem>> -> memref<1x128xi32, #tpu.memory_space<vmem>>
            %dma_wait3A_318 = tpu.memref_squeeze %dma_wait3A_317 : memref<1x128xi32, #tpu.memory_space<vmem>> -> memref<128xi32, #tpu.memory_space<vmem>>
            %dma_wait3A_319 = arith.constant 0 : i32
            %dma_wait3A_320 = arith.constant 0 : i32
            %dma_wait3A_321 = tpu.memref_slice %arg13[%dma_wait3A_319, %dma_wait3A_320] : memref<10112x16xf32, #tpu.memory_space<vmem_shared>> -> memref<10112x16xf32, #tpu.memory_space<vmem_shared>>
            %dma_wait3A_322 = tpu.memref_slice %arg15[%dma_wait3A_311] : memref<8x!tpu.dma_semaphore, #tpu.memory_space<semaphore_mem>> -> memref<1x!tpu.dma_semaphore, #tpu.memory_space<semaphore_mem>>
            %dma_wait3A_323 = tpu.memref_squeeze %dma_wait3A_322 : memref<1x!tpu.dma_semaphore, #tpu.memory_space<semaphore_mem>> -> memref<!tpu.dma_semaphore, #tpu.memory_space<semaphore_mem>>
            tpu.wait_indirect_dma semaphore(%dma_wait3A_323 : memref<!tpu.dma_semaphore, #tpu.memory_space<semaphore_mem>>) src(%dma_wait3A_315 : memref<128x16xf32, #tpu.memory_space<vmem>>) dst(%dma_wait3A_321 : memref<10112x16xf32, #tpu.memory_space<vmem_shared>>)
          } else {
          }
          %add3A_293 = arith.constant 4 : i32
          %add3A_294 = arith.addi %scan3A_201, %add3A_293 : i32
          %dma_start3A_295 = arith.constant 4 : i32
          %dma_start3A_296 = arith.constant 4 : i32
          %dma_start3A_297 = arith.constant 0 : i32
          %dma_start3A_298 = arith.constant 0 : i32
          %dma_start3A_299 = tpu.memref_slice %arg11[%dma_start3A_295, %dma_start3A_297, %dma_start3A_298] : memref<8x128x16xf32, #tpu.memory_space<vmem>> -> memref<1x128x16xf32, #tpu.memory_space<vmem>>
          %dma_start3A_300 = tpu.memref_squeeze %dma_start3A_299 : memref<1x128x16xf32, #tpu.memory_space<vmem>> -> memref<128x16xf32, #tpu.memory_space<vmem>>
          %dma_start3A_301 = arith.constant 0 : i32
          %dma_start3A_302 = tpu.memref_slice %arg9[%add3A_294, %dma_start3A_301] : memref<80x128xi32, #tpu.memory_space<vmem>> -> memref<1x128xi32, #tpu.memory_space<vmem>>
          %dma_start3A_303 = tpu.memref_squeeze %dma_start3A_302 : memref<1x128xi32, #tpu.memory_space<vmem>> -> memref<128xi32, #tpu.memory_space<vmem>>
          %dma_start3A_304 = arith.constant 0 : i32
          %dma_start3A_305 = arith.constant 0 : i32
          %dma_start3A_306 = tpu.memref_slice %arg2[%dma_start3A_304, %dma_start3A_305] : memref<10000x16xf32, #tpu.memory_space<hbm>> -> memref<10000x16xf32, #tpu.memory_space<hbm>>
          %dma_start3A_307 = tpu.memref_slice %arg14[%dma_start3A_296] : memref<8x!tpu.dma_semaphore, #tpu.memory_space<semaphore_mem>> -> memref<1x!tpu.dma_semaphore, #tpu.memory_space<semaphore_mem>>
          %dma_start3A_308 = tpu.memref_squeeze %dma_start3A_307 : memref<1x!tpu.dma_semaphore, #tpu.memory_space<semaphore_mem>> -> memref<!tpu.dma_semaphore, #tpu.memory_space<semaphore_mem>>
          tpu.enqueue_indirect_dma source(%dma_start3A_306 : memref<10000x16xf32, #tpu.memory_space<hbm>>) target(%dma_start3A_300 : memref<128x16xf32, #tpu.memory_space<vmem>>) offsets(%dma_start3A_303 : memref<128xi32, #tpu.memory_space<vmem>>) semaphore(%dma_start3A_308 : memref<!tpu.dma_semaphore, #tpu.memory_space<semaphore_mem>>)
        } else {
        }
        %dma_wait3A_261 = arith.constant 0 : i32
        %dma_wait3A_262 = arith.constant 0 : i32
        %dma_wait3A_263 = arith.constant 0 : i32
        %dma_wait3A_264 = arith.constant 0 : i32
        %dma_wait3A_265 = tpu.memref_slice %arg11[%dma_wait3A_261, %dma_wait3A_263, %dma_wait3A_264] : memref<8x128x16xf32, #tpu.memory_space<vmem>> -> memref<1x128x16xf32, #tpu.memory_space<vmem>>
        %dma_wait3A_266 = tpu.memref_squeeze %dma_wait3A_265 : memref<1x128x16xf32, #tpu.memory_space<vmem>> -> memref<128x16xf32, #tpu.memory_space<vmem>>
        %dma_wait3A_267 = arith.constant 0 : i32
        %dma_wait3A_268 = tpu.memref_slice %arg9[%scan3A_201, %dma_wait3A_267] : memref<80x128xi32, #tpu.memory_space<vmem>> -> memref<1x128xi32, #tpu.memory_space<vmem>>
        %dma_wait3A_269 = tpu.memref_squeeze %dma_wait3A_268 : memref<1x128xi32, #tpu.memory_space<vmem>> -> memref<128xi32, #tpu.memory_space<vmem>>
        %dma_wait3A_270 = arith.constant 0 : i32
        %dma_wait3A_271 = arith.constant 0 : i32
        %dma_wait3A_272 = tpu.memref_slice %arg2[%dma_wait3A_270, %dma_wait3A_271] : memref<10000x16xf32, #tpu.memory_space<hbm>> -> memref<10000x16xf32, #tpu.memory_space<hbm>>
        %dma_wait3A_273 = tpu.memref_slice %arg14[%dma_wait3A_262] : memref<8x!tpu.dma_semaphore, #tpu.memory_space<semaphore_mem>> -> memref<1x!tpu.dma_semaphore, #tpu.memory_space<semaphore_mem>>
        %dma_wait3A_274 = tpu.memref_squeeze %dma_wait3A_273 : memref<1x!tpu.dma_semaphore, #tpu.memory_space<semaphore_mem>> -> memref<!tpu.dma_semaphore, #tpu.memory_space<semaphore_mem>>
        tpu.wait_indirect_dma semaphore(%dma_wait3A_274 : memref<!tpu.dma_semaphore, #tpu.memory_space<semaphore_mem>>) src(%dma_wait3A_272 : memref<10000x16xf32, #tpu.memory_space<hbm>>) dst(%dma_wait3A_266 : memref<128x16xf32, #tpu.memory_space<vmem>>)
        %dma_start3A_275 = arith.constant 0 : i32
        %dma_start3A_276 = arith.constant 0 : i32
        %dma_start3A_277 = arith.constant 0 : i32
        %dma_start3A_278 = arith.constant 0 : i32
        %dma_start3A_279 = tpu.memref_slice %arg11[%dma_start3A_275, %dma_start3A_277, %dma_start3A_278] : memref<8x128x16xf32, #tpu.memory_space<vmem>> -> memref<1x128x16xf32, #tpu.memory_space<vmem>>
        %dma_start3A_280 = tpu.memref_squeeze %dma_start3A_279 : memref<1x128x16xf32, #tpu.memory_space<vmem>> -> memref<128x16xf32, #tpu.memory_space<vmem>>
        %dma_start3A_281 = arith.constant 0 : i32
        %dma_start3A_282 = tpu.memref_slice %arg10[%scan3A_201, %dma_start3A_281] : memref<80x128xi32, #tpu.memory_space<vmem>> -> memref<1x128xi32, #tpu.memory_space<vmem>>
        %dma_start3A_283 = tpu.memref_squeeze %dma_start3A_282 : memref<1x128xi32, #tpu.memory_space<vmem>> -> memref<128xi32, #tpu.memory_space<vmem>>
        %dma_start3A_284 = arith.constant 0 : i32
        %dma_start3A_285 = arith.constant 0 : i32
        %dma_start3A_286 = tpu.memref_slice %arg13[%dma_start3A_284, %dma_start3A_285] : memref<10112x16xf32, #tpu.memory_space<vmem_shared>> -> memref<10112x16xf32, #tpu.memory_space<vmem_shared>>
        %dma_start3A_287 = tpu.memref_slice %arg15[%dma_start3A_276] : memref<8x!tpu.dma_semaphore, #tpu.memory_space<semaphore_mem>> -> memref<1x!tpu.dma_semaphore, #tpu.memory_space<semaphore_mem>>
        %dma_start3A_288 = tpu.memref_squeeze %dma_start3A_287 : memref<1x!tpu.dma_semaphore, #tpu.memory_space<semaphore_mem>> -> memref<!tpu.dma_semaphore, #tpu.memory_space<semaphore_mem>>
        tpu.enqueue_indirect_dma source(%dma_start3A_280 : memref<128x16xf32, #tpu.memory_space<vmem>>) target(%dma_start3A_286 : memref<10112x16xf32, #tpu.memory_space<vmem_shared>>) offsets(%dma_start3A_283 : memref<128xi32, #tpu.memory_space<vmem>>) semaphore(%dma_start3A_288 : memref<!tpu.dma_semaphore, #tpu.memory_space<semaphore_mem>>) {add = true}
      } else {
      }
      %eq3A_218 = arith.constant 1 : i32
      %eq3A_219 = arith.cmpi eq, %select_n3A_212, %eq3A_218 : i32
      %convert_element_type3A_220 = arith.extui %eq3A_219 : i1 to i32
      %cond3A_221 = arith.constant 0 : i32
      %cond3A_222 = arith.cmpi ne, %convert_element_type3A_220, %cond3A_221 : i32
      scf.if %cond3A_222 {
        %add3A_254 = arith.constant 4 : i32
        %add3A_255 = arith.addi %scan3A_201, %add3A_254 : i32
        %lt3A_256 = arith.constant 80 : i32
        %lt3A_257 = arith.cmpi slt, %add3A_255, %lt3A_256 : i32
        %convert_element_type3A_258 = arith.extui %lt3A_257 : i1 to i32
        %cond3A_259 = arith.constant 0 : i32
        %cond3A_260 = arith.cmpi ne, %convert_element_type3A_258, %cond3A_259 : i32
        scf.if %cond3A_260 {
          %ge3A = arith.constant 4 : i32
          %ge3A_289 = arith.cmpi sge, %scan3A_201, %ge3A : i32
          %convert_element_type3A_290 = arith.extui %ge3A_289 : i1 to i32
          %cond3A_291 = arith.constant 0 : i32
          %cond3A_292 = arith.cmpi ne, %convert_element_type3A_290, %cond3A_291 : i32
          scf.if %cond3A_292 {
            %dma_wait3A_309 = arith.constant 5 : i32
            %dma_wait3A_310 = arith.constant 0 : i32
            %dma_wait3A_311 = arith.constant 5 : i32
            %dma_wait3A_312 = arith.constant 0 : i32
            %dma_wait3A_313 = arith.constant 0 : i32
            %dma_wait3A_314 = tpu.memref_slice %arg11[%dma_wait3A_309, %dma_wait3A_312, %dma_wait3A_313] : memref<8x128x16xf32, #tpu.memory_space<vmem>> -> memref<1x128x16xf32, #tpu.memory_space<vmem>>
            %dma_wait3A_315 = tpu.memref_squeeze %dma_wait3A_314 : memref<1x128x16xf32, #tpu.memory_space<vmem>> -> memref<128x16xf32, #tpu.memory_space<vmem>>
            %dma_wait3A_316 = arith.constant 0 : i32
            %dma_wait3A_317 = tpu.memref_slice %arg10[%dma_wait3A_310, %dma_wait3A_316] : memref<80x128xi32, #tpu.memory_space<vmem>> -> memref<1x128xi32, #tpu.memory_space<vmem>>
            %dma_wait3A_318 = tpu.memref_squeeze %dma_wait3A_317 : memref<1x128xi32, #tpu.memory_space<vmem>> -> memref<128xi32, #tpu.memory_space<vmem>>
            %dma_wait3A_319 = arith.constant 0 : i32
            %dma_wait3A_320 = arith.constant 0 : i32
            %dma_wait3A_321 = tpu.memref_slice %arg13[%dma_wait3A_319, %dma_wait3A_320] : memref<10112x16xf32, #tpu.memory_space<vmem_shared>> -> memref<10112x16xf32, #tpu.memory_space<vmem_shared>>
            %dma_wait3A_322 = tpu.memref_slice %arg15[%dma_wait3A_311] : memref<8x!tpu.dma_semaphore, #tpu.memory_space<semaphore_mem>> -> memref<1x!tpu.dma_semaphore, #tpu.memory_space<semaphore_mem>>
            %dma_wait3A_323 = tpu.memref_squeeze %dma_wait3A_322 : memref<1x!tpu.dma_semaphore, #tpu.memory_space<semaphore_mem>> -> memref<!tpu.dma_semaphore, #tpu.memory_space<semaphore_mem>>
            tpu.wait_indirect_dma semaphore(%dma_wait3A_323 : memref<!tpu.dma_semaphore, #tpu.memory_space<semaphore_mem>>) src(%dma_wait3A_315 : memref<128x16xf32, #tpu.memory_space<vmem>>) dst(%dma_wait3A_321 : memref<10112x16xf32, #tpu.memory_space<vmem_shared>>)
          } else {
          }
          %add3A_293 = arith.constant 4 : i32
          %add3A_294 = arith.addi %scan3A_201, %add3A_293 : i32
          %dma_start3A_295 = arith.constant 5 : i32
          %dma_start3A_296 = arith.constant 5 : i32
          %dma_start3A_297 = arith.constant 0 : i32
          %dma_start3A_298 = arith.constant 0 : i32
          %dma_start3A_299 = tpu.memref_slice %arg11[%dma_start3A_295, %dma_start3A_297, %dma_start3A_298] : memref<8x128x16xf32, #tpu.memory_space<vmem>> -> memref<1x128x16xf32, #tpu.memory_space<vmem>>
          %dma_start3A_300 = tpu.memref_squeeze %dma_start3A_299 : memref<1x128x16xf32, #tpu.memory_space<vmem>> -> memref<128x16xf32, #tpu.memory_space<vmem>>
          %dma_start3A_301 = arith.constant 0 : i32
          %dma_start3A_302 = tpu.memref_slice %arg9[%add3A_294, %dma_start3A_301] : memref<80x128xi32, #tpu.memory_space<vmem>> -> memref<1x128xi32, #tpu.memory_space<vmem>>
          %dma_start3A_303 = tpu.memref_squeeze %dma_start3A_302 : memref<1x128xi32, #tpu.memory_space<vmem>> -> memref<128xi32, #tpu.memory_space<vmem>>
          %dma_start3A_304 = arith.constant 0 : i32
          %dma_start3A_305 = arith.constant 0 : i32
          %dma_start3A_306 = tpu.memref_slice %arg2[%dma_start3A_304, %dma_start3A_305] : memref<10000x16xf32, #tpu.memory_space<hbm>> -> memref<10000x16xf32, #tpu.memory_space<hbm>>
          %dma_start3A_307 = tpu.memref_slice %arg14[%dma_start3A_296] : memref<8x!tpu.dma_semaphore, #tpu.memory_space<semaphore_mem>> -> memref<1x!tpu.dma_semaphore, #tpu.memory_space<semaphore_mem>>
          %dma_start3A_308 = tpu.memref_squeeze %dma_start3A_307 : memref<1x!tpu.dma_semaphore, #tpu.memory_space<semaphore_mem>> -> memref<!tpu.dma_semaphore, #tpu.memory_space<semaphore_mem>>
          tpu.enqueue_indirect_dma source(%dma_start3A_306 : memref<10000x16xf32, #tpu.memory_space<hbm>>) target(%dma_start3A_300 : memref<128x16xf32, #tpu.memory_space<vmem>>) offsets(%dma_start3A_303 : memref<128xi32, #tpu.memory_space<vmem>>) semaphore(%dma_start3A_308 : memref<!tpu.dma_semaphore, #tpu.memory_space<semaphore_mem>>)
        } else {
        }
        %dma_wait3A_261 = arith.constant 1 : i32
        %dma_wait3A_262 = arith.constant 1 : i32
        %dma_wait3A_263 = arith.constant 0 : i32
        %dma_wait3A_264 = arith.constant 0 : i32
        %dma_wait3A_265 = tpu.memref_slice %arg11[%dma_wait3A_261, %dma_wait3A_263, %dma_wait3A_264] : memref<8x128x16xf32, #tpu.memory_space<vmem>> -> memref<1x128x16xf32, #tpu.memory_space<vmem>>
        %dma_wait3A_266 = tpu.memref_squeeze %dma_wait3A_265 : memref<1x128x16xf32, #tpu.memory_space<vmem>> -> memref<128x16xf32, #tpu.memory_space<vmem>>
        %dma_wait3A_267 = arith.constant 0 : i32
        %dma_wait3A_268 = tpu.memref_slice %arg9[%scan3A_201, %dma_wait3A_267] : memref<80x128xi32, #tpu.memory_space<vmem>> -> memref<1x128xi32, #tpu.memory_space<vmem>>
        %dma_wait3A_269 = tpu.memref_squeeze %dma_wait3A_268 : memref<1x128xi32, #tpu.memory_space<vmem>> -> memref<128xi32, #tpu.memory_space<vmem>>
        %dma_wait3A_270 = arith.constant 0 : i32
        %dma_wait3A_271 = arith.constant 0 : i32
        %dma_wait3A_272 = tpu.memref_slice %arg2[%dma_wait3A_270, %dma_wait3A_271] : memref<10000x16xf32, #tpu.memory_space<hbm>> -> memref<10000x16xf32, #tpu.memory_space<hbm>>
        %dma_wait3A_273 = tpu.memref_slice %arg14[%dma_wait3A_262] : memref<8x!tpu.dma_semaphore, #tpu.memory_space<semaphore_mem>> -> memref<1x!tpu.dma_semaphore, #tpu.memory_space<semaphore_mem>>
        %dma_wait3A_274 = tpu.memref_squeeze %dma_wait3A_273 : memref<1x!tpu.dma_semaphore, #tpu.memory_space<semaphore_mem>> -> memref<!tpu.dma_semaphore, #tpu.memory_space<semaphore_mem>>
        tpu.wait_indirect_dma semaphore(%dma_wait3A_274 : memref<!tpu.dma_semaphore, #tpu.memory_space<semaphore_mem>>) src(%dma_wait3A_272 : memref<10000x16xf32, #tpu.memory_space<hbm>>) dst(%dma_wait3A_266 : memref<128x16xf32, #tpu.memory_space<vmem>>)
        %dma_start3A_275 = arith.constant 1 : i32
        %dma_start3A_276 = arith.constant 1 : i32
        %dma_start3A_277 = arith.constant 0 : i32
        %dma_start3A_278 = arith.constant 0 : i32
        %dma_start3A_279 = tpu.memref_slice %arg11[%dma_start3A_275, %dma_start3A_277, %dma_start3A_278] : memref<8x128x16xf32, #tpu.memory_space<vmem>> -> memref<1x128x16xf32, #tpu.memory_space<vmem>>
        %dma_start3A_280 = tpu.memref_squeeze %dma_start3A_279 : memref<1x128x16xf32, #tpu.memory_space<vmem>> -> memref<128x16xf32, #tpu.memory_space<vmem>>
        %dma_start3A_281 = arith.constant 0 : i32
        %dma_start3A_282 = tpu.memref_slice %arg10[%scan3A_201, %dma_start3A_281] : memref<80x128xi32, #tpu.memory_space<vmem>> -> memref<1x128xi32, #tpu.memory_space<vmem>>
        %dma_start3A_283 = tpu.memref_squeeze %dma_start3A_282 : memref<1x128xi32, #tpu.memory_space<vmem>> -> memref<128xi32, #tpu.memory_space<vmem>>
        %dma_start3A_284 = arith.constant 0 : i32
        %dma_start3A_285 = arith.constant 0 : i32
        %dma_start3A_286 = tpu.memref_slice %arg13[%dma_start3A_284, %dma_start3A_285] : memref<10112x16xf32, #tpu.memory_space<vmem_shared>> -> memref<10112x16xf32, #tpu.memory_space<vmem_shared>>
        %dma_start3A_287 = tpu.memref_slice %arg15[%dma_start3A_276] : memref<8x!tpu.dma_semaphore, #tpu.memory_space<semaphore_mem>> -> memref<1x!tpu.dma_semaphore, #tpu.memory_space<semaphore_mem>>
        %dma_start3A_288 = tpu.memref_squeeze %dma_start3A_287 : memref<1x!tpu.dma_semaphore, #tpu.memory_space<semaphore_mem>> -> memref<!tpu.dma_semaphore, #tpu.memory_space<semaphore_mem>>
        tpu.enqueue_indirect_dma source(%dma_start3A_280 : memref<128x16xf32, #tpu.memory_space<vmem>>) target(%dma_start3A_286 : memref<10112x16xf32, #tpu.memory_space<vmem_shared>>) offsets(%dma_start3A_283 : memref<128xi32, #tpu.memory_space<vmem>>) semaphore(%dma_start3A_288 : memref<!tpu.dma_semaphore, #tpu.memory_space<semaphore_mem>>) {add = true}
      } else {
      }
      %eq3A_223 = arith.constant 2 : i32
      %eq3A_224 = arith.cmpi eq, %select_n3A_212, %eq3A_223 : i32
      %convert_element_type3A_225 = arith.extui %eq3A_224 : i1 to i32
      %cond3A_226 = arith.constant 0 : i32
      %cond3A_227 = arith.cmpi ne, %convert_element_type3A_225, %cond3A_226 : i32
      scf.if %cond3A_227 {
        %add3A_254 = arith.constant 4 : i32
        %add3A_255 = arith.addi %scan3A_201, %add3A_254 : i32
        %lt3A_256 = arith.constant 80 : i32
        %lt3A_257 = arith.cmpi slt, %add3A_255, %lt3A_256 : i32
        %convert_element_type3A_258 = arith.extui %lt3A_257 : i1 to i32
        %cond3A_259 = arith.constant 0 : i32
        %cond3A_260 = arith.cmpi ne, %convert_element_type3A_258, %cond3A_259 : i32
        scf.if %cond3A_260 {
          %ge3A = arith.constant 4 : i32
          %ge3A_289 = arith.cmpi sge, %scan3A_201, %ge3A : i32
          %convert_element_type3A_290 = arith.extui %ge3A_289 : i1 to i32
          %cond3A_291 = arith.constant 0 : i32
          %cond3A_292 = arith.cmpi ne, %convert_element_type3A_290, %cond3A_291 : i32
          scf.if %cond3A_292 {
            %dma_wait3A_309 = arith.constant 6 : i32
            %dma_wait3A_310 = arith.constant 0 : i32
            %dma_wait3A_311 = arith.constant 6 : i32
            %dma_wait3A_312 = arith.constant 0 : i32
            %dma_wait3A_313 = arith.constant 0 : i32
            %dma_wait3A_314 = tpu.memref_slice %arg11[%dma_wait3A_309, %dma_wait3A_312, %dma_wait3A_313] : memref<8x128x16xf32, #tpu.memory_space<vmem>> -> memref<1x128x16xf32, #tpu.memory_space<vmem>>
            %dma_wait3A_315 = tpu.memref_squeeze %dma_wait3A_314 : memref<1x128x16xf32, #tpu.memory_space<vmem>> -> memref<128x16xf32, #tpu.memory_space<vmem>>
            %dma_wait3A_316 = arith.constant 0 : i32
            %dma_wait3A_317 = tpu.memref_slice %arg10[%dma_wait3A_310, %dma_wait3A_316] : memref<80x128xi32, #tpu.memory_space<vmem>> -> memref<1x128xi32, #tpu.memory_space<vmem>>
            %dma_wait3A_318 = tpu.memref_squeeze %dma_wait3A_317 : memref<1x128xi32, #tpu.memory_space<vmem>> -> memref<128xi32, #tpu.memory_space<vmem>>
            %dma_wait3A_319 = arith.constant 0 : i32
            %dma_wait3A_320 = arith.constant 0 : i32
            %dma_wait3A_321 = tpu.memref_slice %arg13[%dma_wait3A_319, %dma_wait3A_320] : memref<10112x16xf32, #tpu.memory_space<vmem_shared>> -> memref<10112x16xf32, #tpu.memory_space<vmem_shared>>
            %dma_wait3A_322 = tpu.memref_slice %arg15[%dma_wait3A_311] : memref<8x!tpu.dma_semaphore, #tpu.memory_space<semaphore_mem>> -> memref<1x!tpu.dma_semaphore, #tpu.memory_space<semaphore_mem>>
            %dma_wait3A_323 = tpu.memref_squeeze %dma_wait3A_322 : memref<1x!tpu.dma_semaphore, #tpu.memory_space<semaphore_mem>> -> memref<!tpu.dma_semaphore, #tpu.memory_space<semaphore_mem>>
            tpu.wait_indirect_dma semaphore(%dma_wait3A_323 : memref<!tpu.dma_semaphore, #tpu.memory_space<semaphore_mem>>) src(%dma_wait3A_315 : memref<128x16xf32, #tpu.memory_space<vmem>>) dst(%dma_wait3A_321 : memref<10112x16xf32, #tpu.memory_space<vmem_shared>>)
          } else {
          }
          %add3A_293 = arith.constant 4 : i32
          %add3A_294 = arith.addi %scan3A_201, %add3A_293 : i32
          %dma_start3A_295 = arith.constant 6 : i32
          %dma_start3A_296 = arith.constant 6 : i32
          %dma_start3A_297 = arith.constant 0 : i32
          %dma_start3A_298 = arith.constant 0 : i32
          %dma_start3A_299 = tpu.memref_slice %arg11[%dma_start3A_295, %dma_start3A_297, %dma_start3A_298] : memref<8x128x16xf32, #tpu.memory_space<vmem>> -> memref<1x128x16xf32, #tpu.memory_space<vmem>>
          %dma_start3A_300 = tpu.memref_squeeze %dma_start3A_299 : memref<1x128x16xf32, #tpu.memory_space<vmem>> -> memref<128x16xf32, #tpu.memory_space<vmem>>
          %dma_start3A_301 = arith.constant 0 : i32
          %dma_start3A_302 = tpu.memref_slice %arg9[%add3A_294, %dma_start3A_301] : memref<80x128xi32, #tpu.memory_space<vmem>> -> memref<1x128xi32, #tpu.memory_space<vmem>>
          %dma_start3A_303 = tpu.memref_squeeze %dma_start3A_302 : memref<1x128xi32, #tpu.memory_space<vmem>> -> memref<128xi32, #tpu.memory_space<vmem>>
          %dma_start3A_304 = arith.constant 0 : i32
          %dma_start3A_305 = arith.constant 0 : i32
          %dma_start3A_306 = tpu.memref_slice %arg2[%dma_start3A_304, %dma_start3A_305] : memref<10000x16xf32, #tpu.memory_space<hbm>> -> memref<10000x16xf32, #tpu.memory_space<hbm>>
          %dma_start3A_307 = tpu.memref_slice %arg14[%dma_start3A_296] : memref<8x!tpu.dma_semaphore, #tpu.memory_space<semaphore_mem>> -> memref<1x!tpu.dma_semaphore, #tpu.memory_space<semaphore_mem>>
          %dma_start3A_308 = tpu.memref_squeeze %dma_start3A_307 : memref<1x!tpu.dma_semaphore, #tpu.memory_space<semaphore_mem>> -> memref<!tpu.dma_semaphore, #tpu.memory_space<semaphore_mem>>
          tpu.enqueue_indirect_dma source(%dma_start3A_306 : memref<10000x16xf32, #tpu.memory_space<hbm>>) target(%dma_start3A_300 : memref<128x16xf32, #tpu.memory_space<vmem>>) offsets(%dma_start3A_303 : memref<128xi32, #tpu.memory_space<vmem>>) semaphore(%dma_start3A_308 : memref<!tpu.dma_semaphore, #tpu.memory_space<semaphore_mem>>)
        } else {
        }
        %dma_wait3A_261 = arith.constant 2 : i32
        %dma_wait3A_262 = arith.constant 2 : i32
        %dma_wait3A_263 = arith.constant 0 : i32
        %dma_wait3A_264 = arith.constant 0 : i32
        %dma_wait3A_265 = tpu.memref_slice %arg11[%dma_wait3A_261, %dma_wait3A_263, %dma_wait3A_264] : memref<8x128x16xf32, #tpu.memory_space<vmem>> -> memref<1x128x16xf32, #tpu.memory_space<vmem>>
        %dma_wait3A_266 = tpu.memref_squeeze %dma_wait3A_265 : memref<1x128x16xf32, #tpu.memory_space<vmem>> -> memref<128x16xf32, #tpu.memory_space<vmem>>
        %dma_wait3A_267 = arith.constant 0 : i32
        %dma_wait3A_268 = tpu.memref_slice %arg9[%scan3A_201, %dma_wait3A_267] : memref<80x128xi32, #tpu.memory_space<vmem>> -> memref<1x128xi32, #tpu.memory_space<vmem>>
        %dma_wait3A_269 = tpu.memref_squeeze %dma_wait3A_268 : memref<1x128xi32, #tpu.memory_space<vmem>> -> memref<128xi32, #tpu.memory_space<vmem>>
        %dma_wait3A_270 = arith.constant 0 : i32
        %dma_wait3A_271 = arith.constant 0 : i32
        %dma_wait3A_272 = tpu.memref_slice %arg2[%dma_wait3A_270, %dma_wait3A_271] : memref<10000x16xf32, #tpu.memory_space<hbm>> -> memref<10000x16xf32, #tpu.memory_space<hbm>>
        %dma_wait3A_273 = tpu.memref_slice %arg14[%dma_wait3A_262] : memref<8x!tpu.dma_semaphore, #tpu.memory_space<semaphore_mem>> -> memref<1x!tpu.dma_semaphore, #tpu.memory_space<semaphore_mem>>
        %dma_wait3A_274 = tpu.memref_squeeze %dma_wait3A_273 : memref<1x!tpu.dma_semaphore, #tpu.memory_space<semaphore_mem>> -> memref<!tpu.dma_semaphore, #tpu.memory_space<semaphore_mem>>
        tpu.wait_indirect_dma semaphore(%dma_wait3A_274 : memref<!tpu.dma_semaphore, #tpu.memory_space<semaphore_mem>>) src(%dma_wait3A_272 : memref<10000x16xf32, #tpu.memory_space<hbm>>) dst(%dma_wait3A_266 : memref<128x16xf32, #tpu.memory_space<vmem>>)
        %dma_start3A_275 = arith.constant 2 : i32
        %dma_start3A_276 = arith.constant 2 : i32
        %dma_start3A_277 = arith.constant 0 : i32
        %dma_start3A_278 = arith.constant 0 : i32
        %dma_start3A_279 = tpu.memref_slice %arg11[%dma_start3A_275, %dma_start3A_277, %dma_start3A_278] : memref<8x128x16xf32, #tpu.memory_space<vmem>> -> memref<1x128x16xf32, #tpu.memory_space<vmem>>
        %dma_start3A_280 = tpu.memref_squeeze %dma_start3A_279 : memref<1x128x16xf32, #tpu.memory_space<vmem>> -> memref<128x16xf32, #tpu.memory_space<vmem>>
        %dma_start3A_281 = arith.constant 0 : i32
        %dma_start3A_282 = tpu.memref_slice %arg10[%scan3A_201, %dma_start3A_281] : memref<80x128xi32, #tpu.memory_space<vmem>> -> memref<1x128xi32, #tpu.memory_space<vmem>>
        %dma_start3A_283 = tpu.memref_squeeze %dma_start3A_282 : memref<1x128xi32, #tpu.memory_space<vmem>> -> memref<128xi32, #tpu.memory_space<vmem>>
        %dma_start3A_284 = arith.constant 0 : i32
        %dma_start3A_285 = arith.constant 0 : i32
        %dma_start3A_286 = tpu.memref_slice %arg13[%dma_start3A_284, %dma_start3A_285] : memref<10112x16xf32, #tpu.memory_space<vmem_shared>> -> memref<10112x16xf32, #tpu.memory_space<vmem_shared>>
        %dma_start3A_287 = tpu.memref_slice %arg15[%dma_start3A_276] : memref<8x!tpu.dma_semaphore, #tpu.memory_space<semaphore_mem>> -> memref<1x!tpu.dma_semaphore, #tpu.memory_space<semaphore_mem>>
        %dma_start3A_288 = tpu.memref_squeeze %dma_start3A_287 : memref<1x!tpu.dma_semaphore, #tpu.memory_space<semaphore_mem>> -> memref<!tpu.dma_semaphore, #tpu.memory_space<semaphore_mem>>
        tpu.enqueue_indirect_dma source(%dma_start3A_280 : memref<128x16xf32, #tpu.memory_space<vmem>>) target(%dma_start3A_286 : memref<10112x16xf32, #tpu.memory_space<vmem_shared>>) offsets(%dma_start3A_283 : memref<128xi32, #tpu.memory_space<vmem>>) semaphore(%dma_start3A_288 : memref<!tpu.dma_semaphore, #tpu.memory_space<semaphore_mem>>) {add = true}
      } else {
      }
      %eq3A_228 = arith.constant 3 : i32
      %eq3A_229 = arith.cmpi eq, %select_n3A_212, %eq3A_228 : i32
      %convert_element_type3A_230 = arith.extui %eq3A_229 : i1 to i32
      %cond3A_231 = arith.constant 0 : i32
      %cond3A_232 = arith.cmpi ne, %convert_element_type3A_230, %cond3A_231 : i32
      scf.if %cond3A_232 {
        %add3A_254 = arith.constant 4 : i32
        %add3A_255 = arith.addi %scan3A_201, %add3A_254 : i32
        %lt3A_256 = arith.constant 80 : i32
        %lt3A_257 = arith.cmpi slt, %add3A_255, %lt3A_256 : i32
        %convert_element_type3A_258 = arith.extui %lt3A_257 : i1 to i32
        %cond3A_259 = arith.constant 0 : i32
        %cond3A_260 = arith.cmpi ne, %convert_element_type3A_258, %cond3A_259 : i32
        scf.if %cond3A_260 {
          %ge3A = arith.constant 4 : i32
          %ge3A_289 = arith.cmpi sge, %scan3A_201, %ge3A : i32
          %convert_element_type3A_290 = arith.extui %ge3A_289 : i1 to i32
          %cond3A_291 = arith.constant 0 : i32
          %cond3A_292 = arith.cmpi ne, %convert_element_type3A_290, %cond3A_291 : i32
          scf.if %cond3A_292 {
            %dma_wait3A_309 = arith.constant 7 : i32
            %dma_wait3A_310 = arith.constant 0 : i32
            %dma_wait3A_311 = arith.constant 7 : i32
            %dma_wait3A_312 = arith.constant 0 : i32
            %dma_wait3A_313 = arith.constant 0 : i32
            %dma_wait3A_314 = tpu.memref_slice %arg11[%dma_wait3A_309, %dma_wait3A_312, %dma_wait3A_313] : memref<8x128x16xf32, #tpu.memory_space<vmem>> -> memref<1x128x16xf32, #tpu.memory_space<vmem>>
            %dma_wait3A_315 = tpu.memref_squeeze %dma_wait3A_314 : memref<1x128x16xf32, #tpu.memory_space<vmem>> -> memref<128x16xf32, #tpu.memory_space<vmem>>
            %dma_wait3A_316 = arith.constant 0 : i32
            %dma_wait3A_317 = tpu.memref_slice %arg10[%dma_wait3A_310, %dma_wait3A_316] : memref<80x128xi32, #tpu.memory_space<vmem>> -> memref<1x128xi32, #tpu.memory_space<vmem>>
            %dma_wait3A_318 = tpu.memref_squeeze %dma_wait3A_317 : memref<1x128xi32, #tpu.memory_space<vmem>> -> memref<128xi32, #tpu.memory_space<vmem>>
            %dma_wait3A_319 = arith.constant 0 : i32
            %dma_wait3A_320 = arith.constant 0 : i32
            %dma_wait3A_321 = tpu.memref_slice %arg13[%dma_wait3A_319, %dma_wait3A_320] : memref<10112x16xf32, #tpu.memory_space<vmem_shared>> -> memref<10112x16xf32, #tpu.memory_space<vmem_shared>>
            %dma_wait3A_322 = tpu.memref_slice %arg15[%dma_wait3A_311] : memref<8x!tpu.dma_semaphore, #tpu.memory_space<semaphore_mem>> -> memref<1x!tpu.dma_semaphore, #tpu.memory_space<semaphore_mem>>
            %dma_wait3A_323 = tpu.memref_squeeze %dma_wait3A_322 : memref<1x!tpu.dma_semaphore, #tpu.memory_space<semaphore_mem>> -> memref<!tpu.dma_semaphore, #tpu.memory_space<semaphore_mem>>
            tpu.wait_indirect_dma semaphore(%dma_wait3A_323 : memref<!tpu.dma_semaphore, #tpu.memory_space<semaphore_mem>>) src(%dma_wait3A_315 : memref<128x16xf32, #tpu.memory_space<vmem>>) dst(%dma_wait3A_321 : memref<10112x16xf32, #tpu.memory_space<vmem_shared>>)
          } else {
          }
          %add3A_293 = arith.constant 4 : i32
          %add3A_294 = arith.addi %scan3A_201, %add3A_293 : i32
          %dma_start3A_295 = arith.constant 7 : i32
          %dma_start3A_296 = arith.constant 7 : i32
          %dma_start3A_297 = arith.constant 0 : i32
          %dma_start3A_298 = arith.constant 0 : i32
          %dma_start3A_299 = tpu.memref_slice %arg11[%dma_start3A_295, %dma_start3A_297, %dma_start3A_298] : memref<8x128x16xf32, #tpu.memory_space<vmem>> -> memref<1x128x16xf32, #tpu.memory_space<vmem>>
          %dma_start3A_300 = tpu.memref_squeeze %dma_start3A_299 : memref<1x128x16xf32, #tpu.memory_space<vmem>> -> memref<128x16xf32, #tpu.memory_space<vmem>>
          %dma_start3A_301 = arith.constant 0 : i32
          %dma_start3A_302 = tpu.memref_slice %arg9[%add3A_294, %dma_start3A_301] : memref<80x128xi32, #tpu.memory_space<vmem>> -> memref<1x128xi32, #tpu.memory_space<vmem>>
          %dma_start3A_303 = tpu.memref_squeeze %dma_start3A_302 : memref<1x128xi32, #tpu.memory_space<vmem>> -> memref<128xi32, #tpu.memory_space<vmem>>
          %dma_start3A_304 = arith.constant 0 : i32
          %dma_start3A_305 = arith.constant 0 : i32
          %dma_start3A_306 = tpu.memref_slice %arg2[%dma_start3A_304, %dma_start3A_305] : memref<10000x16xf32, #tpu.memory_space<hbm>> -> memref<10000x16xf32, #tpu.memory_space<hbm>>
          %dma_start3A_307 = tpu.memref_slice %arg14[%dma_start3A_296] : memref<8x!tpu.dma_semaphore, #tpu.memory_space<semaphore_mem>> -> memref<1x!tpu.dma_semaphore, #tpu.memory_space<semaphore_mem>>
          %dma_start3A_308 = tpu.memref_squeeze %dma_start3A_307 : memref<1x!tpu.dma_semaphore, #tpu.memory_space<semaphore_mem>> -> memref<!tpu.dma_semaphore, #tpu.memory_space<semaphore_mem>>
          tpu.enqueue_indirect_dma source(%dma_start3A_306 : memref<10000x16xf32, #tpu.memory_space<hbm>>) target(%dma_start3A_300 : memref<128x16xf32, #tpu.memory_space<vmem>>) offsets(%dma_start3A_303 : memref<128xi32, #tpu.memory_space<vmem>>) semaphore(%dma_start3A_308 : memref<!tpu.dma_semaphore, #tpu.memory_space<semaphore_mem>>)
        } else {
        }
        %dma_wait3A_261 = arith.constant 3 : i32
        %dma_wait3A_262 = arith.constant 3 : i32
        %dma_wait3A_263 = arith.constant 0 : i32
        %dma_wait3A_264 = arith.constant 0 : i32
        %dma_wait3A_265 = tpu.memref_slice %arg11[%dma_wait3A_261, %dma_wait3A_263, %dma_wait3A_264] : memref<8x128x16xf32, #tpu.memory_space<vmem>> -> memref<1x128x16xf32, #tpu.memory_space<vmem>>
        %dma_wait3A_266 = tpu.memref_squeeze %dma_wait3A_265 : memref<1x128x16xf32, #tpu.memory_space<vmem>> -> memref<128x16xf32, #tpu.memory_space<vmem>>
        %dma_wait3A_267 = arith.constant 0 : i32
        %dma_wait3A_268 = tpu.memref_slice %arg9[%scan3A_201, %dma_wait3A_267] : memref<80x128xi32, #tpu.memory_space<vmem>> -> memref<1x128xi32, #tpu.memory_space<vmem>>
        %dma_wait3A_269 = tpu.memref_squeeze %dma_wait3A_268 : memref<1x128xi32, #tpu.memory_space<vmem>> -> memref<128xi32, #tpu.memory_space<vmem>>
        %dma_wait3A_270 = arith.constant 0 : i32
        %dma_wait3A_271 = arith.constant 0 : i32
        %dma_wait3A_272 = tpu.memref_slice %arg2[%dma_wait3A_270, %dma_wait3A_271] : memref<10000x16xf32, #tpu.memory_space<hbm>> -> memref<10000x16xf32, #tpu.memory_space<hbm>>
        %dma_wait3A_273 = tpu.memref_slice %arg14[%dma_wait3A_262] : memref<8x!tpu.dma_semaphore, #tpu.memory_space<semaphore_mem>> -> memref<1x!tpu.dma_semaphore, #tpu.memory_space<semaphore_mem>>
        %dma_wait3A_274 = tpu.memref_squeeze %dma_wait3A_273 : memref<1x!tpu.dma_semaphore, #tpu.memory_space<semaphore_mem>> -> memref<!tpu.dma_semaphore, #tpu.memory_space<semaphore_mem>>
        tpu.wait_indirect_dma semaphore(%dma_wait3A_274 : memref<!tpu.dma_semaphore, #tpu.memory_space<semaphore_mem>>) src(%dma_wait3A_272 : memref<10000x16xf32, #tpu.memory_space<hbm>>) dst(%dma_wait3A_266 : memref<128x16xf32, #tpu.memory_space<vmem>>)
        %dma_start3A_275 = arith.constant 3 : i32
        %dma_start3A_276 = arith.constant 3 : i32
        %dma_start3A_277 = arith.constant 0 : i32
        %dma_start3A_278 = arith.constant 0 : i32
        %dma_start3A_279 = tpu.memref_slice %arg11[%dma_start3A_275, %dma_start3A_277, %dma_start3A_278] : memref<8x128x16xf32, #tpu.memory_space<vmem>> -> memref<1x128x16xf32, #tpu.memory_space<vmem>>
        %dma_start3A_280 = tpu.memref_squeeze %dma_start3A_279 : memref<1x128x16xf32, #tpu.memory_space<vmem>> -> memref<128x16xf32, #tpu.memory_space<vmem>>
        %dma_start3A_281 = arith.constant 0 : i32
        %dma_start3A_282 = tpu.memref_slice %arg10[%scan3A_201, %dma_start3A_281] : memref<80x128xi32, #tpu.memory_space<vmem>> -> memref<1x128xi32, #tpu.memory_space<vmem>>
        %dma_start3A_283 = tpu.memref_squeeze %dma_start3A_282 : memref<1x128xi32, #tpu.memory_space<vmem>> -> memref<128xi32, #tpu.memory_space<vmem>>
        %dma_start3A_284 = arith.constant 0 : i32
        %dma_start3A_285 = arith.constant 0 : i32
        %dma_start3A_286 = tpu.memref_slice %arg13[%dma_start3A_284, %dma_start3A_285] : memref<10112x16xf32, #tpu.memory_space<vmem_shared>> -> memref<10112x16xf32, #tpu.memory_space<vmem_shared>>
        %dma_start3A_287 = tpu.memref_slice %arg15[%dma_start3A_276] : memref<8x!tpu.dma_semaphore, #tpu.memory_space<semaphore_mem>> -> memref<1x!tpu.dma_semaphore, #tpu.memory_space<semaphore_mem>>
        %dma_start3A_288 = tpu.memref_squeeze %dma_start3A_287 : memref<1x!tpu.dma_semaphore, #tpu.memory_space<semaphore_mem>> -> memref<!tpu.dma_semaphore, #tpu.memory_space<semaphore_mem>>
        tpu.enqueue_indirect_dma source(%dma_start3A_280 : memref<128x16xf32, #tpu.memory_space<vmem>>) target(%dma_start3A_286 : memref<10112x16xf32, #tpu.memory_space<vmem_shared>>) offsets(%dma_start3A_283 : memref<128xi32, #tpu.memory_space<vmem>>) semaphore(%dma_start3A_288 : memref<!tpu.dma_semaphore, #tpu.memory_space<semaphore_mem>>) {add = true}
      } else {
      }
      %eq3A_233 = arith.constant 4 : i32
      %eq3A_234 = arith.cmpi eq, %select_n3A_212, %eq3A_233 : i32
      %convert_element_type3A_235 = arith.extui %eq3A_234 : i1 to i32
      %cond3A_236 = arith.constant 0 : i32
      %cond3A_237 = arith.cmpi ne, %convert_element_type3A_235, %cond3A_236 : i32
      scf.if %cond3A_237 {
        %add3A_254 = arith.constant 4 : i32
        %add3A_255 = arith.addi %scan3A_201, %add3A_254 : i32
        %lt3A_256 = arith.constant 80 : i32
        %lt3A_257 = arith.cmpi slt, %add3A_255, %lt3A_256 : i32
        %convert_element_type3A_258 = arith.extui %lt3A_257 : i1 to i32
        %cond3A_259 = arith.constant 0 : i32
        %cond3A_260 = arith.cmpi ne, %convert_element_type3A_258, %cond3A_259 : i32
        scf.if %cond3A_260 {
          %ge3A = arith.constant 4 : i32
          %ge3A_289 = arith.cmpi sge, %scan3A_201, %ge3A : i32
          %convert_element_type3A_290 = arith.extui %ge3A_289 : i1 to i32
          %cond3A_291 = arith.constant 0 : i32
          %cond3A_292 = arith.cmpi ne, %convert_element_type3A_290, %cond3A_291 : i32
          scf.if %cond3A_292 {
            %dma_wait3A_309 = arith.constant 0 : i32
            %dma_wait3A_310 = arith.constant 0 : i32
            %dma_wait3A_311 = arith.constant 0 : i32
            %dma_wait3A_312 = arith.constant 0 : i32
            %dma_wait3A_313 = arith.constant 0 : i32
            %dma_wait3A_314 = tpu.memref_slice %arg11[%dma_wait3A_309, %dma_wait3A_312, %dma_wait3A_313] : memref<8x128x16xf32, #tpu.memory_space<vmem>> -> memref<1x128x16xf32, #tpu.memory_space<vmem>>
            %dma_wait3A_315 = tpu.memref_squeeze %dma_wait3A_314 : memref<1x128x16xf32, #tpu.memory_space<vmem>> -> memref<128x16xf32, #tpu.memory_space<vmem>>
            %dma_wait3A_316 = arith.constant 0 : i32
            %dma_wait3A_317 = tpu.memref_slice %arg10[%dma_wait3A_310, %dma_wait3A_316] : memref<80x128xi32, #tpu.memory_space<vmem>> -> memref<1x128xi32, #tpu.memory_space<vmem>>
            %dma_wait3A_318 = tpu.memref_squeeze %dma_wait3A_317 : memref<1x128xi32, #tpu.memory_space<vmem>> -> memref<128xi32, #tpu.memory_space<vmem>>
            %dma_wait3A_319 = arith.constant 0 : i32
            %dma_wait3A_320 = arith.constant 0 : i32
            %dma_wait3A_321 = tpu.memref_slice %arg13[%dma_wait3A_319, %dma_wait3A_320] : memref<10112x16xf32, #tpu.memory_space<vmem_shared>> -> memref<10112x16xf32, #tpu.memory_space<vmem_shared>>
            %dma_wait3A_322 = tpu.memref_slice %arg15[%dma_wait3A_311] : memref<8x!tpu.dma_semaphore, #tpu.memory_space<semaphore_mem>> -> memref<1x!tpu.dma_semaphore, #tpu.memory_space<semaphore_mem>>
            %dma_wait3A_323 = tpu.memref_squeeze %dma_wait3A_322 : memref<1x!tpu.dma_semaphore, #tpu.memory_space<semaphore_mem>> -> memref<!tpu.dma_semaphore, #tpu.memory_space<semaphore_mem>>
            tpu.wait_indirect_dma semaphore(%dma_wait3A_323 : memref<!tpu.dma_semaphore, #tpu.memory_space<semaphore_mem>>) src(%dma_wait3A_315 : memref<128x16xf32, #tpu.memory_space<vmem>>) dst(%dma_wait3A_321 : memref<10112x16xf32, #tpu.memory_space<vmem_shared>>)
          } else {
          }
          %add3A_293 = arith.constant 4 : i32
          %add3A_294 = arith.addi %scan3A_201, %add3A_293 : i32
          %dma_start3A_295 = arith.constant 0 : i32
          %dma_start3A_296 = arith.constant 0 : i32
          %dma_start3A_297 = arith.constant 0 : i32
          %dma_start3A_298 = arith.constant 0 : i32
          %dma_start3A_299 = tpu.memref_slice %arg11[%dma_start3A_295, %dma_start3A_297, %dma_start3A_298] : memref<8x128x16xf32, #tpu.memory_space<vmem>> -> memref<1x128x16xf32, #tpu.memory_space<vmem>>
          %dma_start3A_300 = tpu.memref_squeeze %dma_start3A_299 : memref<1x128x16xf32, #tpu.memory_space<vmem>> -> memref<128x16xf32, #tpu.memory_space<vmem>>
          %dma_start3A_301 = arith.constant 0 : i32
          %dma_start3A_302 = tpu.memref_slice %arg9[%add3A_294, %dma_start3A_301] : memref<80x128xi32, #tpu.memory_space<vmem>> -> memref<1x128xi32, #tpu.memory_space<vmem>>
          %dma_start3A_303 = tpu.memref_squeeze %dma_start3A_302 : memref<1x128xi32, #tpu.memory_space<vmem>> -> memref<128xi32, #tpu.memory_space<vmem>>
          %dma_start3A_304 = arith.constant 0 : i32
          %dma_start3A_305 = arith.constant 0 : i32
          %dma_start3A_306 = tpu.memref_slice %arg2[%dma_start3A_304, %dma_start3A_305] : memref<10000x16xf32, #tpu.memory_space<hbm>> -> memref<10000x16xf32, #tpu.memory_space<hbm>>
          %dma_start3A_307 = tpu.memref_slice %arg14[%dma_start3A_296] : memref<8x!tpu.dma_semaphore, #tpu.memory_space<semaphore_mem>> -> memref<1x!tpu.dma_semaphore, #tpu.memory_space<semaphore_mem>>
          %dma_start3A_308 = tpu.memref_squeeze %dma_start3A_307 : memref<1x!tpu.dma_semaphore, #tpu.memory_space<semaphore_mem>> -> memref<!tpu.dma_semaphore, #tpu.memory_space<semaphore_mem>>
          tpu.enqueue_indirect_dma source(%dma_start3A_306 : memref<10000x16xf32, #tpu.memory_space<hbm>>) target(%dma_start3A_300 : memref<128x16xf32, #tpu.memory_space<vmem>>) offsets(%dma_start3A_303 : memref<128xi32, #tpu.memory_space<vmem>>) semaphore(%dma_start3A_308 : memref<!tpu.dma_semaphore, #tpu.memory_space<semaphore_mem>>)
        } else {
        }
        %dma_wait3A_261 = arith.constant 4 : i32
        %dma_wait3A_262 = arith.constant 4 : i32
        %dma_wait3A_263 = arith.constant 0 : i32
        %dma_wait3A_264 = arith.constant 0 : i32
        %dma_wait3A_265 = tpu.memref_slice %arg11[%dma_wait3A_261, %dma_wait3A_263, %dma_wait3A_264] : memref<8x128x16xf32, #tpu.memory_space<vmem>> -> memref<1x128x16xf32, #tpu.memory_space<vmem>>
        %dma_wait3A_266 = tpu.memref_squeeze %dma_wait3A_265 : memref<1x128x16xf32, #tpu.memory_space<vmem>> -> memref<128x16xf32, #tpu.memory_space<vmem>>
        %dma_wait3A_267 = arith.constant 0 : i32
        %dma_wait3A_268 = tpu.memref_slice %arg9[%scan3A_201, %dma_wait3A_267] : memref<80x128xi32, #tpu.memory_space<vmem>> -> memref<1x128xi32, #tpu.memory_space<vmem>>
        %dma_wait3A_269 = tpu.memref_squeeze %dma_wait3A_268 : memref<1x128xi32, #tpu.memory_space<vmem>> -> memref<128xi32, #tpu.memory_space<vmem>>
        %dma_wait3A_270 = arith.constant 0 : i32
        %dma_wait3A_271 = arith.constant 0 : i32
        %dma_wait3A_272 = tpu.memref_slice %arg2[%dma_wait3A_270, %dma_wait3A_271] : memref<10000x16xf32, #tpu.memory_space<hbm>> -> memref<10000x16xf32, #tpu.memory_space<hbm>>
        %dma_wait3A_273 = tpu.memref_slice %arg14[%dma_wait3A_262] : memref<8x!tpu.dma_semaphore, #tpu.memory_space<semaphore_mem>> -> memref<1x!tpu.dma_semaphore, #tpu.memory_space<semaphore_mem>>
        %dma_wait3A_274 = tpu.memref_squeeze %dma_wait3A_273 : memref<1x!tpu.dma_semaphore, #tpu.memory_space<semaphore_mem>> -> memref<!tpu.dma_semaphore, #tpu.memory_space<semaphore_mem>>
        tpu.wait_indirect_dma semaphore(%dma_wait3A_274 : memref<!tpu.dma_semaphore, #tpu.memory_space<semaphore_mem>>) src(%dma_wait3A_272 : memref<10000x16xf32, #tpu.memory_space<hbm>>) dst(%dma_wait3A_266 : memref<128x16xf32, #tpu.memory_space<vmem>>)
        %dma_start3A_275 = arith.constant 4 : i32
        %dma_start3A_276 = arith.constant 4 : i32
        %dma_start3A_277 = arith.constant 0 : i32
        %dma_start3A_278 = arith.constant 0 : i32
        %dma_start3A_279 = tpu.memref_slice %arg11[%dma_start3A_275, %dma_start3A_277, %dma_start3A_278] : memref<8x128x16xf32, #tpu.memory_space<vmem>> -> memref<1x128x16xf32, #tpu.memory_space<vmem>>
        %dma_start3A_280 = tpu.memref_squeeze %dma_start3A_279 : memref<1x128x16xf32, #tpu.memory_space<vmem>> -> memref<128x16xf32, #tpu.memory_space<vmem>>
        %dma_start3A_281 = arith.constant 0 : i32
        %dma_start3A_282 = tpu.memref_slice %arg10[%scan3A_201, %dma_start3A_281] : memref<80x128xi32, #tpu.memory_space<vmem>> -> memref<1x128xi32, #tpu.memory_space<vmem>>
        %dma_start3A_283 = tpu.memref_squeeze %dma_start3A_282 : memref<1x128xi32, #tpu.memory_space<vmem>> -> memref<128xi32, #tpu.memory_space<vmem>>
        %dma_start3A_284 = arith.constant 0 : i32
        %dma_start3A_285 = arith.constant 0 : i32
        %dma_start3A_286 = tpu.memref_slice %arg13[%dma_start3A_284, %dma_start3A_285] : memref<10112x16xf32, #tpu.memory_space<vmem_shared>> -> memref<10112x16xf32, #tpu.memory_space<vmem_shared>>
        %dma_start3A_287 = tpu.memref_slice %arg15[%dma_start3A_276] : memref<8x!tpu.dma_semaphore, #tpu.memory_space<semaphore_mem>> -> memref<1x!tpu.dma_semaphore, #tpu.memory_space<semaphore_mem>>
        %dma_start3A_288 = tpu.memref_squeeze %dma_start3A_287 : memref<1x!tpu.dma_semaphore, #tpu.memory_space<semaphore_mem>> -> memref<!tpu.dma_semaphore, #tpu.memory_space<semaphore_mem>>
        tpu.enqueue_indirect_dma source(%dma_start3A_280 : memref<128x16xf32, #tpu.memory_space<vmem>>) target(%dma_start3A_286 : memref<10112x16xf32, #tpu.memory_space<vmem_shared>>) offsets(%dma_start3A_283 : memref<128xi32, #tpu.memory_space<vmem>>) semaphore(%dma_start3A_288 : memref<!tpu.dma_semaphore, #tpu.memory_space<semaphore_mem>>) {add = true}
      } else {
      }
      %eq3A_238 = arith.constant 5 : i32
      %eq3A_239 = arith.cmpi eq, %select_n3A_212, %eq3A_238 : i32
      %convert_element_type3A_240 = arith.extui %eq3A_239 : i1 to i32
      %cond3A_241 = arith.constant 0 : i32
      %cond3A_242 = arith.cmpi ne, %convert_element_type3A_240, %cond3A_241 : i32
      scf.if %cond3A_242 {
        %add3A_254 = arith.constant 4 : i32
        %add3A_255 = arith.addi %scan3A_201, %add3A_254 : i32
        %lt3A_256 = arith.constant 80 : i32
        %lt3A_257 = arith.cmpi slt, %add3A_255, %lt3A_256 : i32
        %convert_element_type3A_258 = arith.extui %lt3A_257 : i1 to i32
        %cond3A_259 = arith.constant 0 : i32
        %cond3A_260 = arith.cmpi ne, %convert_element_type3A_258, %cond3A_259 : i32
        scf.if %cond3A_260 {
          %ge3A = arith.constant 4 : i32
          %ge3A_289 = arith.cmpi sge, %scan3A_201, %ge3A : i32
          %convert_element_type3A_290 = arith.extui %ge3A_289 : i1 to i32
          %cond3A_291 = arith.constant 0 : i32
          %cond3A_292 = arith.cmpi ne, %convert_element_type3A_290, %cond3A_291 : i32
          scf.if %cond3A_292 {
            %dma_wait3A_309 = arith.constant 1 : i32
            %dma_wait3A_310 = arith.constant 0 : i32
            %dma_wait3A_311 = arith.constant 1 : i32
            %dma_wait3A_312 = arith.constant 0 : i32
            %dma_wait3A_313 = arith.constant 0 : i32
            %dma_wait3A_314 = tpu.memref_slice %arg11[%dma_wait3A_309, %dma_wait3A_312, %dma_wait3A_313] : memref<8x128x16xf32, #tpu.memory_space<vmem>> -> memref<1x128x16xf32, #tpu.memory_space<vmem>>
            %dma_wait3A_315 = tpu.memref_squeeze %dma_wait3A_314 : memref<1x128x16xf32, #tpu.memory_space<vmem>> -> memref<128x16xf32, #tpu.memory_space<vmem>>
            %dma_wait3A_316 = arith.constant 0 : i32
            %dma_wait3A_317 = tpu.memref_slice %arg10[%dma_wait3A_310, %dma_wait3A_316] : memref<80x128xi32, #tpu.memory_space<vmem>> -> memref<1x128xi32, #tpu.memory_space<vmem>>
            %dma_wait3A_318 = tpu.memref_squeeze %dma_wait3A_317 : memref<1x128xi32, #tpu.memory_space<vmem>> -> memref<128xi32, #tpu.memory_space<vmem>>
            %dma_wait3A_319 = arith.constant 0 : i32
            %dma_wait3A_320 = arith.constant 0 : i32
            %dma_wait3A_321 = tpu.memref_slice %arg13[%dma_wait3A_319, %dma_wait3A_320] : memref<10112x16xf32, #tpu.memory_space<vmem_shared>> -> memref<10112x16xf32, #tpu.memory_space<vmem_shared>>
            %dma_wait3A_322 = tpu.memref_slice %arg15[%dma_wait3A_311] : memref<8x!tpu.dma_semaphore, #tpu.memory_space<semaphore_mem>> -> memref<1x!tpu.dma_semaphore, #tpu.memory_space<semaphore_mem>>
            %dma_wait3A_323 = tpu.memref_squeeze %dma_wait3A_322 : memref<1x!tpu.dma_semaphore, #tpu.memory_space<semaphore_mem>> -> memref<!tpu.dma_semaphore, #tpu.memory_space<semaphore_mem>>
            tpu.wait_indirect_dma semaphore(%dma_wait3A_323 : memref<!tpu.dma_semaphore, #tpu.memory_space<semaphore_mem>>) src(%dma_wait3A_315 : memref<128x16xf32, #tpu.memory_space<vmem>>) dst(%dma_wait3A_321 : memref<10112x16xf32, #tpu.memory_space<vmem_shared>>)
          } else {
          }
          %add3A_293 = arith.constant 4 : i32
          %add3A_294 = arith.addi %scan3A_201, %add3A_293 : i32
          %dma_start3A_295 = arith.constant 1 : i32
          %dma_start3A_296 = arith.constant 1 : i32
          %dma_start3A_297 = arith.constant 0 : i32
          %dma_start3A_298 = arith.constant 0 : i32
          %dma_start3A_299 = tpu.memref_slice %arg11[%dma_start3A_295, %dma_start3A_297, %dma_start3A_298] : memref<8x128x16xf32, #tpu.memory_space<vmem>> -> memref<1x128x16xf32, #tpu.memory_space<vmem>>
          %dma_start3A_300 = tpu.memref_squeeze %dma_start3A_299 : memref<1x128x16xf32, #tpu.memory_space<vmem>> -> memref<128x16xf32, #tpu.memory_space<vmem>>
          %dma_start3A_301 = arith.constant 0 : i32
          %dma_start3A_302 = tpu.memref_slice %arg9[%add3A_294, %dma_start3A_301] : memref<80x128xi32, #tpu.memory_space<vmem>> -> memref<1x128xi32, #tpu.memory_space<vmem>>
          %dma_start3A_303 = tpu.memref_squeeze %dma_start3A_302 : memref<1x128xi32, #tpu.memory_space<vmem>> -> memref<128xi32, #tpu.memory_space<vmem>>
          %dma_start3A_304 = arith.constant 0 : i32
          %dma_start3A_305 = arith.constant 0 : i32
          %dma_start3A_306 = tpu.memref_slice %arg2[%dma_start3A_304, %dma_start3A_305] : memref<10000x16xf32, #tpu.memory_space<hbm>> -> memref<10000x16xf32, #tpu.memory_space<hbm>>
          %dma_start3A_307 = tpu.memref_slice %arg14[%dma_start3A_296] : memref<8x!tpu.dma_semaphore, #tpu.memory_space<semaphore_mem>> -> memref<1x!tpu.dma_semaphore, #tpu.memory_space<semaphore_mem>>
          %dma_start3A_308 = tpu.memref_squeeze %dma_start3A_307 : memref<1x!tpu.dma_semaphore, #tpu.memory_space<semaphore_mem>> -> memref<!tpu.dma_semaphore, #tpu.memory_space<semaphore_mem>>
          tpu.enqueue_indirect_dma source(%dma_start3A_306 : memref<10000x16xf32, #tpu.memory_space<hbm>>) target(%dma_start3A_300 : memref<128x16xf32, #tpu.memory_space<vmem>>) offsets(%dma_start3A_303 : memref<128xi32, #tpu.memory_space<vmem>>) semaphore(%dma_start3A_308 : memref<!tpu.dma_semaphore, #tpu.memory_space<semaphore_mem>>)
        } else {
        }
        %dma_wait3A_261 = arith.constant 5 : i32
        %dma_wait3A_262 = arith.constant 5 : i32
        %dma_wait3A_263 = arith.constant 0 : i32
        %dma_wait3A_264 = arith.constant 0 : i32
        %dma_wait3A_265 = tpu.memref_slice %arg11[%dma_wait3A_261, %dma_wait3A_263, %dma_wait3A_264] : memref<8x128x16xf32, #tpu.memory_space<vmem>> -> memref<1x128x16xf32, #tpu.memory_space<vmem>>
        %dma_wait3A_266 = tpu.memref_squeeze %dma_wait3A_265 : memref<1x128x16xf32, #tpu.memory_space<vmem>> -> memref<128x16xf32, #tpu.memory_space<vmem>>
        %dma_wait3A_267 = arith.constant 0 : i32
        %dma_wait3A_268 = tpu.memref_slice %arg9[%scan3A_201, %dma_wait3A_267] : memref<80x128xi32, #tpu.memory_space<vmem>> -> memref<1x128xi32, #tpu.memory_space<vmem>>
        %dma_wait3A_269 = tpu.memref_squeeze %dma_wait3A_268 : memref<1x128xi32, #tpu.memory_space<vmem>> -> memref<128xi32, #tpu.memory_space<vmem>>
        %dma_wait3A_270 = arith.constant 0 : i32
        %dma_wait3A_271 = arith.constant 0 : i32
        %dma_wait3A_272 = tpu.memref_slice %arg2[%dma_wait3A_270, %dma_wait3A_271] : memref<10000x16xf32, #tpu.memory_space<hbm>> -> memref<10000x16xf32, #tpu.memory_space<hbm>>
        %dma_wait3A_273 = tpu.memref_slice %arg14[%dma_wait3A_262] : memref<8x!tpu.dma_semaphore, #tpu.memory_space<semaphore_mem>> -> memref<1x!tpu.dma_semaphore, #tpu.memory_space<semaphore_mem>>
        %dma_wait3A_274 = tpu.memref_squeeze %dma_wait3A_273 : memref<1x!tpu.dma_semaphore, #tpu.memory_space<semaphore_mem>> -> memref<!tpu.dma_semaphore, #tpu.memory_space<semaphore_mem>>
        tpu.wait_indirect_dma semaphore(%dma_wait3A_274 : memref<!tpu.dma_semaphore, #tpu.memory_space<semaphore_mem>>) src(%dma_wait3A_272 : memref<10000x16xf32, #tpu.memory_space<hbm>>) dst(%dma_wait3A_266 : memref<128x16xf32, #tpu.memory_space<vmem>>)
        %dma_start3A_275 = arith.constant 5 : i32
        %dma_start3A_276 = arith.constant 5 : i32
        %dma_start3A_277 = arith.constant 0 : i32
        %dma_start3A_278 = arith.constant 0 : i32
        %dma_start3A_279 = tpu.memref_slice %arg11[%dma_start3A_275, %dma_start3A_277, %dma_start3A_278] : memref<8x128x16xf32, #tpu.memory_space<vmem>> -> memref<1x128x16xf32, #tpu.memory_space<vmem>>
        %dma_start3A_280 = tpu.memref_squeeze %dma_start3A_279 : memref<1x128x16xf32, #tpu.memory_space<vmem>> -> memref<128x16xf32, #tpu.memory_space<vmem>>
        %dma_start3A_281 = arith.constant 0 : i32
        %dma_start3A_282 = tpu.memref_slice %arg10[%scan3A_201, %dma_start3A_281] : memref<80x128xi32, #tpu.memory_space<vmem>> -> memref<1x128xi32, #tpu.memory_space<vmem>>
        %dma_start3A_283 = tpu.memref_squeeze %dma_start3A_282 : memref<1x128xi32, #tpu.memory_space<vmem>> -> memref<128xi32, #tpu.memory_space<vmem>>
        %dma_start3A_284 = arith.constant 0 : i32
        %dma_start3A_285 = arith.constant 0 : i32
        %dma_start3A_286 = tpu.memref_slice %arg13[%dma_start3A_284, %dma_start3A_285] : memref<10112x16xf32, #tpu.memory_space<vmem_shared>> -> memref<10112x16xf32, #tpu.memory_space<vmem_shared>>
        %dma_start3A_287 = tpu.memref_slice %arg15[%dma_start3A_276] : memref<8x!tpu.dma_semaphore, #tpu.memory_space<semaphore_mem>> -> memref<1x!tpu.dma_semaphore, #tpu.memory_space<semaphore_mem>>
        %dma_start3A_288 = tpu.memref_squeeze %dma_start3A_287 : memref<1x!tpu.dma_semaphore, #tpu.memory_space<semaphore_mem>> -> memref<!tpu.dma_semaphore, #tpu.memory_space<semaphore_mem>>
        tpu.enqueue_indirect_dma source(%dma_start3A_280 : memref<128x16xf32, #tpu.memory_space<vmem>>) target(%dma_start3A_286 : memref<10112x16xf32, #tpu.memory_space<vmem_shared>>) offsets(%dma_start3A_283 : memref<128xi32, #tpu.memory_space<vmem>>) semaphore(%dma_start3A_288 : memref<!tpu.dma_semaphore, #tpu.memory_space<semaphore_mem>>) {add = true}
      } else {
      }
      %eq3A_243 = arith.constant 6 : i32
      %eq3A_244 = arith.cmpi eq, %select_n3A_212, %eq3A_243 : i32
      %convert_element_type3A_245 = arith.extui %eq3A_244 : i1 to i32
      %cond3A_246 = arith.constant 0 : i32
      %cond3A_247 = arith.cmpi ne, %convert_element_type3A_245, %cond3A_246 : i32
      scf.if %cond3A_247 {
        %add3A_254 = arith.constant 4 : i32
        %add3A_255 = arith.addi %scan3A_201, %add3A_254 : i32
        %lt3A_256 = arith.constant 80 : i32
        %lt3A_257 = arith.cmpi slt, %add3A_255, %lt3A_256 : i32
        %convert_element_type3A_258 = arith.extui %lt3A_257 : i1 to i32
        %cond3A_259 = arith.constant 0 : i32
        %cond3A_260 = arith.cmpi ne, %convert_element_type3A_258, %cond3A_259 : i32
        scf.if %cond3A_260 {
          %ge3A = arith.constant 4 : i32
          %ge3A_289 = arith.cmpi sge, %scan3A_201, %ge3A : i32
          %convert_element_type3A_290 = arith.extui %ge3A_289 : i1 to i32
          %cond3A_291 = arith.constant 0 : i32
          %cond3A_292 = arith.cmpi ne, %convert_element_type3A_290, %cond3A_291 : i32
          scf.if %cond3A_292 {
            %dma_wait3A_309 = arith.constant 2 : i32
            %dma_wait3A_310 = arith.constant 0 : i32
            %dma_wait3A_311 = arith.constant 2 : i32
            %dma_wait3A_312 = arith.constant 0 : i32
            %dma_wait3A_313 = arith.constant 0 : i32
            %dma_wait3A_314 = tpu.memref_slice %arg11[%dma_wait3A_309, %dma_wait3A_312, %dma_wait3A_313] : memref<8x128x16xf32, #tpu.memory_space<vmem>> -> memref<1x128x16xf32, #tpu.memory_space<vmem>>
            %dma_wait3A_315 = tpu.memref_squeeze %dma_wait3A_314 : memref<1x128x16xf32, #tpu.memory_space<vmem>> -> memref<128x16xf32, #tpu.memory_space<vmem>>
            %dma_wait3A_316 = arith.constant 0 : i32
            %dma_wait3A_317 = tpu.memref_slice %arg10[%dma_wait3A_310, %dma_wait3A_316] : memref<80x128xi32, #tpu.memory_space<vmem>> -> memref<1x128xi32, #tpu.memory_space<vmem>>
            %dma_wait3A_318 = tpu.memref_squeeze %dma_wait3A_317 : memref<1x128xi32, #tpu.memory_space<vmem>> -> memref<128xi32, #tpu.memory_space<vmem>>
            %dma_wait3A_319 = arith.constant 0 : i32
            %dma_wait3A_320 = arith.constant 0 : i32
            %dma_wait3A_321 = tpu.memref_slice %arg13[%dma_wait3A_319, %dma_wait3A_320] : memref<10112x16xf32, #tpu.memory_space<vmem_shared>> -> memref<10112x16xf32, #tpu.memory_space<vmem_shared>>
            %dma_wait3A_322 = tpu.memref_slice %arg15[%dma_wait3A_311] : memref<8x!tpu.dma_semaphore, #tpu.memory_space<semaphore_mem>> -> memref<1x!tpu.dma_semaphore, #tpu.memory_space<semaphore_mem>>
            %dma_wait3A_323 = tpu.memref_squeeze %dma_wait3A_322 : memref<1x!tpu.dma_semaphore, #tpu.memory_space<semaphore_mem>> -> memref<!tpu.dma_semaphore, #tpu.memory_space<semaphore_mem>>
            tpu.wait_indirect_dma semaphore(%dma_wait3A_323 : memref<!tpu.dma_semaphore, #tpu.memory_space<semaphore_mem>>) src(%dma_wait3A_315 : memref<128x16xf32, #tpu.memory_space<vmem>>) dst(%dma_wait3A_321 : memref<10112x16xf32, #tpu.memory_space<vmem_shared>>)
          } else {
          }
          %add3A_293 = arith.constant 4 : i32
          %add3A_294 = arith.addi %scan3A_201, %add3A_293 : i32
          %dma_start3A_295 = arith.constant 2 : i32
          %dma_start3A_296 = arith.constant 2 : i32
          %dma_start3A_297 = arith.constant 0 : i32
          %dma_start3A_298 = arith.constant 0 : i32
          %dma_start3A_299 = tpu.memref_slice %arg11[%dma_start3A_295, %dma_start3A_297, %dma_start3A_298] : memref<8x128x16xf32, #tpu.memory_space<vmem>> -> memref<1x128x16xf32, #tpu.memory_space<vmem>>
          %dma_start3A_300 = tpu.memref_squeeze %dma_start3A_299 : memref<1x128x16xf32, #tpu.memory_space<vmem>> -> memref<128x16xf32, #tpu.memory_space<vmem>>
          %dma_start3A_301 = arith.constant 0 : i32
          %dma_start3A_302 = tpu.memref_slice %arg9[%add3A_294, %dma_start3A_301] : memref<80x128xi32, #tpu.memory_space<vmem>> -> memref<1x128xi32, #tpu.memory_space<vmem>>
          %dma_start3A_303 = tpu.memref_squeeze %dma_start3A_302 : memref<1x128xi32, #tpu.memory_space<vmem>> -> memref<128xi32, #tpu.memory_space<vmem>>
          %dma_start3A_304 = arith.constant 0 : i32
          %dma_start3A_305 = arith.constant 0 : i32
          %dma_start3A_306 = tpu.memref_slice %arg2[%dma_start3A_304, %dma_start3A_305] : memref<10000x16xf32, #tpu.memory_space<hbm>> -> memref<10000x16xf32, #tpu.memory_space<hbm>>
          %dma_start3A_307 = tpu.memref_slice %arg14[%dma_start3A_296] : memref<8x!tpu.dma_semaphore, #tpu.memory_space<semaphore_mem>> -> memref<1x!tpu.dma_semaphore, #tpu.memory_space<semaphore_mem>>
          %dma_start3A_308 = tpu.memref_squeeze %dma_start3A_307 : memref<1x!tpu.dma_semaphore, #tpu.memory_space<semaphore_mem>> -> memref<!tpu.dma_semaphore, #tpu.memory_space<semaphore_mem>>
          tpu.enqueue_indirect_dma source(%dma_start3A_306 : memref<10000x16xf32, #tpu.memory_space<hbm>>) target(%dma_start3A_300 : memref<128x16xf32, #tpu.memory_space<vmem>>) offsets(%dma_start3A_303 : memref<128xi32, #tpu.memory_space<vmem>>) semaphore(%dma_start3A_308 : memref<!tpu.dma_semaphore, #tpu.memory_space<semaphore_mem>>)
        } else {
        }
        %dma_wait3A_261 = arith.constant 6 : i32
        %dma_wait3A_262 = arith.constant 6 : i32
        %dma_wait3A_263 = arith.constant 0 : i32
        %dma_wait3A_264 = arith.constant 0 : i32
        %dma_wait3A_265 = tpu.memref_slice %arg11[%dma_wait3A_261, %dma_wait3A_263, %dma_wait3A_264] : memref<8x128x16xf32, #tpu.memory_space<vmem>> -> memref<1x128x16xf32, #tpu.memory_space<vmem>>
        %dma_wait3A_266 = tpu.memref_squeeze %dma_wait3A_265 : memref<1x128x16xf32, #tpu.memory_space<vmem>> -> memref<128x16xf32, #tpu.memory_space<vmem>>
        %dma_wait3A_267 = arith.constant 0 : i32
        %dma_wait3A_268 = tpu.memref_slice %arg9[%scan3A_201, %dma_wait3A_267] : memref<80x128xi32, #tpu.memory_space<vmem>> -> memref<1x128xi32, #tpu.memory_space<vmem>>
        %dma_wait3A_269 = tpu.memref_squeeze %dma_wait3A_268 : memref<1x128xi32, #tpu.memory_space<vmem>> -> memref<128xi32, #tpu.memory_space<vmem>>
        %dma_wait3A_270 = arith.constant 0 : i32
        %dma_wait3A_271 = arith.constant 0 : i32
        %dma_wait3A_272 = tpu.memref_slice %arg2[%dma_wait3A_270, %dma_wait3A_271] : memref<10000x16xf32, #tpu.memory_space<hbm>> -> memref<10000x16xf32, #tpu.memory_space<hbm>>
        %dma_wait3A_273 = tpu.memref_slice %arg14[%dma_wait3A_262] : memref<8x!tpu.dma_semaphore, #tpu.memory_space<semaphore_mem>> -> memref<1x!tpu.dma_semaphore, #tpu.memory_space<semaphore_mem>>
        %dma_wait3A_274 = tpu.memref_squeeze %dma_wait3A_273 : memref<1x!tpu.dma_semaphore, #tpu.memory_space<semaphore_mem>> -> memref<!tpu.dma_semaphore, #tpu.memory_space<semaphore_mem>>
        tpu.wait_indirect_dma semaphore(%dma_wait3A_274 : memref<!tpu.dma_semaphore, #tpu.memory_space<semaphore_mem>>) src(%dma_wait3A_272 : memref<10000x16xf32, #tpu.memory_space<hbm>>) dst(%dma_wait3A_266 : memref<128x16xf32, #tpu.memory_space<vmem>>)
        %dma_start3A_275 = arith.constant 6 : i32
        %dma_start3A_276 = arith.constant 6 : i32
        %dma_start3A_277 = arith.constant 0 : i32
        %dma_start3A_278 = arith.constant 0 : i32
        %dma_start3A_279 = tpu.memref_slice %arg11[%dma_start3A_275, %dma_start3A_277, %dma_start3A_278] : memref<8x128x16xf32, #tpu.memory_space<vmem>> -> memref<1x128x16xf32, #tpu.memory_space<vmem>>
        %dma_start3A_280 = tpu.memref_squeeze %dma_start3A_279 : memref<1x128x16xf32, #tpu.memory_space<vmem>> -> memref<128x16xf32, #tpu.memory_space<vmem>>
        %dma_start3A_281 = arith.constant 0 : i32
        %dma_start3A_282 = tpu.memref_slice %arg10[%scan3A_201, %dma_start3A_281] : memref<80x128xi32, #tpu.memory_space<vmem>> -> memref<1x128xi32, #tpu.memory_space<vmem>>
        %dma_start3A_283 = tpu.memref_squeeze %dma_start3A_282 : memref<1x128xi32, #tpu.memory_space<vmem>> -> memref<128xi32, #tpu.memory_space<vmem>>
        %dma_start3A_284 = arith.constant 0 : i32
        %dma_start3A_285 = arith.constant 0 : i32
        %dma_start3A_286 = tpu.memref_slice %arg13[%dma_start3A_284, %dma_start3A_285] : memref<10112x16xf32, #tpu.memory_space<vmem_shared>> -> memref<10112x16xf32, #tpu.memory_space<vmem_shared>>
        %dma_start3A_287 = tpu.memref_slice %arg15[%dma_start3A_276] : memref<8x!tpu.dma_semaphore, #tpu.memory_space<semaphore_mem>> -> memref<1x!tpu.dma_semaphore, #tpu.memory_space<semaphore_mem>>
        %dma_start3A_288 = tpu.memref_squeeze %dma_start3A_287 : memref<1x!tpu.dma_semaphore, #tpu.memory_space<semaphore_mem>> -> memref<!tpu.dma_semaphore, #tpu.memory_space<semaphore_mem>>
        tpu.enqueue_indirect_dma source(%dma_start3A_280 : memref<128x16xf32, #tpu.memory_space<vmem>>) target(%dma_start3A_286 : memref<10112x16xf32, #tpu.memory_space<vmem_shared>>) offsets(%dma_start3A_283 : memref<128xi32, #tpu.memory_space<vmem>>) semaphore(%dma_start3A_288 : memref<!tpu.dma_semaphore, #tpu.memory_space<semaphore_mem>>) {add = true}
      } else {
      }
      %eq3A_248 = arith.constant 7 : i32
      %eq3A_249 = arith.cmpi eq, %select_n3A_212, %eq3A_248 : i32
      %convert_element_type3A_250 = arith.extui %eq3A_249 : i1 to i32
      %cond3A_251 = arith.constant 0 : i32
      %cond3A_252 = arith.cmpi ne, %convert_element_type3A_250, %cond3A_251 : i32
      scf.if %cond3A_252 {
        %add3A_254 = arith.constant 4 : i32
        %add3A_255 = arith.addi %scan3A_201, %add3A_254 : i32
        %lt3A_256 = arith.constant 80 : i32
        %lt3A_257 = arith.cmpi slt, %add3A_255, %lt3A_256 : i32
        %convert_element_type3A_258 = arith.extui %lt3A_257 : i1 to i32
        %cond3A_259 = arith.constant 0 : i32
        %cond3A_260 = arith.cmpi ne, %convert_element_type3A_258, %cond3A_259 : i32
        scf.if %cond3A_260 {
          %ge3A = arith.constant 4 : i32
          %ge3A_289 = arith.cmpi sge, %scan3A_201, %ge3A : i32
          %convert_element_type3A_290 = arith.extui %ge3A_289 : i1 to i32
          %cond3A_291 = arith.constant 0 : i32
          %cond3A_292 = arith.cmpi ne, %convert_element_type3A_290, %cond3A_291 : i32
          scf.if %cond3A_292 {
            %dma_wait3A_309 = arith.constant 3 : i32
            %dma_wait3A_310 = arith.constant 0 : i32
            %dma_wait3A_311 = arith.constant 3 : i32
            %dma_wait3A_312 = arith.constant 0 : i32
            %dma_wait3A_313 = arith.constant 0 : i32
            %dma_wait3A_314 = tpu.memref_slice %arg11[%dma_wait3A_309, %dma_wait3A_312, %dma_wait3A_313] : memref<8x128x16xf32, #tpu.memory_space<vmem>> -> memref<1x128x16xf32, #tpu.memory_space<vmem>>
            %dma_wait3A_315 = tpu.memref_squeeze %dma_wait3A_314 : memref<1x128x16xf32, #tpu.memory_space<vmem>> -> memref<128x16xf32, #tpu.memory_space<vmem>>
            %dma_wait3A_316 = arith.constant 0 : i32
            %dma_wait3A_317 = tpu.memref_slice %arg10[%dma_wait3A_310, %dma_wait3A_316] : memref<80x128xi32, #tpu.memory_space<vmem>> -> memref<1x128xi32, #tpu.memory_space<vmem>>
            %dma_wait3A_318 = tpu.memref_squeeze %dma_wait3A_317 : memref<1x128xi32, #tpu.memory_space<vmem>> -> memref<128xi32, #tpu.memory_space<vmem>>
            %dma_wait3A_319 = arith.constant 0 : i32
            %dma_wait3A_320 = arith.constant 0 : i32
            %dma_wait3A_321 = tpu.memref_slice %arg13[%dma_wait3A_319, %dma_wait3A_320] : memref<10112x16xf32, #tpu.memory_space<vmem_shared>> -> memref<10112x16xf32, #tpu.memory_space<vmem_shared>>
            %dma_wait3A_322 = tpu.memref_slice %arg15[%dma_wait3A_311] : memref<8x!tpu.dma_semaphore, #tpu.memory_space<semaphore_mem>> -> memref<1x!tpu.dma_semaphore, #tpu.memory_space<semaphore_mem>>
            %dma_wait3A_323 = tpu.memref_squeeze %dma_wait3A_322 : memref<1x!tpu.dma_semaphore, #tpu.memory_space<semaphore_mem>> -> memref<!tpu.dma_semaphore, #tpu.memory_space<semaphore_mem>>
            tpu.wait_indirect_dma semaphore(%dma_wait3A_323 : memref<!tpu.dma_semaphore, #tpu.memory_space<semaphore_mem>>) src(%dma_wait3A_315 : memref<128x16xf32, #tpu.memory_space<vmem>>) dst(%dma_wait3A_321 : memref<10112x16xf32, #tpu.memory_space<vmem_shared>>)
          } else {
          }
          %add3A_293 = arith.constant 4 : i32
          %add3A_294 = arith.addi %scan3A_201, %add3A_293 : i32
          %dma_start3A_295 = arith.constant 3 : i32
          %dma_start3A_296 = arith.constant 3 : i32
          %dma_start3A_297 = arith.constant 0 : i32
          %dma_start3A_298 = arith.constant 0 : i32
          %dma_start3A_299 = tpu.memref_slice %arg11[%dma_start3A_295, %dma_start3A_297, %dma_start3A_298] : memref<8x128x16xf32, #tpu.memory_space<vmem>> -> memref<1x128x16xf32, #tpu.memory_space<vmem>>
          %dma_start3A_300 = tpu.memref_squeeze %dma_start3A_299 : memref<1x128x16xf32, #tpu.memory_space<vmem>> -> memref<128x16xf32, #tpu.memory_space<vmem>>
          %dma_start3A_301 = arith.constant 0 : i32
          %dma_start3A_302 = tpu.memref_slice %arg9[%add3A_294, %dma_start3A_301] : memref<80x128xi32, #tpu.memory_space<vmem>> -> memref<1x128xi32, #tpu.memory_space<vmem>>
          %dma_start3A_303 = tpu.memref_squeeze %dma_start3A_302 : memref<1x128xi32, #tpu.memory_space<vmem>> -> memref<128xi32, #tpu.memory_space<vmem>>
          %dma_start3A_304 = arith.constant 0 : i32
          %dma_start3A_305 = arith.constant 0 : i32
          %dma_start3A_306 = tpu.memref_slice %arg2[%dma_start3A_304, %dma_start3A_305] : memref<10000x16xf32, #tpu.memory_space<hbm>> -> memref<10000x16xf32, #tpu.memory_space<hbm>>
          %dma_start3A_307 = tpu.memref_slice %arg14[%dma_start3A_296] : memref<8x!tpu.dma_semaphore, #tpu.memory_space<semaphore_mem>> -> memref<1x!tpu.dma_semaphore, #tpu.memory_space<semaphore_mem>>
          %dma_start3A_308 = tpu.memref_squeeze %dma_start3A_307 : memref<1x!tpu.dma_semaphore, #tpu.memory_space<semaphore_mem>> -> memref<!tpu.dma_semaphore, #tpu.memory_space<semaphore_mem>>
          tpu.enqueue_indirect_dma source(%dma_start3A_306 : memref<10000x16xf32, #tpu.memory_space<hbm>>) target(%dma_start3A_300 : memref<128x16xf32, #tpu.memory_space<vmem>>) offsets(%dma_start3A_303 : memref<128xi32, #tpu.memory_space<vmem>>) semaphore(%dma_start3A_308 : memref<!tpu.dma_semaphore, #tpu.memory_space<semaphore_mem>>)
        } else {
        }
        %dma_wait3A_261 = arith.constant 7 : i32
        %dma_wait3A_262 = arith.constant 7 : i32
        %dma_wait3A_263 = arith.constant 0 : i32
        %dma_wait3A_264 = arith.constant 0 : i32
        %dma_wait3A_265 = tpu.memref_slice %arg11[%dma_wait3A_261, %dma_wait3A_263, %dma_wait3A_264] : memref<8x128x16xf32, #tpu.memory_space<vmem>> -> memref<1x128x16xf32, #tpu.memory_space<vmem>>
        %dma_wait3A_266 = tpu.memref_squeeze %dma_wait3A_265 : memref<1x128x16xf32, #tpu.memory_space<vmem>> -> memref<128x16xf32, #tpu.memory_space<vmem>>
        %dma_wait3A_267 = arith.constant 0 : i32
        %dma_wait3A_268 = tpu.memref_slice %arg9[%scan3A_201, %dma_wait3A_267] : memref<80x128xi32, #tpu.memory_space<vmem>> -> memref<1x128xi32, #tpu.memory_space<vmem>>
        %dma_wait3A_269 = tpu.memref_squeeze %dma_wait3A_268 : memref<1x128xi32, #tpu.memory_space<vmem>> -> memref<128xi32, #tpu.memory_space<vmem>>
        %dma_wait3A_270 = arith.constant 0 : i32
        %dma_wait3A_271 = arith.constant 0 : i32
        %dma_wait3A_272 = tpu.memref_slice %arg2[%dma_wait3A_270, %dma_wait3A_271] : memref<10000x16xf32, #tpu.memory_space<hbm>> -> memref<10000x16xf32, #tpu.memory_space<hbm>>
        %dma_wait3A_273 = tpu.memref_slice %arg14[%dma_wait3A_262] : memref<8x!tpu.dma_semaphore, #tpu.memory_space<semaphore_mem>> -> memref<1x!tpu.dma_semaphore, #tpu.memory_space<semaphore_mem>>
        %dma_wait3A_274 = tpu.memref_squeeze %dma_wait3A_273 : memref<1x!tpu.dma_semaphore, #tpu.memory_space<semaphore_mem>> -> memref<!tpu.dma_semaphore, #tpu.memory_space<semaphore_mem>>
        tpu.wait_indirect_dma semaphore(%dma_wait3A_274 : memref<!tpu.dma_semaphore, #tpu.memory_space<semaphore_mem>>) src(%dma_wait3A_272 : memref<10000x16xf32, #tpu.memory_space<hbm>>) dst(%dma_wait3A_266 : memref<128x16xf32, #tpu.memory_space<vmem>>)
        %dma_start3A_275 = arith.constant 7 : i32
        %dma_start3A_276 = arith.constant 7 : i32
        %dma_start3A_277 = arith.constant 0 : i32
        %dma_start3A_278 = arith.constant 0 : i32
        %dma_start3A_279 = tpu.memref_slice %arg11[%dma_start3A_275, %dma_start3A_277, %dma_start3A_278] : memref<8x128x16xf32, #tpu.memory_space<vmem>> -> memref<1x128x16xf32, #tpu.memory_space<vmem>>
        %dma_start3A_280 = tpu.memref_squeeze %dma_start3A_279 : memref<1x128x16xf32, #tpu.memory_space<vmem>> -> memref<128x16xf32, #tpu.memory_space<vmem>>
        %dma_start3A_281 = arith.constant 0 : i32
        %dma_start3A_282 = tpu.memref_slice %arg10[%scan3A_201, %dma_start3A_281] : memref<80x128xi32, #tpu.memory_space<vmem>> -> memref<1x128xi32, #tpu.memory_space<vmem>>
        %dma_start3A_283 = tpu.memref_squeeze %dma_start3A_282 : memref<1x128xi32, #tpu.memory_space<vmem>> -> memref<128xi32, #tpu.memory_space<vmem>>
        %dma_start3A_284 = arith.constant 0 : i32
        %dma_start3A_285 = arith.constant 0 : i32
        %dma_start3A_286 = tpu.memref_slice %arg13[%dma_start3A_284, %dma_start3A_285] : memref<10112x16xf32, #tpu.memory_space<vmem_shared>> -> memref<10112x16xf32, #tpu.memory_space<vmem_shared>>
        %dma_start3A_287 = tpu.memref_slice %arg15[%dma_start3A_276] : memref<8x!tpu.dma_semaphore, #tpu.memory_space<semaphore_mem>> -> memref<1x!tpu.dma_semaphore, #tpu.memory_space<semaphore_mem>>
        %dma_start3A_288 = tpu.memref_squeeze %dma_start3A_287 : memref<1x!tpu.dma_semaphore, #tpu.memory_space<semaphore_mem>> -> memref<!tpu.dma_semaphore, #tpu.memory_space<semaphore_mem>>
        tpu.enqueue_indirect_dma source(%dma_start3A_280 : memref<128x16xf32, #tpu.memory_space<vmem>>) target(%dma_start3A_286 : memref<10112x16xf32, #tpu.memory_space<vmem_shared>>) offsets(%dma_start3A_283 : memref<128xi32, #tpu.memory_space<vmem>>) semaphore(%dma_start3A_288 : memref<!tpu.dma_semaphore, #tpu.memory_space<semaphore_mem>>) {add = true}
      } else {
      }
      %scan3A_253 = arith.constant 0 : i32
      scf.yield %scan3A_253 : i32
    }
    %scan3A_71 = arith.constant 80 : i32
    %dma_wait3A = arith.constant 0 : i32
    %dma_wait3A_72 = arith.constant 0 : i32
    %dma_wait3A_73 = arith.constant 0 : i32
    %dma_wait3A_74 = arith.constant 0 : i32
    %dma_wait3A_75 = arith.constant 0 : i32
    %dma_wait3A_76 = tpu.memref_slice %arg11[%dma_wait3A, %dma_wait3A_74, %dma_wait3A_75] : memref<8x128x16xf32, #tpu.memory_space<vmem>> -> memref<1x128x16xf32, #tpu.memory_space<vmem>>
    %dma_wait3A_77 = tpu.memref_squeeze %dma_wait3A_76 : memref<1x128x16xf32, #tpu.memory_space<vmem>> -> memref<128x16xf32, #tpu.memory_space<vmem>>
    %dma_wait3A_78 = arith.constant 0 : i32
    %dma_wait3A_79 = tpu.memref_slice %arg10[%dma_wait3A_72, %dma_wait3A_78] : memref<80x128xi32, #tpu.memory_space<vmem>> -> memref<1x128xi32, #tpu.memory_space<vmem>>
    %dma_wait3A_80 = tpu.memref_squeeze %dma_wait3A_79 : memref<1x128xi32, #tpu.memory_space<vmem>> -> memref<128xi32, #tpu.memory_space<vmem>>
    %dma_wait3A_81 = arith.constant 0 : i32
    %dma_wait3A_82 = arith.constant 0 : i32
    %dma_wait3A_83 = tpu.memref_slice %arg13[%dma_wait3A_81, %dma_wait3A_82] : memref<10112x16xf32, #tpu.memory_space<vmem_shared>> -> memref<10112x16xf32, #tpu.memory_space<vmem_shared>>
    %dma_wait3A_84 = tpu.memref_slice %arg15[%dma_wait3A_73] : memref<8x!tpu.dma_semaphore, #tpu.memory_space<semaphore_mem>> -> memref<1x!tpu.dma_semaphore, #tpu.memory_space<semaphore_mem>>
    %dma_wait3A_85 = tpu.memref_squeeze %dma_wait3A_84 : memref<1x!tpu.dma_semaphore, #tpu.memory_space<semaphore_mem>> -> memref<!tpu.dma_semaphore, #tpu.memory_space<semaphore_mem>>
    tpu.wait_indirect_dma semaphore(%dma_wait3A_85 : memref<!tpu.dma_semaphore, #tpu.memory_space<semaphore_mem>>) src(%dma_wait3A_77 : memref<128x16xf32, #tpu.memory_space<vmem>>) dst(%dma_wait3A_83 : memref<10112x16xf32, #tpu.memory_space<vmem_shared>>)
    %dma_wait3A_86 = arith.constant 1 : i32
    %dma_wait3A_87 = arith.constant 0 : i32
    %dma_wait3A_88 = arith.constant 1 : i32
    %dma_wait3A_89 = arith.constant 0 : i32
    %dma_wait3A_90 = arith.constant 0 : i32
    %dma_wait3A_91 = tpu.memref_slice %arg11[%dma_wait3A_86, %dma_wait3A_89, %dma_wait3A_90] : memref<8x128x16xf32, #tpu.memory_space<vmem>> -> memref<1x128x16xf32, #tpu.memory_space<vmem>>
    %dma_wait3A_92 = tpu.memref_squeeze %dma_wait3A_91 : memref<1x128x16xf32, #tpu.memory_space<vmem>> -> memref<128x16xf32, #tpu.memory_space<vmem>>
    %dma_wait3A_93 = arith.constant 0 : i32
    %dma_wait3A_94 = tpu.memref_slice %arg10[%dma_wait3A_87, %dma_wait3A_93] : memref<80x128xi32, #tpu.memory_space<vmem>> -> memref<1x128xi32, #tpu.memory_space<vmem>>
    %dma_wait3A_95 = tpu.memref_squeeze %dma_wait3A_94 : memref<1x128xi32, #tpu.memory_space<vmem>> -> memref<128xi32, #tpu.memory_space<vmem>>
    %dma_wait3A_96 = arith.constant 0 : i32
    %dma_wait3A_97 = arith.constant 0 : i32
    %dma_wait3A_98 = tpu.memref_slice %arg13[%dma_wait3A_96, %dma_wait3A_97] : memref<10112x16xf32, #tpu.memory_space<vmem_shared>> -> memref<10112x16xf32, #tpu.memory_space<vmem_shared>>
    %dma_wait3A_99 = tpu.memref_slice %arg15[%dma_wait3A_88] : memref<8x!tpu.dma_semaphore, #tpu.memory_space<semaphore_mem>> -> memref<1x!tpu.dma_semaphore, #tpu.memory_space<semaphore_mem>>
    %dma_wait3A_100 = tpu.memref_squeeze %dma_wait3A_99 : memref<1x!tpu.dma_semaphore, #tpu.memory_space<semaphore_mem>> -> memref<!tpu.dma_semaphore, #tpu.memory_space<semaphore_mem>>
    tpu.wait_indirect_dma semaphore(%dma_wait3A_100 : memref<!tpu.dma_semaphore, #tpu.memory_space<semaphore_mem>>) src(%dma_wait3A_92 : memref<128x16xf32, #tpu.memory_space<vmem>>) dst(%dma_wait3A_98 : memref<10112x16xf32, #tpu.memory_space<vmem_shared>>)
    %dma_wait3A_101 = arith.constant 2 : i32
    %dma_wait3A_102 = arith.constant 0 : i32
    %dma_wait3A_103 = arith.constant 2 : i32
    %dma_wait3A_104 = arith.constant 0 : i32
    %dma_wait3A_105 = arith.constant 0 : i32
    %dma_wait3A_106 = tpu.memref_slice %arg11[%dma_wait3A_101, %dma_wait3A_104, %dma_wait3A_105] : memref<8x128x16xf32, #tpu.memory_space<vmem>> -> memref<1x128x16xf32, #tpu.memory_space<vmem>>
    %dma_wait3A_107 = tpu.memref_squeeze %dma_wait3A_106 : memref<1x128x16xf32, #tpu.memory_space<vmem>> -> memref<128x16xf32, #tpu.memory_space<vmem>>
    %dma_wait3A_108 = arith.constant 0 : i32
    %dma_wait3A_109 = tpu.memref_slice %arg10[%dma_wait3A_102, %dma_wait3A_108] : memref<80x128xi32, #tpu.memory_space<vmem>> -> memref<1x128xi32, #tpu.memory_space<vmem>>
    %dma_wait3A_110 = tpu.memref_squeeze %dma_wait3A_109 : memref<1x128xi32, #tpu.memory_space<vmem>> -> memref<128xi32, #tpu.memory_space<vmem>>
    %dma_wait3A_111 = arith.constant 0 : i32
    %dma_wait3A_112 = arith.constant 0 : i32
    %dma_wait3A_113 = tpu.memref_slice %arg13[%dma_wait3A_111, %dma_wait3A_112] : memref<10112x16xf32, #tpu.memory_space<vmem_shared>> -> memref<10112x16xf32, #tpu.memory_space<vmem_shared>>
    %dma_wait3A_114 = tpu.memref_slice %arg15[%dma_wait3A_103] : memref<8x!tpu.dma_semaphore, #tpu.memory_space<semaphore_mem>> -> memref<1x!tpu.dma_semaphore, #tpu.memory_space<semaphore_mem>>
    %dma_wait3A_115 = tpu.memref_squeeze %dma_wait3A_114 : memref<1x!tpu.dma_semaphore, #tpu.memory_space<semaphore_mem>> -> memref<!tpu.dma_semaphore, #tpu.memory_space<semaphore_mem>>
    tpu.wait_indirect_dma semaphore(%dma_wait3A_115 : memref<!tpu.dma_semaphore, #tpu.memory_space<semaphore_mem>>) src(%dma_wait3A_107 : memref<128x16xf32, #tpu.memory_space<vmem>>) dst(%dma_wait3A_113 : memref<10112x16xf32, #tpu.memory_space<vmem_shared>>)
    %dma_wait3A_116 = arith.constant 3 : i32
    %dma_wait3A_117 = arith.constant 0 : i32
    %dma_wait3A_118 = arith.constant 3 : i32
    %dma_wait3A_119 = arith.constant 0 : i32
    %dma_wait3A_120 = arith.constant 0 : i32
    %dma_wait3A_121 = tpu.memref_slice %arg11[%dma_wait3A_116, %dma_wait3A_119, %dma_wait3A_120] : memref<8x128x16xf32, #tpu.memory_space<vmem>> -> memref<1x128x16xf32, #tpu.memory_space<vmem>>
    %dma_wait3A_122 = tpu.memref_squeeze %dma_wait3A_121 : memref<1x128x16xf32, #tpu.memory_space<vmem>> -> memref<128x16xf32, #tpu.memory_space<vmem>>
    %dma_wait3A_123 = arith.constant 0 : i32
    %dma_wait3A_124 = tpu.memref_slice %arg10[%dma_wait3A_117, %dma_wait3A_123] : memref<80x128xi32, #tpu.memory_space<vmem>> -> memref<1x128xi32, #tpu.memory_space<vmem>>
    %dma_wait3A_125 = tpu.memref_squeeze %dma_wait3A_124 : memref<1x128xi32, #tpu.memory_space<vmem>> -> memref<128xi32, #tpu.memory_space<vmem>>
    %dma_wait3A_126 = arith.constant 0 : i32
    %dma_wait3A_127 = arith.constant 0 : i32
    %dma_wait3A_128 = tpu.memref_slice %arg13[%dma_wait3A_126, %dma_wait3A_127] : memref<10112x16xf32, #tpu.memory_space<vmem_shared>> -> memref<10112x16xf32, #tpu.memory_space<vmem_shared>>
    %dma_wait3A_129 = tpu.memref_slice %arg15[%dma_wait3A_118] : memref<8x!tpu.dma_semaphore, #tpu.memory_space<semaphore_mem>> -> memref<1x!tpu.dma_semaphore, #tpu.memory_space<semaphore_mem>>
    %dma_wait3A_130 = tpu.memref_squeeze %dma_wait3A_129 : memref<1x!tpu.dma_semaphore, #tpu.memory_space<semaphore_mem>> -> memref<!tpu.dma_semaphore, #tpu.memory_space<semaphore_mem>>
    tpu.wait_indirect_dma semaphore(%dma_wait3A_130 : memref<!tpu.dma_semaphore, #tpu.memory_space<semaphore_mem>>) src(%dma_wait3A_122 : memref<128x16xf32, #tpu.memory_space<vmem>>) dst(%dma_wait3A_128 : memref<10112x16xf32, #tpu.memory_space<vmem_shared>>)
    %dma_wait3A_131 = arith.constant 4 : i32
    %dma_wait3A_132 = arith.constant 0 : i32
    %dma_wait3A_133 = arith.constant 4 : i32
    %dma_wait3A_134 = arith.constant 0 : i32
    %dma_wait3A_135 = arith.constant 0 : i32
    %dma_wait3A_136 = tpu.memref_slice %arg11[%dma_wait3A_131, %dma_wait3A_134, %dma_wait3A_135] : memref<8x128x16xf32, #tpu.memory_space<vmem>> -> memref<1x128x16xf32, #tpu.memory_space<vmem>>
    %dma_wait3A_137 = tpu.memref_squeeze %dma_wait3A_136 : memref<1x128x16xf32, #tpu.memory_space<vmem>> -> memref<128x16xf32, #tpu.memory_space<vmem>>
    %dma_wait3A_138 = arith.constant 0 : i32
    %dma_wait3A_139 = tpu.memref_slice %arg10[%dma_wait3A_132, %dma_wait3A_138] : memref<80x128xi32, #tpu.memory_space<vmem>> -> memref<1x128xi32, #tpu.memory_space<vmem>>
    %dma_wait3A_140 = tpu.memref_squeeze %dma_wait3A_139 : memref<1x128xi32, #tpu.memory_space<vmem>> -> memref<128xi32, #tpu.memory_space<vmem>>
    %dma_wait3A_141 = arith.constant 0 : i32
    %dma_wait3A_142 = arith.constant 0 : i32
    %dma_wait3A_143 = tpu.memref_slice %arg13[%dma_wait3A_141, %dma_wait3A_142] : memref<10112x16xf32, #tpu.memory_space<vmem_shared>> -> memref<10112x16xf32, #tpu.memory_space<vmem_shared>>
    %dma_wait3A_144 = tpu.memref_slice %arg15[%dma_wait3A_133] : memref<8x!tpu.dma_semaphore, #tpu.memory_space<semaphore_mem>> -> memref<1x!tpu.dma_semaphore, #tpu.memory_space<semaphore_mem>>
    %dma_wait3A_145 = tpu.memref_squeeze %dma_wait3A_144 : memref<1x!tpu.dma_semaphore, #tpu.memory_space<semaphore_mem>> -> memref<!tpu.dma_semaphore, #tpu.memory_space<semaphore_mem>>
    tpu.wait_indirect_dma semaphore(%dma_wait3A_145 : memref<!tpu.dma_semaphore, #tpu.memory_space<semaphore_mem>>) src(%dma_wait3A_137 : memref<128x16xf32, #tpu.memory_space<vmem>>) dst(%dma_wait3A_143 : memref<10112x16xf32, #tpu.memory_space<vmem_shared>>)
    %dma_wait3A_146 = arith.constant 5 : i32
    %dma_wait3A_147 = arith.constant 0 : i32
    %dma_wait3A_148 = arith.constant 5 : i32
    %dma_wait3A_149 = arith.constant 0 : i32
    %dma_wait3A_150 = arith.constant 0 : i32
    %dma_wait3A_151 = tpu.memref_slice %arg11[%dma_wait3A_146, %dma_wait3A_149, %dma_wait3A_150] : memref<8x128x16xf32, #tpu.memory_space<vmem>> -> memref<1x128x16xf32, #tpu.memory_space<vmem>>
    %dma_wait3A_152 = tpu.memref_squeeze %dma_wait3A_151 : memref<1x128x16xf32, #tpu.memory_space<vmem>> -> memref<128x16xf32, #tpu.memory_space<vmem>>
    %dma_wait3A_153 = arith.constant 0 : i32
    %dma_wait3A_154 = tpu.memref_slice %arg10[%dma_wait3A_147, %dma_wait3A_153] : memref<80x128xi32, #tpu.memory_space<vmem>> -> memref<1x128xi32, #tpu.memory_space<vmem>>
    %dma_wait3A_155 = tpu.memref_squeeze %dma_wait3A_154 : memref<1x128xi32, #tpu.memory_space<vmem>> -> memref<128xi32, #tpu.memory_space<vmem>>
    %dma_wait3A_156 = arith.constant 0 : i32
    %dma_wait3A_157 = arith.constant 0 : i32
    %dma_wait3A_158 = tpu.memref_slice %arg13[%dma_wait3A_156, %dma_wait3A_157] : memref<10112x16xf32, #tpu.memory_space<vmem_shared>> -> memref<10112x16xf32, #tpu.memory_space<vmem_shared>>
    %dma_wait3A_159 = tpu.memref_slice %arg15[%dma_wait3A_148] : memref<8x!tpu.dma_semaphore, #tpu.memory_space<semaphore_mem>> -> memref<1x!tpu.dma_semaphore, #tpu.memory_space<semaphore_mem>>
    %dma_wait3A_160 = tpu.memref_squeeze %dma_wait3A_159 : memref<1x!tpu.dma_semaphore, #tpu.memory_space<semaphore_mem>> -> memref<!tpu.dma_semaphore, #tpu.memory_space<semaphore_mem>>
    tpu.wait_indirect_dma semaphore(%dma_wait3A_160 : memref<!tpu.dma_semaphore, #tpu.memory_space<semaphore_mem>>) src(%dma_wait3A_152 : memref<128x16xf32, #tpu.memory_space<vmem>>) dst(%dma_wait3A_158 : memref<10112x16xf32, #tpu.memory_space<vmem_shared>>)
    %dma_wait3A_161 = arith.constant 6 : i32
    %dma_wait3A_162 = arith.constant 0 : i32
    %dma_wait3A_163 = arith.constant 6 : i32
    %dma_wait3A_164 = arith.constant 0 : i32
    %dma_wait3A_165 = arith.constant 0 : i32
    %dma_wait3A_166 = tpu.memref_slice %arg11[%dma_wait3A_161, %dma_wait3A_164, %dma_wait3A_165] : memref<8x128x16xf32, #tpu.memory_space<vmem>> -> memref<1x128x16xf32, #tpu.memory_space<vmem>>
    %dma_wait3A_167 = tpu.memref_squeeze %dma_wait3A_166 : memref<1x128x16xf32, #tpu.memory_space<vmem>> -> memref<128x16xf32, #tpu.memory_space<vmem>>
    %dma_wait3A_168 = arith.constant 0 : i32
    %dma_wait3A_169 = tpu.memref_slice %arg10[%dma_wait3A_162, %dma_wait3A_168] : memref<80x128xi32, #tpu.memory_space<vmem>> -> memref<1x128xi32, #tpu.memory_space<vmem>>
    %dma_wait3A_170 = tpu.memref_squeeze %dma_wait3A_169 : memref<1x128xi32, #tpu.memory_space<vmem>> -> memref<128xi32, #tpu.memory_space<vmem>>
    %dma_wait3A_171 = arith.constant 0 : i32
    %dma_wait3A_172 = arith.constant 0 : i32
    %dma_wait3A_173 = tpu.memref_slice %arg13[%dma_wait3A_171, %dma_wait3A_172] : memref<10112x16xf32, #tpu.memory_space<vmem_shared>> -> memref<10112x16xf32, #tpu.memory_space<vmem_shared>>
    %dma_wait3A_174 = tpu.memref_slice %arg15[%dma_wait3A_163] : memref<8x!tpu.dma_semaphore, #tpu.memory_space<semaphore_mem>> -> memref<1x!tpu.dma_semaphore, #tpu.memory_space<semaphore_mem>>
    %dma_wait3A_175 = tpu.memref_squeeze %dma_wait3A_174 : memref<1x!tpu.dma_semaphore, #tpu.memory_space<semaphore_mem>> -> memref<!tpu.dma_semaphore, #tpu.memory_space<semaphore_mem>>
    tpu.wait_indirect_dma semaphore(%dma_wait3A_175 : memref<!tpu.dma_semaphore, #tpu.memory_space<semaphore_mem>>) src(%dma_wait3A_167 : memref<128x16xf32, #tpu.memory_space<vmem>>) dst(%dma_wait3A_173 : memref<10112x16xf32, #tpu.memory_space<vmem_shared>>)
    %dma_wait3A_176 = arith.constant 7 : i32
    %dma_wait3A_177 = arith.constant 0 : i32
    %dma_wait3A_178 = arith.constant 7 : i32
    %dma_wait3A_179 = arith.constant 0 : i32
    %dma_wait3A_180 = arith.constant 0 : i32
    %dma_wait3A_181 = tpu.memref_slice %arg11[%dma_wait3A_176, %dma_wait3A_179, %dma_wait3A_180] : memref<8x128x16xf32, #tpu.memory_space<vmem>> -> memref<1x128x16xf32, #tpu.memory_space<vmem>>
    %dma_wait3A_182 = tpu.memref_squeeze %dma_wait3A_181 : memref<1x128x16xf32, #tpu.memory_space<vmem>> -> memref<128x16xf32, #tpu.memory_space<vmem>>
    %dma_wait3A_183 = arith.constant 0 : i32
    %dma_wait3A_184 = tpu.memref_slice %arg10[%dma_wait3A_177, %dma_wait3A_183] : memref<80x128xi32, #tpu.memory_space<vmem>> -> memref<1x128xi32, #tpu.memory_space<vmem>>
    %dma_wait3A_185 = tpu.memref_squeeze %dma_wait3A_184 : memref<1x128xi32, #tpu.memory_space<vmem>> -> memref<128xi32, #tpu.memory_space<vmem>>
    %dma_wait3A_186 = arith.constant 0 : i32
    %dma_wait3A_187 = arith.constant 0 : i32
    %dma_wait3A_188 = tpu.memref_slice %arg13[%dma_wait3A_186, %dma_wait3A_187] : memref<10112x16xf32, #tpu.memory_space<vmem_shared>> -> memref<10112x16xf32, #tpu.memory_space<vmem_shared>>
    %dma_wait3A_189 = tpu.memref_slice %arg15[%dma_wait3A_178] : memref<8x!tpu.dma_semaphore, #tpu.memory_space<semaphore_mem>> -> memref<1x!tpu.dma_semaphore, #tpu.memory_space<semaphore_mem>>
    %dma_wait3A_190 = tpu.memref_squeeze %dma_wait3A_189 : memref<1x!tpu.dma_semaphore, #tpu.memory_space<semaphore_mem>> -> memref<!tpu.dma_semaphore, #tpu.memory_space<semaphore_mem>>
    tpu.wait_indirect_dma semaphore(%dma_wait3A_190 : memref<!tpu.dma_semaphore, #tpu.memory_space<semaphore_mem>>) src(%dma_wait3A_182 : memref<128x16xf32, #tpu.memory_space<vmem>>) dst(%dma_wait3A_188 : memref<10112x16xf32, #tpu.memory_space<vmem_shared>>)
    %barrier3A_191 = arith.constant 0 : index
    tpu.barrier barrier_id(%barrier3A_191)
    %mul3A_192 = arith.constant 632 : i32
    %mul3A_193 = arith.muli %arg1, %mul3A_192 : i32
    %eq3A = arith.constant 0 : i32
    %eq3A_194 = arith.cmpi eq, %arg0, %eq3A : i32
    %convert_element_type3A = arith.extui %eq3A_194 : i1 to i32
    %cond3A = arith.constant 0 : i32
    %cond3A_195 = arith.cmpi ne, %convert_element_type3A, %cond3A : i32
    scf.if %cond3A_195 {
      "tpu.region"() ({
        %run_scoped3A = tpu.sem_alloc : memref<!tpu.dma_semaphore, #tpu.memory_space<semaphore_mem>>
        %dma_start3A_201 = arith.constant 0 : i32
        %dma_start3A_202 = tpu.memref_slice %arg7[%mul3A_193, %dma_start3A_201] : memref<10112x16xf32, #tpu.memory_space<hbm>> -> memref<632x16xf32, #tpu.memory_space<hbm>>
        %dma_start3A_203 = arith.constant 0 : i32
        %dma_start3A_204 = tpu.memref_slice %arg13[%mul3A_193, %dma_start3A_203] : memref<10112x16xf32, #tpu.memory_space<vmem_shared>> -> memref<632x16xf32, #tpu.memory_space<vmem_shared>>
        tpu.enqueue_dma source(%dma_start3A_204 : memref<632x16xf32, #tpu.memory_space<vmem_shared>>) target(%dma_start3A_202 : memref<632x16xf32, #tpu.memory_space<hbm>>) target_semaphore(%run_scoped3A : memref<!tpu.dma_semaphore, #tpu.memory_space<semaphore_mem>>)
        %dma_wait3A_205 = arith.constant 0 : i32
        %dma_wait3A_206 = tpu.memref_slice %arg7[%mul3A_193, %dma_wait3A_205] : memref<10112x16xf32, #tpu.memory_space<hbm>> -> memref<632x16xf32, #tpu.memory_space<hbm>>
        %dma_wait3A_207 = arith.constant 0 : i32
        %dma_wait3A_208 = tpu.memref_slice %arg13[%mul3A_193, %dma_wait3A_207] : memref<10112x16xf32, #tpu.memory_space<vmem_shared>> -> memref<632x16xf32, #tpu.memory_space<vmem_shared>>
        tpu.wait_dma2 semaphore(%run_scoped3A : memref<!tpu.dma_semaphore, #tpu.memory_space<semaphore_mem>>) src(%dma_wait3A_208 : memref<632x16xf32, #tpu.memory_space<vmem_shared>>) dst(%dma_wait3A_206 : memref<632x16xf32, #tpu.memory_space<hbm>>)
        tpu.yield
      }) : () -> ()
    } else {
    }
    %eq3A_196 = arith.constant 1 : i32
    %eq3A_197 = arith.cmpi eq, %arg0, %eq3A_196 : i32
    %convert_element_type3A_198 = arith.extui %eq3A_197 : i1 to i32
    %cond3A_199 = arith.constant 0 : i32
    %cond3A_200 = arith.cmpi ne, %convert_element_type3A_198, %cond3A_199 : i32
    scf.if %cond3A_200 {
      "tpu.region"() ({
        %run_scoped3A = tpu.sem_alloc : memref<!tpu.dma_semaphore, #tpu.memory_space<semaphore_mem>>
        %dma_start3A_201 = arith.constant 0 : i32
        %dma_start3A_202 = tpu.memref_slice %arg8[%mul3A_193, %dma_start3A_201] : memref<10112x16xf32, #tpu.memory_space<hbm>> -> memref<632x16xf32, #tpu.memory_space<hbm>>
        %dma_start3A_203 = arith.constant 0 : i32
        %dma_start3A_204 = tpu.memref_slice %arg13[%mul3A_193, %dma_start3A_203] : memref<10112x16xf32, #tpu.memory_space<vmem_shared>> -> memref<632x16xf32, #tpu.memory_space<vmem_shared>>
        tpu.enqueue_dma source(%dma_start3A_204 : memref<632x16xf32, #tpu.memory_space<vmem_shared>>) target(%dma_start3A_202 : memref<632x16xf32, #tpu.memory_space<hbm>>) target_semaphore(%run_scoped3A : memref<!tpu.dma_semaphore, #tpu.memory_space<semaphore_mem>>)
        %dma_wait3A_205 = arith.constant 0 : i32
        %dma_wait3A_206 = tpu.memref_slice %arg8[%mul3A_193, %dma_wait3A_205] : memref<10112x16xf32, #tpu.memory_space<hbm>> -> memref<632x16xf32, #tpu.memory_space<hbm>>
        %dma_wait3A_207 = arith.constant 0 : i32
        %dma_wait3A_208 = tpu.memref_slice %arg13[%mul3A_193, %dma_wait3A_207] : memref<10112x16xf32, #tpu.memory_space<vmem_shared>> -> memref<632x16xf32, #tpu.memory_space<vmem_shared>>
        tpu.wait_dma2 semaphore(%run_scoped3A : memref<!tpu.dma_semaphore, #tpu.memory_space<semaphore_mem>>) src(%dma_wait3A_208 : memref<632x16xf32, #tpu.memory_space<vmem_shared>>) dst(%dma_wait3A_206 : memref<632x16xf32, #tpu.memory_space<hbm>>)
        tpu.yield
      }) : () -> ()
    } else {
    }
    return
  }
}

module attributes {stable_mosaic.version = 14 : i64} {
  func.func @body(%arg0: i32, %arg1: memref<2048x128xf32, #tpu.memory_space<vmem>>, %arg2: memref<128x16xf32, #tpu.memory_space<vmem>>, %arg3: memref<128x16xf32, #tpu.memory_space<vmem>>, %arg4: memref<1x16xf32, #tpu.memory_space<vmem>>, %arg5: memref<2048x16xf32, #tpu.memory_space<vmem>>, %arg6: memref<2048x16xf32, #tpu.memory_space<vmem>>) attributes {dimension_semantics = [#tpu.dimension_semantics<arbitrary>], iteration_bounds = array<i64: 5>, scalar_prefetch = 0 : i64, scratch_operands = 0 : i64, tpu.core_type = #tpu.core_type<tc>, window_params = [{transform_indices = @transform_0, window_bounds = array<i64: 2048, 128>}, {pipeline_mode = #tpu.pipeline_mode<synchronous>, transform_indices = @transform_1, window_bounds = array<i64: 128, 16>}, {pipeline_mode = #tpu.pipeline_mode<synchronous>, transform_indices = @transform_2, window_bounds = array<i64: 128, 16>}, {pipeline_mode = #tpu.pipeline_mode<synchronous>, transform_indices = @transform_3, window_bounds = array<i64: 1, 16>}, {transform_indices = @transform_4, window_bounds = array<i64: 2048, 16>}, {transform_indices = @transform_5, window_bounds = array<i64: 2048, 16>}]} {
    %get3A = arith.constant 0 : index
    %get3A_0 = arith.constant 0 : index
    %get3A_1 = vector.load %arg1[%get3A, %get3A_0] : memref<2048x128xf32, #tpu.memory_space<vmem>>, vector<2048x128xf32>
    %get3A_2 = arith.constant 0 : index
    %get3A_3 = arith.constant 0 : index
    %get3A_4 = vector.load %arg2[%get3A_2, %get3A_3] : memref<128x16xf32, #tpu.memory_space<vmem>>, vector<128x16xf32>
    %dot_general3A = arith.constant dense<0.000000e+00> : vector<2048x16xf32>
    %dot_general3A_5 = tpu.matmul %get3A_1, %get3A_4, %dot_general3A {dimension_numbers = #tpu.dot_dimension_numbers<[1], [0], [0], [1], [0, 0, 1, 1], [], []>, transpose_lhs_hint = false} : vector<2048x128xf32>, vector<128x16xf32>, vector<2048x16xf32> -> vector<2048x16xf32>
    %get3A_6 = arith.constant 0 : index
    %get3A_7 = arith.constant 0 : index
    %get3A_8 = vector.load %arg4[%get3A_6, %get3A_7] : memref<1x16xf32, #tpu.memory_space<vmem>>, vector<1x16xf32>
    %add3A = vector.broadcast %get3A_8 : vector<1x16xf32> to vector<2048x16xf32>
    %add3A_9 = arith.addf %dot_general3A_5, %add3A : vector<2048x16xf32>
    %swap3A = arith.constant 0 : index
    %swap3A_10 = arith.constant 0 : index
    %swap3A_11 = vector.load %arg5[%swap3A, %swap3A_10] : memref<2048x16xf32, #tpu.memory_space<vmem>>, vector<2048x16xf32>
    tpu.vector_store %arg5[%swap3A, %swap3A_10], %add3A_9 {strides = array<i32>} : memref<2048x16xf32, #tpu.memory_space<vmem>>, vector<2048x16xf32>,
    %get3A_12 = arith.constant 0 : index
    %get3A_13 = arith.constant 0 : index
    %get3A_14 = vector.load %arg3[%get3A_12, %get3A_13] : memref<128x16xf32, #tpu.memory_space<vmem>>, vector<128x16xf32>
    %dot_general3A_15 = arith.constant dense<0.000000e+00> : vector<2048x16xf32>
    %dot_general3A_16 = tpu.matmul %get3A_1, %get3A_14, %dot_general3A_15 {dimension_numbers = #tpu.dot_dimension_numbers<[1], [0], [0], [1], [0, 0, 1, 1], [], []>, transpose_lhs_hint = false} : vector<2048x128xf32>, vector<128x16xf32>, vector<2048x16xf32> -> vector<2048x16xf32>
    %swap3A_17 = arith.constant 0 : index
    %swap3A_18 = arith.constant 0 : index
    %swap3A_19 = vector.load %arg6[%swap3A_17, %swap3A_18] : memref<2048x16xf32, #tpu.memory_space<vmem>>, vector<2048x16xf32>
    tpu.vector_store %arg6[%swap3A_17, %swap3A_18], %dot_general3A_16 {strides = array<i32>} : memref<2048x16xf32, #tpu.memory_space<vmem>>, vector<2048x16xf32>,
    return
  }
  func.func @transform_0(%arg0: i32) -> (i32, i32) {
    %c0_i32 = arith.constant 0 : i32
    %c0_i32_0 = arith.constant 0 : i32
    return %arg0, %c0_i32 : i32, i32
  }
  func.func @transform_1(%arg0: i32) -> (i32, i32) {
    %c0_i32 = arith.constant 0 : i32
    %c0_i32_0 = arith.constant 0 : i32
    %c0_i32_1 = arith.constant 0 : i32
    return %c0_i32, %c0_i32_0 : i32, i32
  }
  func.func @transform_2(%arg0: i32) -> (i32, i32) {
    %c0_i32 = arith.constant 0 : i32
    %c0_i32_0 = arith.constant 0 : i32
    %c0_i32_1 = arith.constant 0 : i32
    return %c0_i32, %c0_i32_0 : i32, i32
  }
  func.func @transform_3(%arg0: i32) -> (i32, i32) {
    %c0_i32 = arith.constant 0 : i32
    %c0_i32_0 = arith.constant 0 : i32
    %c0_i32_1 = arith.constant 0 : i32
    return %c0_i32, %c0_i32_0 : i32, i32
  }
  func.func @transform_4(%arg0: i32) -> (i32, i32) {
    %c0_i32 = arith.constant 0 : i32
    %c0_i32_0 = arith.constant 0 : i32
    return %arg0, %c0_i32 : i32, i32
  }
  func.func @transform_5(%arg0: i32) -> (i32, i32) {
    %c0_i32 = arith.constant 0 : i32
    %c0_i32_0 = arith.constant 0 : i32
    return %arg0, %c0_i32 : i32, i32
  }
}

module attributes {stable_mosaic.version = 14 : i64} {
  func.func @body(%arg0: i32, %arg1: memref<2048x16xf32, #tpu.memory_space<vmem>>, %arg2: memref<2048x16xf32, #tpu.memory_space<vmem>>, %arg3: memref<2048x16xf32, #tpu.memory_space<vmem>>, %arg4: memref<2048x16xf32, #tpu.memory_space<vmem>>, %arg5: memref<2048x16xf32, #tpu.memory_space<vmem>>, %arg6: memref<16x16xf32, #tpu.memory_space<vmem>>, %arg7: memref<16x16xf32, #tpu.memory_space<vmem>>, %arg8: memref<1x16xf32, #tpu.memory_space<vmem>>, %arg9: memref<2048x16xf32, #tpu.memory_space<vmem>>, %arg10: memref<2048x16xf32, #tpu.memory_space<vmem>>, %arg11: memref<2048x16xf32, #tpu.memory_space<vmem>>) attributes {dimension_semantics = [#tpu.dimension_semantics<arbitrary>], iteration_bounds = array<i64: 5>, scalar_prefetch = 0 : i64, scratch_operands = 0 : i64, tpu.core_type = #tpu.core_type<tc>, window_params = [{transform_indices = @transform_0, window_bounds = array<i64: 2048, 16>}, {transform_indices = @transform_1, window_bounds = array<i64: 2048, 16>}, {transform_indices = @transform_2, window_bounds = array<i64: 2048, 16>}, {transform_indices = @transform_3, window_bounds = array<i64: 2048, 16>}, {transform_indices = @transform_4, window_bounds = array<i64: 2048, 16>}, {pipeline_mode = #tpu.pipeline_mode<synchronous>, transform_indices = @transform_5, window_bounds = array<i64: 16, 16>}, {pipeline_mode = #tpu.pipeline_mode<synchronous>, transform_indices = @transform_6, window_bounds = array<i64: 16, 16>}, {pipeline_mode = #tpu.pipeline_mode<synchronous>, transform_indices = @transform_7, window_bounds = array<i64: 1, 16>}, {transform_indices = @transform_8, window_bounds = array<i64: 2048, 16>}, {transform_indices = @transform_9, window_bounds = array<i64: 2048, 16>}, {transform_indices = @transform_10, window_bounds = array<i64: 2048, 16>}]} {
    %get3A = arith.constant 0 : index
    %get3A_0 = arith.constant 0 : index
    %get3A_1 = vector.load %arg4[%get3A, %get3A_0] : memref<2048x16xf32, #tpu.memory_space<vmem>>, vector<2048x16xf32>
    %get3A_2 = arith.constant 0 : index
    %get3A_3 = arith.constant 0 : index
    %get3A_4 = vector.load %arg5[%get3A_2, %get3A_3] : memref<2048x16xf32, #tpu.memory_space<vmem>>, vector<2048x16xf32>
    %add3A = arith.addf %get3A_1, %get3A_4 : vector<2048x16xf32>
    %max3A = arith.constant 1.000000e+00 : f32
    %max3A_5 = vector.broadcast %max3A : f32 to vector<2048x16xf32>
    %max3A_6 = arith.maximumf %add3A, %max3A_5 : vector<2048x16xf32>
    %div3A = arith.constant 1.000000e+00 : f32
    %div3A_7 = vector.broadcast %div3A : f32 to vector<2048x16xf32>
    %div3A_8 = arith.divf %div3A_7, %max3A_6 : vector<2048x16xf32>
    %get3A_9 = arith.constant 0 : index
    %get3A_10 = arith.constant 0 : index
    %get3A_11 = vector.load %arg1[%get3A_9, %get3A_10] : memref<2048x16xf32, #tpu.memory_space<vmem>>, vector<2048x16xf32>
    %get3A_12 = arith.constant 0 : index
    %get3A_13 = arith.constant 0 : index
    %get3A_14 = vector.load %arg2[%get3A_12, %get3A_13] : memref<2048x16xf32, #tpu.memory_space<vmem>>, vector<2048x16xf32>
    %get3A_15 = arith.constant 0 : index
    %get3A_16 = arith.constant 0 : index
    %get3A_17 = vector.load %arg3[%get3A_15, %get3A_16] : memref<2048x16xf32, #tpu.memory_space<vmem>>, vector<2048x16xf32>
    %add3A_18 = arith.addf %get3A_14, %get3A_17 : vector<2048x16xf32>
    %mul3A = arith.mulf %add3A_18, %div3A_8 : vector<2048x16xf32>
    %add3A_19 = arith.addf %get3A_11, %mul3A : vector<2048x16xf32>
    %max3A_20 = arith.constant 0.000000e+00 : f32
    %max3A_21 = vector.broadcast %max3A_20 : f32 to vector<2048x16xf32>
    %max3A_22 = arith.maximumf %add3A_19, %max3A_21 : vector<2048x16xf32>
    %get3A_23 = arith.constant 0 : index
    %get3A_24 = arith.constant 0 : index
    %get3A_25 = vector.load %arg6[%get3A_23, %get3A_24] : memref<16x16xf32, #tpu.memory_space<vmem>>, vector<16x16xf32>
    %dot_general3A = arith.constant dense<0.000000e+00> : vector<2048x16xf32>
    %dot_general3A_26 = tpu.matmul %max3A_22, %get3A_25, %dot_general3A {dimension_numbers = #tpu.dot_dimension_numbers<[1], [0], [0], [1], [0, 0, 1, 1], [], []>, transpose_lhs_hint = false} : vector<2048x16xf32>, vector<16x16xf32>, vector<2048x16xf32> -> vector<2048x16xf32>
    %get3A_27 = arith.constant 0 : index
    %get3A_28 = arith.constant 0 : index
    %get3A_29 = vector.load %arg8[%get3A_27, %get3A_28] : memref<1x16xf32, #tpu.memory_space<vmem>>, vector<1x16xf32>
    %add3A_30 = vector.broadcast %get3A_29 : vector<1x16xf32> to vector<2048x16xf32>
    %add3A_31 = arith.addf %dot_general3A_26, %add3A_30 : vector<2048x16xf32>
    %swap3A = arith.constant 0 : index
    %swap3A_32 = arith.constant 0 : index
    %swap3A_33 = vector.load %arg9[%swap3A, %swap3A_32] : memref<2048x16xf32, #tpu.memory_space<vmem>>, vector<2048x16xf32>
    tpu.vector_store %arg9[%swap3A, %swap3A_32], %add3A_31 {strides = array<i32>} : memref<2048x16xf32, #tpu.memory_space<vmem>>, vector<2048x16xf32>,
    %get3A_34 = arith.constant 0 : index
    %get3A_35 = arith.constant 0 : index
    %get3A_36 = vector.load %arg7[%get3A_34, %get3A_35] : memref<16x16xf32, #tpu.memory_space<vmem>>, vector<16x16xf32>
    %dot_general3A_37 = arith.constant dense<0.000000e+00> : vector<2048x16xf32>
    %dot_general3A_38 = tpu.matmul %max3A_22, %get3A_36, %dot_general3A_37 {dimension_numbers = #tpu.dot_dimension_numbers<[1], [0], [0], [1], [0, 0, 1, 1], [], []>, transpose_lhs_hint = false} : vector<2048x16xf32>, vector<16x16xf32>, vector<2048x16xf32> -> vector<2048x16xf32>
    %swap3A_39 = arith.constant 0 : index
    %swap3A_40 = arith.constant 0 : index
    %swap3A_41 = vector.load %arg10[%swap3A_39, %swap3A_40] : memref<2048x16xf32, #tpu.memory_space<vmem>>, vector<2048x16xf32>
    tpu.vector_store %arg10[%swap3A_39, %swap3A_40], %dot_general3A_38 {strides = array<i32>} : memref<2048x16xf32, #tpu.memory_space<vmem>>, vector<2048x16xf32>,
    %swap3A_42 = arith.constant 0 : index
    %swap3A_43 = arith.constant 0 : index
    %swap3A_44 = vector.load %arg11[%swap3A_42, %swap3A_43] : memref<2048x16xf32, #tpu.memory_space<vmem>>, vector<2048x16xf32>
    tpu.vector_store %arg11[%swap3A_42, %swap3A_43], %div3A_8 {strides = array<i32>} : memref<2048x16xf32, #tpu.memory_space<vmem>>, vector<2048x16xf32>,
    return
  }
  func.func @transform_0(%arg0: i32) -> (i32, i32) {
    %c0_i32 = arith.constant 0 : i32
    %c0_i32_0 = arith.constant 0 : i32
    return %arg0, %c0_i32 : i32, i32
  }
  func.func @transform_1(%arg0: i32) -> (i32, i32) {
    %c0_i32 = arith.constant 0 : i32
    %c0_i32_0 = arith.constant 0 : i32
    return %arg0, %c0_i32 : i32, i32
  }
  func.func @transform_2(%arg0: i32) -> (i32, i32) {
    %c0_i32 = arith.constant 0 : i32
    %c0_i32_0 = arith.constant 0 : i32
    return %arg0, %c0_i32 : i32, i32
  }
  func.func @transform_3(%arg0: i32) -> (i32, i32) {
    %c0_i32 = arith.constant 0 : i32
    %c0_i32_0 = arith.constant 0 : i32
    return %arg0, %c0_i32 : i32, i32
  }
  func.func @transform_4(%arg0: i32) -> (i32, i32) {
    %c0_i32 = arith.constant 0 : i32
    %c0_i32_0 = arith.constant 0 : i32
    return %arg0, %c0_i32 : i32, i32
  }
  func.func @transform_5(%arg0: i32) -> (i32, i32) {
    %c0_i32 = arith.constant 0 : i32
    %c0_i32_0 = arith.constant 0 : i32
    %c0_i32_1 = arith.constant 0 : i32
    return %c0_i32, %c0_i32_0 : i32, i32
  }
  func.func @transform_6(%arg0: i32) -> (i32, i32) {
    %c0_i32 = arith.constant 0 : i32
    %c0_i32_0 = arith.constant 0 : i32
    %c0_i32_1 = arith.constant 0 : i32
    return %c0_i32, %c0_i32_0 : i32, i32
  }
  func.func @transform_7(%arg0: i32) -> (i32, i32) {
    %c0_i32 = arith.constant 0 : i32
    %c0_i32_0 = arith.constant 0 : i32
    %c0_i32_1 = arith.constant 0 : i32
    return %c0_i32, %c0_i32_0 : i32, i32
  }
  func.func @transform_8(%arg0: i32) -> (i32, i32) {
    %c0_i32 = arith.constant 0 : i32
    %c0_i32_0 = arith.constant 0 : i32
    return %arg0, %c0_i32 : i32, i32
  }
  func.func @transform_9(%arg0: i32) -> (i32, i32) {
    %c0_i32 = arith.constant 0 : i32
    %c0_i32_0 = arith.constant 0 : i32
    return %arg0, %c0_i32 : i32, i32
  }
  func.func @transform_10(%arg0: i32) -> (i32, i32) {
    %c0_i32 = arith.constant 0 : i32
    %c0_i32_0 = arith.constant 0 : i32
    return %arg0, %c0_i32 : i32, i32
  }
}

module attributes {stable_mosaic.version = 14 : i64} {
  func.func @body(%arg0: i32, %arg1: memref<2048x16xf32, #tpu.memory_space<vmem>>, %arg2: memref<2048x16xf32, #tpu.memory_space<vmem>>, %arg3: memref<2048x16xf32, #tpu.memory_space<vmem>>, %arg4: memref<2048x16xf32, #tpu.memory_space<vmem>>, %arg5: memref<2048x16xf32, #tpu.memory_space<vmem>>) attributes {dimension_semantics = [#tpu.dimension_semantics<arbitrary>], iteration_bounds = array<i64: 5>, scalar_prefetch = 0 : i64, scratch_operands = 0 : i64, tpu.core_type = #tpu.core_type<tc>, window_params = [{transform_indices = @transform_0, window_bounds = array<i64: 2048, 16>}, {transform_indices = @transform_1, window_bounds = array<i64: 2048, 16>}, {transform_indices = @transform_2, window_bounds = array<i64: 2048, 16>}, {transform_indices = @transform_3, window_bounds = array<i64: 2048, 16>}, {transform_indices = @transform_4, window_bounds = array<i64: 2048, 16>}]} {
    %get3A = arith.constant 0 : index
    %get3A_0 = arith.constant 0 : index
    %get3A_1 = vector.load %arg1[%get3A, %get3A_0] : memref<2048x16xf32, #tpu.memory_space<vmem>>, vector<2048x16xf32>
    %get3A_2 = arith.constant 0 : index
    %get3A_3 = arith.constant 0 : index
    %get3A_4 = vector.load %arg2[%get3A_2, %get3A_3] : memref<2048x16xf32, #tpu.memory_space<vmem>>, vector<2048x16xf32>
    %get3A_5 = arith.constant 0 : index
    %get3A_6 = arith.constant 0 : index
    %get3A_7 = vector.load %arg3[%get3A_5, %get3A_6] : memref<2048x16xf32, #tpu.memory_space<vmem>>, vector<2048x16xf32>
    %add3A = arith.addf %get3A_4, %get3A_7 : vector<2048x16xf32>
    %get3A_8 = arith.constant 0 : index
    %get3A_9 = arith.constant 0 : index
    %get3A_10 = vector.load %arg4[%get3A_8, %get3A_9] : memref<2048x16xf32, #tpu.memory_space<vmem>>, vector<2048x16xf32>
    %mul3A = arith.mulf %add3A, %get3A_10 : vector<2048x16xf32>
    %add3A_11 = arith.addf %get3A_1, %mul3A : vector<2048x16xf32>
    %swap3A = arith.constant 0 : index
    %swap3A_12 = arith.constant 0 : index
    %swap3A_13 = vector.load %arg5[%swap3A, %swap3A_12] : memref<2048x16xf32, #tpu.memory_space<vmem>>, vector<2048x16xf32>
    tpu.vector_store %arg5[%swap3A, %swap3A_12], %add3A_11 {strides = array<i32>} : memref<2048x16xf32, #tpu.memory_space<vmem>>, vector<2048x16xf32>,
    return
  }
  func.func @transform_0(%arg0: i32) -> (i32, i32) {
    %c0_i32 = arith.constant 0 : i32
    %c0_i32_0 = arith.constant 0 : i32
    return %arg0, %c0_i32 : i32, i32
  }
  func.func @transform_1(%arg0: i32) -> (i32, i32) {
    %c0_i32 = arith.constant 0 : i32
    %c0_i32_0 = arith.constant 0 : i32
    return %arg0, %c0_i32 : i32, i32
  }
  func.func @transform_2(%arg0: i32) -> (i32, i32) {
    %c0_i32 = arith.constant 0 : i32
    %c0_i32_0 = arith.constant 0 : i32
    return %arg0, %c0_i32 : i32, i32
  }
  func.func @transform_3(%arg0: i32) -> (i32, i32) {
    %c0_i32 = arith.constant 0 : i32
    %c0_i32_0 = arith.constant 0 : i32
    return %arg0, %c0_i32 : i32, i32
  }
  func.func @transform_4(%arg0: i32) -> (i32, i32) {
    %c0_i32 = arith.constant 0 : i32
    %c0_i32_0 = arith.constant 0 : i32
    return %arg0, %c0_i32 : i32, i32
  }
}

</mosaic_0001>

<sc_bundles>
// kernel: kernel.10.cloned.1.call-start
scs
__scs_entry_jumppad:
0x0: {  	(pc) =	sbr.rel $0x88, $3  }
0x1: {  	(tag) =	ssettag $0x0;
	lr =	simm.s32 $0x1  }
0x2: {  	[smem:$0x3F99] =	sst lr;
	_ =	strace $0xD0000000  }
0x3: {  	_ = 	snop  }
0x4: {  	_ = 	snop  }
0x5: {  	_ = 	snop  }
0x6: {  	_ = 	snop  }
0x7: {  	_ = 	snop  }
__scs_overlays_trampoline_lowered:
0x8: {  	[smem:$0x3FA8] =	sst s0  }
0x9: {  	[smem:$0x3FA9] =	sst s1  }
0xa: {  	[smem:$0x3FAA] =	sst s2  }
0xb: {  	[smem:$0x3FAB] =	sst s3  }
0xc: {  	[smem:$0x3FAC] =	sst s4  }
0xd: {  	[smem:$0x3FAD] =	sst s5  }
0xe: {  	[smem:$0x3FAE] =	sst s6  }
0xf: {  	[smem:$0x3FAF] =	sst s7  }
0x10: {  	[smem:$0x3FB0] =	sst s8  }
0x11: {  	[smem:$0x3FB1] =	sst s9;
	s0 =	simm.s32 @!p0 $0x0  }
0x12: {  	s1 =	sld [smem:$0x3F97];
	s0 =	simm.s32 @p0 $0x1  }
0x13: {  	[smem:$0x3FB2] =	sst s0;
	s0 =	simm.s32 @!p1 $0x0  }
0x14: {  	s2 =	sld [smem:$0x3F96];
	s0 =	simm.s32 @p1 $0x1  }
0x15: {  	[smem:$0x3FB3] =	sst s0;
	s0 =	simm.s32 @!p2 $0x0  }
0x16: {  	s3 =	sld [smem:$0x3FDB];
	s0 =	simm.s32 @p2 $0x1  }
0x17: {  	s4 =	simm.s32 $0x1BF5;
	[smem:$0x3FB5] =	sst s0  }
0x18: {  	s0 =	sld [smem:$0x3F98];
	_ =	swait.ge [sflag:s4], $0x0  }
0x19: {  	s7 =	sld [smem:$0x3F99]  }
0x1a: {  	s8 =	sadd.s32 $0xFFFFE003, lr  }
0x1b: {  	s9 =	sadd.s32 $0xFFFFFEF7, lr;
	s5 =	simm.s32 $0xFFFFFFFF;
	p2 =	slt.u32 s8, $0xFFFFF086  }
0x1c: {  	p1 =	slt.u32 s9, $0xF7A;
	s5 =	simm.s32 @!p2 $0x0  }
0x1d: {  	s5 =	simm.s32 @p1 $0x1;
	p0 =	seq.s32 s7, s2  }
0x1e: {  	s7 =	smul.u32 @!p0 $0xF7A, s2;
	p2 =	seq.s32 @!p0 s5, $0x0  }
0x1f: {  	s9 =	smul.u32 $0xF7A, s1;
	s8 =	simm.s32 @!p0 $0x1BF5;
	p2 =	por !p2, p0  }
0x20: {  	[sflag:s8] =	ssyncset.s32 @!p0 $0xFFFFF086;
	s6 =	sadd.s32 @!p0 s3, s7;
	s7 =	simm.s32 @!p0 $0x108  }
0x21: {  	s3 =	sadd.s32 s3, s9;
	s6 =	sadd.s32 @!p0 $0x88, s6;
	s7 =	simm.s32 @p2 $0x1082  }
0x22: {  	[simem:s7], [sflag:s8] =	dma.local @!p0 [hbm:s6], $0xF7A  }
0x23: {  	s9 =	sor.u32 $0xD0000000, s2;
	s6 =	simm.s32 $0x108;
	_ =	swait.ge @!p0 [sflag:s8], $0x0  }
0x24: {  	s3 =	sadd.s32 $0x88, s3;
	s6 =	simm.s32 @!p1 $0x1082;
	[sflag:s4] =	ssyncset.s32 $0xFFFFF086  }
0x25: {  	[simem:s6], [sflag:s4] =	dma.local [hbm:s3], $0xF7A  }
0x26: {  	[smem:$0x3F99] =	sst s1;
	(tag) =	ssettag s2;
	_ =	strace s9  }
0x27: {  	s1 =	sld [smem:$0x3FA9]  }
0x28: {  	s2 =	sld [smem:$0x3FAA]  }
0x29: {  	s4 =	sld [smem:$0x3FAC]  }
0x2a: {  	p0 =	seq.s32 s5, $0x0;
	s5 =	sld [smem:$0x3FAD]  }
0x2b: {  	s6 =	sld [smem:$0x3FAE]  }
0x2c: {  	s7 =	sld [smem:$0x3FAF]  }
0x2d: {  	s3 =	simm.s32 $0x108;
	s8 =	sld [smem:$0x3FB0]  }
0x2e: {  	s3 =	simm.s32 @!p0 $0x1082;
	s9 =	sld [smem:$0x3FB1]  }
0x2f: {  	lr =	sadd.s32 s0, s3;
	s0 =	sld [smem:$0x3FA8]  }
0x30: {  	s3 =	sld [smem:$0x3FAB]  }
0x31: {  	[smem:$0x3FB4] =	sst s10  }
0x32: {  	s10 =	sld [smem:$0x3FB2];
	_ =	sdelay $0x3  }
0x33: {  	p0 =	seq.s32 s10, $0x1;
	s10 =	sld [smem:$0x3FB4];
	_ =	sdelay $0x3  }
0x34: {  	[smem:$0x3FB4] =	sst s10  }
0x35: {  	s10 =	sld [smem:$0x3FB3];
	_ =	sdelay $0x3  }
0x36: {  	p1 =	seq.s32 s10, $0x1;
	s10 =	sld [smem:$0x3FB4];
	_ =	sdelay $0x3  }
0x37: {  	[smem:$0x3FB4] =	sst s10  }
0x38: {  	s10 =	sld [smem:$0x3FB5]  }
0x39: {  	_ = 	snop;
	(pc) =	sbr.ind lr, $3  }
0x3a: {  	_ = 	snop  }
0x3b: {  	_ = 	snop  }
0x3c: {  	p2 =	seq.s32 s10, $0x1;
	s10 =	sld [smem:$0x3FB4]  }
0x3d: {  	_ =	shalt  }
0x3e: {  	_ =	shalt  }
0x3f: {  	_ =	shalt  }
0x40: {  	_ =	shalt  }
0x41: {  	_ =	shalt  }
0x42: {  	_ =	shalt  }
0x43: {  	_ =	shalt  }
0x44: {  	_ =	shalt  }
0x45: {  	_ =	shalt  }
0x46: {  	_ =	shalt  }
0x47: {  	_ =	shalt  }
0x48: {  	_ =	shalt  }
0x49: {  	_ =	shalt  }
0x4a: {  	_ =	shalt  }
0x4b: {  	_ =	shalt  }
0x4c: {  	_ =	shalt  }
0x4d: {  	_ =	shalt  }
0x4e: {  	_ =	shalt  }
0x4f: {  	_ =	shalt  }
0x50: {  	_ =	shalt  }
0x51: {  	_ =	shalt  }
0x52: {  	_ =	shalt  }
0x53: {  	_ =	shalt  }
0x54: {  	_ =	shalt  }
0x55: {  	_ =	shalt  }
0x56: {  	_ =	shalt  }
0x57: {  	_ =	shalt  }
0x58: {  	_ =	shalt  }
0x59: {  	_ =	shalt  }
0x5a: {  	_ =	shalt  }
0x5b: {  	_ =	shalt  }
0x5c: {  	_ =	shalt  }
0x5d: {  	_ =	shalt  }
0x5e: {  	_ =	shalt  }
0x5f: {  	_ =	shalt  }
0x60: {  	_ =	shalt  }
0x61: {  	_ =	shalt  }
0x62: {  	_ =	shalt  }
0x63: {  	_ =	shalt  }
0x64: {  	_ =	shalt  }
0x65: {  	_ =	shalt  }
0x66: {  	_ =	shalt  }
0x67: {  	_ =	shalt  }
0x68: {  	_ =	shalt  }
0x69: {  	_ =	shalt  }
0x6a: {  	_ =	shalt  }
0x6b: {  	_ =	shalt  }
0x6c: {  	_ =	shalt  }
0x6d: {  	_ =	shalt  }
0x6e: {  	_ =	shalt  }
0x6f: {  	_ =	shalt  }
0x70: {  	_ =	shalt  }
0x71: {  	_ =	shalt  }
0x72: {  	_ =	shalt  }
0x73: {  	_ =	shalt  }
0x74: {  	_ =	shalt  }
0x75: {  	_ =	shalt  }
0x76: {  	_ =	shalt  }
0x77: {  	_ =	shalt  }
0x78: {  	_ =	shalt  }
0x79: {  	_ =	shalt  }
0x7a: {  	_ =	shalt  }
0x7b: {  	_ =	shalt  }
0x7c: {  	_ =	shalt  }
0x7d: {  	_ =	shalt  }
0x7e: {  	_ =	shalt  }
0x7f: {  	_ =	shalt  }
0x80: {  	_ =	shalt  }
0x81: {  	_ =	shalt  }
0x82: {  	_ =	shalt  }
0x83: {  	_ =	shalt  }
0x84: {  	_ =	shalt  }
0x85: {  	_ =	shalt  }
0x86: {  	_ =	shalt  }
0x87: {  	_ =	shalt  }
.Lfunc_end0:
.L_simem_size_0:
called_computation.1_lowered:
.L_overlay_start_0:
0x88: {  	s2 =	sld [smem:$0x3FD9]  }
0x89: {  	s3 =	sld [smem:$0x3FFE];
	_ =	sdelay $0x1  }
0x8a: {  	s1 =	srdreg.scid  }
0x8b: {  	s0 =	sand.u32 $0x1, s1  }
0x8c: {  	s17 =	sshll.u32 s0, $0xA;
	s2 =	sadd.s32 s3, s2  }
0x8d: {  	s2 =	sadd.s32 s2, s17  }
0x8e: {  	[smem:$0x3FC0] =	sst s2  }
0x8f: {  	_ = 	snop  }
0x90: {  	s2 =	sld [smem:$0x3FD0];
	(tm) =	ssettm $0x1  }
0x91: {  	s18 =	sld [smem:$0x3FFB];
	_ =	sdelay $0x3  }
0x92: {  	_ =	strace s18  }
0x93: {  	s3 =	sld [smem:$0x3FFC];
	_ =	sdelay $0x3  }
0x94: {  	_ =	strace s3  }
0x95: {  	s3 =	sld [smem:$0x3FFD];
	_ =	sdelay $0x3  }
0x96: {  	_ =	strace s3  }
0x97: {  	_ =	strace $0x8FFFFFFF  }
0x98: {  	s19 =	sld [smem:$0x3FDB];
	_ =	sdelay $0x1  }
0x99: {  	s4 =	simm.s32 $_scs_section_size  }
0x9a: {  	s5 =	simm.s32 $_size__tile_overlayer_lowered;
	s6 =	simm.s32 $_tile_overlayer_lowered  }
0x9b: {  	s22 =	simm.s32 $0x1BFF;
	s21 =	sshll.u32 s6, $0x1;
	s3 =	sadd.s32 s4, s19  }
0x9c: {  	s7 =	simm.s32 $0x0;
	s20 =	sshll.u32 s5, $0x1;
	s5 =	sadd.s32 s21, s3  }
0x9d: {  	[timem:s7], [sflag:s22] =	dma.local [hbm:s5], s20  }
0x9e: {  	_ =	swait.ge [sflag:s22], s20  }
0x9f: {  	s4 =	ssub.s32 $0x0, s20;
	[sflag:s22] =	ssyncset.done $0x0  }
0xa0: {  	[sflag:s22] =	ssyncadd.s32 s4;
	_ =	sdelay $0x1  }
0xa1: {  	s23 =	simm.s32 $0x1B8B  }
0xa2: {  	_ =	swait.ge [sflag:s23], $0x1  }
0xa3: {  	[sflag:s23] =	ssyncset.done $0x0  }
0xa4: {  	s25 =	simm.s32 $0x1B8E;
	s24 =	sld [smem:$0x3FFE];
	[sflag:s23] =	ssyncadd.s32 $0xFFFFFFFF  }
0xa5: {  	s26 =	simm.s32 $execute0_lowered;
	[smem:$0x3FD2] =	sst s25  }
0xa6: {  	s5 =	sshll.u32 s26, $0x1;
	_ =	strace $0x80000049;
	[dreg:$0x1] =	wrdreg $0xFFFFFFFF  }
0xa7: {  	s28 =	simm.s32 $_size_execute0_lowered;
	s3 =	sadd.s32 s3, s5;
	[dreg:$0x0] =	wrdreg $0x0  }
0xa8: {  	s5 =	sshll.u32 s28, $0x1;
	[dreg:$0x2] =	wrdreg s3  }
0xa9: {  	[dreg:$0x3] =	wrdreg s5  }
0xaa: {  	[dreg:$0x4] =	wrdreg $0xC0  }
0xab: {  	_ =	task [dreg:s7], $0x5FFFF  }
0xac: {  	[dreg:$0x1] =	wrdreg $0xFFFFFFFF  }
0xad: {  	[dreg:$0x0] =	wrdreg $0x60  }
0xae: {  	[dreg:$0x2] =	wrdreg s24  }
0xaf: {  	[dreg:$0x3] =	wrdreg s2  }
0xb0: {  	[dreg:$0x4] =	wrdreg $0x90000  }
0xb1: {  	[dreg:$0x5] =	wrdreg $0x9  }
0xb2: {  	_ =	task.clear_ibuf [dreg:s7], $0x6FFFF;
	_ =	strace $0x90000049  }
0xb3: {  	s29 =	simm.s32 $0x9;
	_ =	strace $0x8000004B  }
0xb4: {  	_ =	swait.ge [sflag:s29], $0x1  }
0xb5: {  	[sflag:s29] =	ssyncadd.s32 $0xFFFFFFFF  }
0xb6: {  	_ =	strace $0x9000004B  }
0xb7: {  	_ =	sfence  }
0xb8: {  	s30 =	sld [smem:$0x0];
	_ =	sdelay $0x2  }
0xb9: {  	s31 =	sshll.u32 s1, $0xD;
	s1 =	sshrl.u32 s1, $0x2  }
0xba: {  	s3 =	sand.u32 $0x4000, s31;
	s1 =	sadd.s32 s1, s30  }
0xbb: {  	s0 =	sor.u32 s3, s0;
	s1 =	sshll.u32 s1, $0x11  }
0xbc: {  	s0 =	sor.u32 s1, s0  }
0xbd: {  	s0 =	sadd.s32 $0x8F2B, s0  }
0xbe: {  	[sflag:s0] =	ssyncadd.remote.s32 $0x1  }
0xbf: {  	_ =	sfence.sel $0xFFFF  }
0xc0: {  	[dreg:$0x0] =	wrdreg $0xFFFFFFFF;
	(pc) =	sbr.abs _section_cstart, $3  }
0xc1: {  	[dreg:$0x1] =	wrdreg $0xFFFFFFFF  }
0xc2: {  	_ =	task.clear_ibuf [dreg:s7], $0x2FFFF;
	_ =	strace $0x9FFFFFFF  }
0xc3: {  	(tm) =	ssettm $0x7FFFFFFF  }
tec
execute0_lowered:
.L_overlay_start_1:
0x0: {  	(tag) =	ssettag $0x1  }
0x1: {  	s0 =	rddreg [dreg:$0x0]  }
0x2: {  	s1 =	srdreg.scid;
	s5 =	rddreg [dreg:$0x1]  }
0x3: {  	s13 =	stileid.u32;
	s2 =	rddreg [dreg:$0x2];
	s16 =	simm.s32 $0x100  }
0x4: {  	s17 =	simm.s32 $0x6000;
	s18 =	simm.s32 $0x180;
	s19 =	simm.s32 $0x6800  }
0x5: {  	s20 =	simm.s32 $0x9;
	s21 =	simm.s32 $0xA;
	s22 =	simm.s32 $0xB  }
0x6: {  	s23 =	simm.s32 $0xC;
	s24 =	simm.s32 $0xD;
	s25 =	simm.s32 $0xE  }
0x7: {  	s26 =	simm.s32 $0xF;
	s28 =	simm.s32 $0x10;
	s29 =	simm.s32 $0x0  }
0x8: {  	s1 =	sand.u32 $0x1, s1;
	s3 =	sshll.u32 s13, $0x1;
	s8 =	smul.u32 $0x2780, s13  }
0x9: {  	s31 =	sshll.u32 s13, $0x6;
	s13 =	simm.s32 $0x80;
	s4 =	sor.u32 s1, s3  }
0xa: {  	s3 =	simm.s32 $0x0;
	s7 =	ssub.s32 $0x2, s1;
	p0 =	seq.s32 s1, $0x1  }
0xb: {  	s1 =	simm.s32 $0x7800;
	s6 =	smul.u32 $0x500, s4;
	[smem:$0x7FF] =	sst s3  }
0xc: {  	s4 =	sadd.s32 $0x2800, s0;
	s9 =	sshrl.u32 s7, $0x1;
	s11 =	sadd.s32 s8, s2  }
.Ltmp0:
0xd: {  	s12 =	sshrl.u32 s8, $0x3;
	s1 =	simm.s32 @!p0 $0xC800;
	(pc) =	sbr.rel .LBB2_1-.Ltmp0, $4  }
0xe: {  	_ =	strace $0x8000004A;
	s9 =	ssub.s32 s7, s9;
	s5 =	sadd.s32 s5, s12  }
0xf: {  	s11 =	sshrl.u32 s11, $0x3;
	s10 =	sadd.s32 s6, s0;
	s6 =	sor.u32 $0x1C11, s31  }
0x10: {  	s0 =	sadd.s32 s1, s0;
	s9 =	smax.u32 s9, $0x1;
	s7 =	sadd.s32 $0x38A00, s10  }
0x11: {  	s8 =	sadd.s32 $0x2EA00, s10;
	s10 =	sadd.s32 s0, s12;
	s12 =	simm.s32 $0x11  }
.LBB2_6:
0x12: {  	_ =	swait.ge [sflag:s20], $0x800  }
0x13: {  	[sflag:s20] =	ssyncset.done $0x0  }
0x14: {  	[sflag:s20] =	ssyncadd.s32 $0xFFFFF800  }
0x15: {  	_ =	swait.ge [sflag:s21], $0x800  }
0x16: {  	[sflag:s21] =	ssyncset.done $0x0  }
0x17: {  	[sflag:s21] =	ssyncadd.s32 $0xFFFFF800  }
0x18: {  	_ =	swait.ge [sflag:s22], $0x800  }
0x19: {  	[sflag:s22] =	ssyncset.done $0x0  }
0x1a: {  	[sflag:s22] =	ssyncadd.s32 $0xFFFFF800  }
0x1b: {  	_ =	swait.ge [sflag:s23], $0x800  }
0x1c: {  	[sflag:s23] =	ssyncset.done $0x0  }
0x1d: {  	[sflag:s23] =	ssyncadd.s32 $0xFFFFF800  }
0x1e: {  	_ =	swait.ge [sflag:s24], $0x800  }
0x1f: {  	[sflag:s24] =	ssyncset.done $0x0  }
0x20: {  	[sflag:s24] =	ssyncadd.s32 $0xFFFFF800  }
0x21: {  	_ =	swait.ge [sflag:s25], $0x800  }
0x22: {  	[sflag:s25] =	ssyncset.done $0x0  }
0x23: {  	[sflag:s25] =	ssyncadd.s32 $0xFFFFF800  }
0x24: {  	_ =	swait.ge [sflag:s26], $0x800  }
0x25: {  	[sflag:s26] =	ssyncset.done $0x0  }
0x26: {  	[sflag:s26] =	ssyncadd.s32 $0xFFFFF800  }
0x27: {  	_ =	swait.ge [sflag:s28], $0x800  }
0x28: {  	s29 =	sadd.s32 $0x1, s29;
	[sflag:s28] =	ssyncset.done $0x0  }
0x29: {  	p0 =	sne.s32 s29, s9;
	[sflag:s28] =	ssyncadd.s32 $0xFFFFF800  }
.Ltmp1:
0x2a: {  	[bflag:$0x0] =	sbarrier.arrive $0xFFFF;
	(pc) =	sbr.rel @!p0 .LBB2_7-.Ltmp1, $4  }
0x2b: {  	[hbm:s10], [sflag:s6] =	dma.local [spmem:s11], $0x4F0  }
0x2c: {  	_ =	swait.ge [sflag:s12], $0x4F0  }
0x2d: {  	[sflag:s12] =	ssyncset.done $0x0  }
0x2e: {  	[sflag:s12] =	ssyncadd.s32 $0xFFFFFB10  }
.LBB2_1:
0x2f: {  	[spmem:s11], [sflag:s6] =	dma.local [hbm:s5], $0x4F0  }
0x30: {  	_ =	swait.ge [sflag:s12], $0x4F0  }
0x31: {  	[sflag:s12] =	ssyncset.done $0x0  }
0x32: {  	[sflag:s12] =	ssyncadd.s32 $0xFFFFFB10  }
0x33: {  	[tilespmem:s3], [sflag:$0x11] =	stream.linear.gather [hbm4b:s7+s3], $0x2800, $0x38;
	[tilespmem:$0xB780] =	vst v63  }
0x34: {  	_ =	swait.ge [sflag:s12], $0x2800  }
0x35: {  	[sflag:s12] =	ssyncset.done $0x0  }
0x36: {  	s30 =	simm.s32 $0x2800;
	[sflag:s12] =	ssyncadd.s32 $0xFFFFD800  }
0x37: {  	[tilespmem:s30], [sflag:$0x11] =	stream.linear.gather [hbm4b:s8+s3], $0x2800, $0x38;
	[tilespmem:$0xB780] =	vst v63  }
0x38: {  	_ =	swait.ge [sflag:s12], $0x2800  }
0x39: {  	[sflag:s12] =	ssyncset.done $0x0  }
0x3a: {  	[sflag:s12] =	ssyncadd.s32 $0xFFFFD800  }
0x3b: {  	s0 =	simm.s32 $0x5000;
	[bflag:$0x0] =	sbarrier.arrive $0xFFFF  }
0x3c: {  	[tilespmem:s0], [sflag:$0x1] =	stream.indirect.gather [hbm4b:s4+s13], $0x10, s3, s13, $0xb8;
	[tilespmem:$0xB780] =	vst v63  }
0x3d: {  	s15 =	simm.s32 $0x5800  }
0x3e: {  	[tilespmem:s15], [sflag:$0x2] =	stream.indirect.gather [hbm4b:s4+s13], $0x10, s13, s13, $0xb8;
	[tilespmem:$0xB780] =	vst v63  }
.Ltmp2:
0x3f: {  	_ = 	snop;
	(pc) =	sbr.rel .LBB2_2-.Ltmp2, $4  }
0x40: {  	_ = 	snop  }
0x41: {  	[tilespmem:s17], [sflag:$0x3] =	stream.indirect.gather [hbm4b:s4+s13], $0x10, s16, s13, $0xb8;
	[tilespmem:$0xB780] =	vst v63  }
0x42: {  	s31 =	simm.s32 $0x200;
	s1 =	simm.s32 $0x0  }
0x43: {  	[tilespmem:s19], [sflag:$0x4] =	stream.indirect.gather [hbm4b:s4+s13], $0x10, s18, s13, $0xb8;
	[tilespmem:$0xB780] =	vst v63  }
.LBB2_4:
0x44: {  	p0 =	sgt.s32 s0, $0x5  }
0x45: {  	p1 =	seq.s32 @p0 s0, $0x6  }
0x46: {  	p2 =	por !p1, !p0  }
0x47: {  	p3 =	sgt.u32 @!p2 s1, $0x4B  }
0x48: {  	p4 =	por @p0 p3, !p1  }
0x49: {  	p4 =	por p4, !p0  }
0x4a: {  	p5 =	slt.u32 @!p4 s1, $0x4  }
0x4b: {  	p3 =	por @!p2 p5, p3  }
0x4c: {  	p3 =	por @p0 p3, !p1  }
0x4d: {  	p3 =	por p3, !p0  }
0x4e: {  	s14 =	simm.s32 @!p3 $0xB  }
0x4f: {  	_ =	swait.ge @!p3 [sflag:s14], $0x800  }
0x50: {  	[sflag:s14] =	ssyncset.done @!p3 $0x0  }
0x51: {  	s15 =	simm.s32 @!p4 $0x6000;
	[sflag:s14] =	ssyncadd.s32 @!p3 $0xFFFFF800;
	s14 =	simm.s32 @!p4 $0x80  }
0x52: {  	[tilespmem:s15], [sflag:$0x3] =	stream.indirect.gather @!p4 [hbm4b:s4+s14], $0x10, s31, s14, $0xb8;
	[tilespmem:$0xB780] =	vst v63  }
0x53: {  	s14 =	simm.s32 @!p2 $0x7  }
0x54: {  	_ =	swait.ge @!p2 [sflag:s14], $0x800  }
0x55: {  	[sflag:s14] =	ssyncset.done @!p2 $0x0  }
0x56: {  	s15 =	simm.s32 @!p2 $0x8000;
	[sflag:s14] =	ssyncadd.s32 @!p2 $0xFFFFF800;
	s14 =	simm.s32 @!p2 $0x80  }
0x57: {  	[spmem:s2] =	stream.indirect.scatter.add.f32 @!p2 [tilespmem:s15], [sflag:$0xF], $0x10, s30, s14, $0xb8;
	[tilespmem:$0xB780] =	vst v63  }
0x58: {  	p2 =	por p1, !p0  }
0x59: {  	p3 =	sgt.u32 @!p2 s1, $0x4B  }
0x5a: {  	p4 =	por @p0 p3, p1  }
0x5b: {  	p4 =	por p4, !p0  }
0x5c: {  	p5 =	slt.u32 @!p4 s1, $0x4  }
0x5d: {  	p3 =	por @!p2 p5, p3  }
0x5e: {  	p1 =	por @p0 p3, p1  }
0x5f: {  	p1 =	por p1, !p0  }
0x60: {  	s14 =	simm.s32 @!p1 $0xC  }
0x61: {  	_ =	swait.ge @!p1 [sflag:s14], $0x800  }
0x62: {  	[sflag:s14] =	ssyncset.done @!p1 $0x0  }
0x63: {  	s15 =	simm.s32 @!p4 $0x6800;
	[sflag:s14] =	ssyncadd.s32 @!p1 $0xFFFFF800;
	s14 =	simm.s32 @!p4 $0x80  }
0x64: {  	[tilespmem:s15], [sflag:$0x4] =	stream.indirect.gather @!p4 [hbm4b:s4+s14], $0x10, s31, s14, $0xb8;
	[tilespmem:$0xB780] =	vst v63  }
0x65: {  	s14 =	simm.s32 @!p2 $0x8  }
0x66: {  	_ =	swait.ge @!p2 [sflag:s14], $0x800  }
0x67: {  	p1 =	seq.s32 @!p0 s0, $0x4;
	[sflag:s14] =	ssyncset.done @!p2 $0x0  }
0x68: {  	s15 =	simm.s32 @!p2 $0x8800;
	[sflag:s14] =	ssyncadd.s32 @!p2 $0xFFFFF800;
	s14 =	simm.s32 @!p2 $0x80  }
0x69: {  	[spmem:s2] =	stream.indirect.scatter.add.f32 @!p2 [tilespmem:s15], [sflag:$0x10], $0x10, s30, s14, $0xb8;
	[tilespmem:$0xB780] =	vst v63  }
0x6a: {  	p2 =	por !p1, p0  }
0x6b: {  	p3 =	sgt.u32 @!p2 s1, $0x4B  }
0x6c: {  	p4 =	por @!p0 p3, !p1  }
0x6d: {  	p4 =	por p4, p0  }
0x6e: {  	p5 =	slt.u32 @!p4 s1, $0x4  }
0x6f: {  	p3 =	por @!p2 p5, p3  }
0x70: {  	p3 =	por @!p0 p3, !p1  }
0x71: {  	p3 =	por p3, p0  }
0x72: {  	s0 =	simm.s32 @!p3 $0x9  }
0x73: {  	_ =	swait.ge @!p3 [sflag:s0], $0x800  }
0x74: {  	[sflag:s0] =	ssyncset.done @!p3 $0x0  }
0x75: {  	s14 =	simm.s32 @!p4 $0x5000;
	[sflag:s0] =	ssyncadd.s32 @!p3 $0xFFFFF800;
	s0 =	simm.s32 @!p4 $0x80  }
0x76: {  	[tilespmem:s14], [sflag:$0x1] =	stream.indirect.gather @!p4 [hbm4b:s4+s0], $0x10, s31, s0, $0xb8;
	[tilespmem:$0xB780] =	vst v63  }
0x77: {  	s0 =	simm.s32 @!p2 $0x5  }
0x78: {  	_ =	swait.ge @!p2 [sflag:s0], $0x800  }
0x79: {  	[sflag:s0] =	ssyncset.done @!p2 $0x0  }
0x7a: {  	s14 =	simm.s32 @!p2 $0x7000;
	[sflag:s0] =	ssyncadd.s32 @!p2 $0xFFFFF800;
	s0 =	simm.s32 @!p2 $0x80  }
0x7b: {  	[spmem:s2] =	stream.indirect.scatter.add.f32 @!p2 [tilespmem:s14], [sflag:$0xD], $0x10, s30, s0, $0xb8;
	[tilespmem:$0xB780] =	vst v63  }
0x7c: {  	p2 =	por p1, p0  }
0x7d: {  	p3 =	sgt.u32 @!p2 s1, $0x4B  }
0x7e: {  	p4 =	por @!p0 p3, p1  }
0x7f: {  	p4 =	por p4, p0  }
0x80: {  	p5 =	slt.u32 @!p4 s1, $0x4  }
0x81: {  	p3 =	por @!p2 p5, p3  }
0x82: {  	p1 =	por @!p0 p3, p1  }
0x83: {  	p0 =	por p1, p0  }
0x84: {  	s0 =	simm.s32 @!p0 $0xA  }
0x85: {  	_ =	swait.ge @!p0 [sflag:s0], $0x800  }
0x86: {  	[sflag:s0] =	ssyncset.done @!p0 $0x0  }
0x87: {  	s14 =	simm.s32 @!p4 $0x5800;
	[sflag:s0] =	ssyncadd.s32 @!p0 $0xFFFFF800;
	s0 =	simm.s32 @!p4 $0x80  }
0x88: {  	[tilespmem:s14], [sflag:$0x2] =	stream.indirect.gather @!p4 [hbm4b:s4+s0], $0x10, s31, s0, $0xb8;
	[tilespmem:$0xB780] =	vst v63  }
0x89: {  	s0 =	simm.s32 @!p2 $0x6  }
0x8a: {  	_ =	swait.ge @!p2 [sflag:s0], $0x800  }
0x8b: {  	[sflag:s0] =	ssyncset.done @!p2 $0x0  }
0x8c: {  	s14 =	simm.s32 @!p2 $0x7800;
	[sflag:s0] =	ssyncadd.s32 @!p2 $0xFFFFF800;
	s0 =	simm.s32 @!p2 $0x80  }
0x8d: {  	[spmem:s2] =	stream.indirect.scatter.add.f32 @!p2 [tilespmem:s14], [sflag:$0xE], $0x10, s30, s0, $0xb8;
	[tilespmem:$0xB780] =	vst v63  }
.LBB2_5:
0x8e: {  	s1 =	sadd.s32 $0x1, s1  }
0x8f: {  	p0 =	sne.s32 s1, $0x50  }
.Ltmp3:
0x90: {  	_ = 	snop;
	(pc) =	sbr.rel @!p0 .LBB2_6-.Ltmp3, $2  }
0x91: {  	_ =	sdelay $0x2  }
0x92: {  	s30 =	sadd.s32 $0x80, s30;
	s31 =	sadd.s32 $0x80, s31  }
.LBB2_2:
0x93: {  	s0 =	sand.u32 $0x7, s1  }
0x94: {  	p0 =	sgt.s32 s0, $0x3  }
.Ltmp4:
0x95: {  	_ = 	snop;
	(pc) =	sbr.rel @p0 .LBB2_4-.Ltmp4, $1  }
0x96: {  	_ =	sdelay $0x3  }
0x97: {  	p0 =	sgt.s32 s0, $0x1  }
0x98: {  	p1 =	seq.s32 @p0 s0, $0x2  }
0x99: {  	p2 =	por !p1, !p0  }
0x9a: {  	p3 =	sgt.u32 @!p2 s1, $0x4B  }
0x9b: {  	p4 =	por @p0 p3, !p1  }
0x9c: {  	p4 =	por p4, !p0  }
0x9d: {  	p5 =	slt.u32 @!p4 s1, $0x4  }
0x9e: {  	p3 =	por @!p2 p5, p3  }
0x9f: {  	p3 =	por @p0 p3, !p1  }
0xa0: {  	p3 =	por p3, !p0  }
0xa1: {  	s14 =	simm.s32 @!p3 $0xF  }
0xa2: {  	_ =	swait.ge @!p3 [sflag:s14], $0x800  }
0xa3: {  	[sflag:s14] =	ssyncset.done @!p3 $0x0  }
0xa4: {  	s15 =	simm.s32 @!p4 $0x8000;
	[sflag:s14] =	ssyncadd.s32 @!p3 $0xFFFFF800;
	s14 =	simm.s32 @!p4 $0x80  }
0xa5: {  	[tilespmem:s15], [sflag:$0x7] =	stream.indirect.gather @!p4 [hbm4b:s4+s14], $0x10, s31, s14, $0xb8;
	[tilespmem:$0xB780] =	vst v63  }
0xa6: {  	s14 =	simm.s32 @!p2 $0x3  }
0xa7: {  	_ =	swait.ge @!p2 [sflag:s14], $0x800  }
0xa8: {  	[sflag:s14] =	ssyncset.done @!p2 $0x0  }
0xa9: {  	s15 =	simm.s32 @!p2 $0x6000;
	[sflag:s14] =	ssyncadd.s32 @!p2 $0xFFFFF800;
	s14 =	simm.s32 @!p2 $0x80  }
0xaa: {  	[spmem:s2] =	stream.indirect.scatter.add.f32 @!p2 [tilespmem:s15], [sflag:$0xB], $0x10, s30, s14, $0xb8;
	[tilespmem:$0xB780] =	vst v63  }
0xab: {  	p2 =	por p1, !p0  }
0xac: {  	p3 =	sgt.u32 @!p2 s1, $0x4B  }
0xad: {  	p4 =	por @p0 p3, p1  }
0xae: {  	p4 =	por p4, !p0  }
0xaf: {  	p5 =	slt.u32 @!p4 s1, $0x4  }
0xb0: {  	p3 =	por @!p2 p5, p3  }
0xb1: {  	p1 =	por @p0 p3, p1  }
0xb2: {  	p1 =	por p1, !p0  }
0xb3: {  	s14 =	simm.s32 @!p1 $0x10  }
0xb4: {  	_ =	swait.ge @!p1 [sflag:s14], $0x800  }
0xb5: {  	[sflag:s14] =	ssyncset.done @!p1 $0x0  }
0xb6: {  	s15 =	simm.s32 @!p4 $0x8800;
	[sflag:s14] =	ssyncadd.s32 @!p1 $0xFFFFF800;
	s14 =	simm.s32 @!p4 $0x80  }
0xb7: {  	[tilespmem:s15], [sflag:$0x8] =	stream.indirect.gather @!p4 [hbm4b:s4+s14], $0x10, s31, s14, $0xb8;
	[tilespmem:$0xB780] =	vst v63  }
0xb8: {  	s14 =	simm.s32 @!p2 $0x4  }
0xb9: {  	_ =	swait.ge @!p2 [sflag:s14], $0x800  }
0xba: {  	p1 =	seq.s32 @!p0 s0, $0x0;
	[sflag:s14] =	ssyncset.done @!p2 $0x0  }
0xbb: {  	s15 =	simm.s32 @!p2 $0x6800;
	[sflag:s14] =	ssyncadd.s32 @!p2 $0xFFFFF800;
	s14 =	simm.s32 @!p2 $0x80  }
0xbc: {  	[spmem:s2] =	stream.indirect.scatter.add.f32 @!p2 [tilespmem:s15], [sflag:$0xC], $0x10, s30, s14, $0xb8;
	[tilespmem:$0xB780] =	vst v63  }
0xbd: {  	p2 =	por !p1, p0  }
0xbe: {  	p3 =	sgt.u32 @!p2 s1, $0x4B  }
0xbf: {  	p4 =	por @!p0 p3, !p1  }
0xc0: {  	p4 =	por p4, p0  }
0xc1: {  	p5 =	slt.u32 @!p4 s1, $0x4  }
0xc2: {  	p3 =	por @!p2 p5, p3  }
0xc3: {  	p3 =	por @!p0 p3, !p1  }
0xc4: {  	p3 =	por p3, p0  }
0xc5: {  	s0 =	simm.s32 @!p3 $0xD  }
0xc6: {  	_ =	swait.ge @!p3 [sflag:s0], $0x800  }
0xc7: {  	[sflag:s0] =	ssyncset.done @!p3 $0x0  }
0xc8: {  	s14 =	simm.s32 @!p4 $0x7000;
	[sflag:s0] =	ssyncadd.s32 @!p3 $0xFFFFF800;
	s0 =	simm.s32 @!p4 $0x80  }
0xc9: {  	[tilespmem:s14], [sflag:$0x5] =	stream.indirect.gather @!p4 [hbm4b:s4+s0], $0x10, s31, s0, $0xb8;
	[tilespmem:$0xB780] =	vst v63  }
0xca: {  	s0 =	simm.s32 @!p2 $0x1  }
0xcb: {  	_ =	swait.ge @!p2 [sflag:s0], $0x800  }
0xcc: {  	[sflag:s0] =	ssyncset.done @!p2 $0x0  }
0xcd: {  	s14 =	simm.s32 @!p2 $0x5000;
	[sflag:s0] =	ssyncadd.s32 @!p2 $0xFFFFF800;
	s0 =	simm.s32 @!p2 $0x80  }
0xce: {  	[spmem:s2] =	stream.indirect.scatter.add.f32 @!p2 [tilespmem:s14], [sflag:$0x9], $0x10, s30, s0, $0xb8;
	[tilespmem:$0xB780] =	vst v63  }
0xcf: {  	p2 =	por p1, p0  }
0xd0: {  	p3 =	sgt.u32 @!p2 s1, $0x4B  }
0xd1: {  	p4 =	por @!p0 p3, p1  }
0xd2: {  	p4 =	por p4, p0  }
0xd3: {  	p5 =	slt.u32 @!p4 s1, $0x4  }
0xd4: {  	p3 =	por @!p2 p5, p3  }
0xd5: {  	p1 =	por @!p0 p3, p1  }
0xd6: {  	p0 =	por p1, p0  }
0xd7: {  	s0 =	simm.s32 @!p0 $0xE  }
0xd8: {  	_ =	swait.ge @!p0 [sflag:s0], $0x800  }
0xd9: {  	[sflag:s0] =	ssyncset.done @!p0 $0x0  }
0xda: {  	s14 =	simm.s32 @!p4 $0x7800;
	[sflag:s0] =	ssyncadd.s32 @!p0 $0xFFFFF800;
	s0 =	simm.s32 @!p4 $0x80  }
0xdb: {  	[tilespmem:s14], [sflag:$0x6] =	stream.indirect.gather @!p4 [hbm4b:s4+s0], $0x10, s31, s0, $0xb8;
	[tilespmem:$0xB780] =	vst v63  }
.Ltmp5:
0xdc: {  	s0 =	simm.s32 @!p2 $0x2;
	(pc) =	sbr.rel .LBB2_5-.Ltmp5, $4  }
0xdd: {  	_ =	swait.ge @!p2 [sflag:s0], $0x800  }
0xde: {  	[sflag:s0] =	ssyncset.done @!p2 $0x0  }
0xdf: {  	s14 =	simm.s32 @!p2 $0x5800;
	[sflag:s0] =	ssyncadd.s32 @!p2 $0xFFFFF800;
	s0 =	simm.s32 @!p2 $0x80  }
0xe0: {  	[spmem:s2] =	stream.indirect.scatter.add.f32 @!p2 [tilespmem:s14], [sflag:$0xA], $0x10, s30, s0, $0xb8;
	[tilespmem:$0xB780] =	vst v63  }
.LBB2_7:
0xe1: {  	_ =	sfence.sel $0x180000  }
0xe2: {  	[bflag:$0x0] =	sbarrier.arrive $0xFFFF  }
0xe3: {  	_ =	strace $0x9000004A  }
0xe4: {  	s0 =	stileid.u32;
	[bflag:$0x2] =	sbarrier.arrive $0xFFFF  }
0xe5: {  	p0 =	sne.s32 s0, $0x0;
	s0 =	rddreg [dreg:$0x3]  }
0xe6: {  	s0 =	sadd.s32 @!p0 $0x100000, s0  }
0xe7: {  	[sflag:s0] =	ssyncadd.tile.s32 @!p0 $0x1;
	_ =	shalt  }
.Lfunc_end2:
_tile_overlayer_lowered:
.L_overlay_start_2:
0xe8: {  	(tag) =	ssettag $0x2  }
0xe9: {  	s0 =	rddreg [dreg:$0x0];
	s2 =	stileid.u32  }
0xea: {  	s1 =	rddreg [dreg:$0x1];
	p0 =	sne.s32 s2, $0x0  }
0xeb: {  	s3 =	rddreg [dreg:$0x2];
	[bflag:$0x3] =	sbarrier.arrive $0xFFFF;
	s2 =	simm.s32 @!p0 $0x1C11  }
0xec: {  	[timem:s3], [sflag:s2] =	dma.local @!p0 [hbm:s0], s1  }
0xed: {  	s0 =	simm.s32 @!p0 $0x11  }
0xee: {  	_ =	swait.ge @!p0 [sflag:s0], s1  }
0xef: {  	s1 =	ssub.s32 @!p0 $0x0, s1;
	[sflag:s0] =	ssyncset.done @!p0 $0x0  }
0xf0: {  	[sflag:s0] =	ssyncadd.s32 @!p0 s1  }
0xf1: {  	[bflag:$0x3] =	sbarrier.arrive $0xFFFF  }
0xf2: {  	_ =	shalt  }

// kernel: kernel.7.cloned.1.call-start
scs
__scs_entry_jumppad:
0x0: {  	(pc) =	sbr.rel $0x88, $3  }
0x1: {  	(tag) =	ssettag $0x0;
	lr =	simm.s32 $0x1  }
0x2: {  	[smem:$0x3F99] =	sst lr;
	_ =	strace $0xD0000000  }
0x3: {  	_ = 	snop  }
0x4: {  	_ = 	snop  }
0x5: {  	_ = 	snop  }
0x6: {  	_ = 	snop  }
0x7: {  	_ = 	snop  }
__scs_overlays_trampoline_lowered:
0x8: {  	[smem:$0x3FA8] =	sst s0  }
0x9: {  	[smem:$0x3FA9] =	sst s1  }
0xa: {  	[smem:$0x3FAA] =	sst s2  }
0xb: {  	[smem:$0x3FAB] =	sst s3  }
0xc: {  	[smem:$0x3FAC] =	sst s4  }
0xd: {  	[smem:$0x3FAD] =	sst s5  }
0xe: {  	[smem:$0x3FAE] =	sst s6  }
0xf: {  	[smem:$0x3FAF] =	sst s7  }
0x10: {  	[smem:$0x3FB0] =	sst s8  }
0x11: {  	[smem:$0x3FB1] =	sst s9;
	s0 =	simm.s32 @!p0 $0x0  }
0x12: {  	s1 =	sld [smem:$0x3F97];
	s0 =	simm.s32 @p0 $0x1  }
0x13: {  	[smem:$0x3FB2] =	sst s0;
	s0 =	simm.s32 @!p1 $0x0  }
0x14: {  	s2 =	sld [smem:$0x3F96];
	s0 =	simm.s32 @p1 $0x1  }
0x15: {  	[smem:$0x3FB3] =	sst s0;
	s0 =	simm.s32 @!p2 $0x0  }
0x16: {  	s3 =	sld [smem:$0x3FDB];
	s0 =	simm.s32 @p2 $0x1  }
0x17: {  	s4 =	simm.s32 $0x1BF5;
	[smem:$0x3FB5] =	sst s0  }
0x18: {  	s0 =	sld [smem:$0x3F98];
	_ =	swait.ge [sflag:s4], $0x0  }
0x19: {  	s7 =	sld [smem:$0x3F99]  }
0x1a: {  	s8 =	sadd.s32 $0xFFFFE003, lr  }
0x1b: {  	s9 =	sadd.s32 $0xFFFFFEF7, lr;
	s5 =	simm.s32 $0xFFFFFFFF;
	p2 =	slt.u32 s8, $0xFFFFF086  }
0x1c: {  	p1 =	slt.u32 s9, $0xF7A;
	s5 =	simm.s32 @!p2 $0x0  }
0x1d: {  	s5 =	simm.s32 @p1 $0x1;
	p0 =	seq.s32 s7, s2  }
0x1e: {  	s7 =	smul.u32 @!p0 $0xF7A, s2;
	p2 =	seq.s32 @!p0 s5, $0x0  }
0x1f: {  	s9 =	smul.u32 $0xF7A, s1;
	s8 =	simm.s32 @!p0 $0x1BF5;
	p2 =	por !p2, p0  }
0x20: {  	[sflag:s8] =	ssyncset.s32 @!p0 $0xFFFFF086;
	s6 =	sadd.s32 @!p0 s3, s7;
	s7 =	simm.s32 @!p0 $0x108  }
0x21: {  	s3 =	sadd.s32 s3, s9;
	s6 =	sadd.s32 @!p0 $0x88, s6;
	s7 =	simm.s32 @p2 $0x1082  }
0x22: {  	[simem:s7], [sflag:s8] =	dma.local @!p0 [hbm:s6], $0xF7A  }
0x23: {  	s9 =	sor.u32 $0xD0000000, s2;
	s6 =	simm.s32 $0x108;
	_ =	swait.ge @!p0 [sflag:s8], $0x0  }
0x24: {  	s3 =	sadd.s32 $0x88, s3;
	s6 =	simm.s32 @!p1 $0x1082;
	[sflag:s4] =	ssyncset.s32 $0xFFFFF086  }
0x25: {  	[simem:s6], [sflag:s4] =	dma.local [hbm:s3], $0xF7A  }
0x26: {  	[smem:$0x3F99] =	sst s1;
	(tag) =	ssettag s2;
	_ =	strace s9  }
0x27: {  	s1 =	sld [smem:$0x3FA9]  }
0x28: {  	s2 =	sld [smem:$0x3FAA]  }
0x29: {  	s4 =	sld [smem:$0x3FAC]  }
0x2a: {  	p0 =	seq.s32 s5, $0x0;
	s5 =	sld [smem:$0x3FAD]  }
0x2b: {  	s6 =	sld [smem:$0x3FAE]  }
0x2c: {  	s7 =	sld [smem:$0x3FAF]  }
0x2d: {  	s3 =	simm.s32 $0x108;
	s8 =	sld [smem:$0x3FB0]  }
0x2e: {  	s3 =	simm.s32 @!p0 $0x1082;
	s9 =	sld [smem:$0x3FB1]  }
0x2f: {  	lr =	sadd.s32 s0, s3;
	s0 =	sld [smem:$0x3FA8]  }
0x30: {  	s3 =	sld [smem:$0x3FAB]  }
0x31: {  	[smem:$0x3FB4] =	sst s10  }
0x32: {  	s10 =	sld [smem:$0x3FB2];
	_ =	sdelay $0x3  }
0x33: {  	p0 =	seq.s32 s10, $0x1;
	s10 =	sld [smem:$0x3FB4];
	_ =	sdelay $0x3  }
0x34: {  	[smem:$0x3FB4] =	sst s10  }
0x35: {  	s10 =	sld [smem:$0x3FB3];
	_ =	sdelay $0x3  }
0x36: {  	p1 =	seq.s32 s10, $0x1;
	s10 =	sld [smem:$0x3FB4];
	_ =	sdelay $0x3  }
0x37: {  	[smem:$0x3FB4] =	sst s10  }
0x38: {  	s10 =	sld [smem:$0x3FB5]  }
0x39: {  	_ = 	snop;
	(pc) =	sbr.ind lr, $3  }
0x3a: {  	_ = 	snop  }
0x3b: {  	_ = 	snop  }
0x3c: {  	p2 =	seq.s32 s10, $0x1;
	s10 =	sld [smem:$0x3FB4]  }
0x3d: {  	_ =	shalt  }
0x3e: {  	_ =	shalt  }
0x3f: {  	_ =	shalt  }
0x40: {  	_ =	shalt  }
0x41: {  	_ =	shalt  }
0x42: {  	_ =	shalt  }
0x43: {  	_ =	shalt  }
0x44: {  	_ =	shalt  }
0x45: {  	_ =	shalt  }
0x46: {  	_ =	shalt  }
0x47: {  	_ =	shalt  }
0x48: {  	_ =	shalt  }
0x49: {  	_ =	shalt  }
0x4a: {  	_ =	shalt  }
0x4b: {  	_ =	shalt  }
0x4c: {  	_ =	shalt  }
0x4d: {  	_ =	shalt  }
0x4e: {  	_ =	shalt  }
0x4f: {  	_ =	shalt  }
0x50: {  	_ =	shalt  }
0x51: {  	_ =	shalt  }
0x52: {  	_ =	shalt  }
0x53: {  	_ =	shalt  }
0x54: {  	_ =	shalt  }
0x55: {  	_ =	shalt  }
0x56: {  	_ =	shalt  }
0x57: {  	_ =	shalt  }
0x58: {  	_ =	shalt  }
0x59: {  	_ =	shalt  }
0x5a: {  	_ =	shalt  }
0x5b: {  	_ =	shalt  }
0x5c: {  	_ =	shalt  }
0x5d: {  	_ =	shalt  }
0x5e: {  	_ =	shalt  }
0x5f: {  	_ =	shalt  }
0x60: {  	_ =	shalt  }
0x61: {  	_ =	shalt  }
0x62: {  	_ =	shalt  }
0x63: {  	_ =	shalt  }
0x64: {  	_ =	shalt  }
0x65: {  	_ =	shalt  }
0x66: {  	_ =	shalt  }
0x67: {  	_ =	shalt  }
0x68: {  	_ =	shalt  }
0x69: {  	_ =	shalt  }
0x6a: {  	_ =	shalt  }
0x6b: {  	_ =	shalt  }
0x6c: {  	_ =	shalt  }
0x6d: {  	_ =	shalt  }
0x6e: {  	_ =	shalt  }
0x6f: {  	_ =	shalt  }
0x70: {  	_ =	shalt  }
0x71: {  	_ =	shalt  }
0x72: {  	_ =	shalt  }
0x73: {  	_ =	shalt  }
0x74: {  	_ =	shalt  }
0x75: {  	_ =	shalt  }
0x76: {  	_ =	shalt  }
0x77: {  	_ =	shalt  }
0x78: {  	_ =	shalt  }
0x79: {  	_ =	shalt  }
0x7a: {  	_ =	shalt  }
0x7b: {  	_ =	shalt  }
0x7c: {  	_ =	shalt  }
0x7d: {  	_ =	shalt  }
0x7e: {  	_ =	shalt  }
0x7f: {  	_ =	shalt  }
0x80: {  	_ =	shalt  }
0x81: {  	_ =	shalt  }
0x82: {  	_ =	shalt  }
0x83: {  	_ =	shalt  }
0x84: {  	_ =	shalt  }
0x85: {  	_ =	shalt  }
0x86: {  	_ =	shalt  }
0x87: {  	_ =	shalt  }
.Lfunc_end0:
.L_simem_size_0:
called_computation_lowered:
.L_overlay_start_0:
0x88: {  	s2 =	sld [smem:$0x3FD9]  }
0x89: {  	s3 =	sld [smem:$0x3FFE];
	_ =	sdelay $0x1  }
0x8a: {  	s1 =	srdreg.scid  }
0x8b: {  	s0 =	sand.u32 $0x1, s1  }
0x8c: {  	s17 =	sshll.u32 s0, $0xA;
	s2 =	sadd.s32 s3, s2  }
0x8d: {  	s2 =	sadd.s32 s2, s17  }
0x8e: {  	[smem:$0x3FC0] =	sst s2  }
0x8f: {  	_ = 	snop  }
0x90: {  	s2 =	sld [smem:$0x3FD0];
	(tm) =	ssettm $0x1  }
0x91: {  	s18 =	sld [smem:$0x3FFB];
	_ =	sdelay $0x3  }
0x92: {  	_ =	strace s18  }
0x93: {  	s3 =	sld [smem:$0x3FFC];
	_ =	sdelay $0x3  }
0x94: {  	_ =	strace s3  }
0x95: {  	s3 =	sld [smem:$0x3FFD];
	_ =	sdelay $0x3  }
0x96: {  	_ =	strace s3  }
0x97: {  	_ =	strace $0x8FFFFFFF  }
0x98: {  	s19 =	sld [smem:$0x3FDB];
	_ =	sdelay $0x1  }
0x99: {  	s4 =	simm.s32 $_scs_section_size  }
0x9a: {  	s5 =	simm.s32 $_size__tile_overlayer_lowered;
	s6 =	simm.s32 $_tile_overlayer_lowered  }
0x9b: {  	s22 =	simm.s32 $0x1BFF;
	s21 =	sshll.u32 s6, $0x1;
	s3 =	sadd.s32 s4, s19  }
0x9c: {  	s7 =	simm.s32 $0x0;
	s20 =	sshll.u32 s5, $0x1;
	s5 =	sadd.s32 s21, s3  }
0x9d: {  	[timem:s7], [sflag:s22] =	dma.local [hbm:s5], s20  }
0x9e: {  	_ =	swait.ge [sflag:s22], s20  }
0x9f: {  	s4 =	ssub.s32 $0x0, s20;
	[sflag:s22] =	ssyncset.done $0x0  }
0xa0: {  	[sflag:s22] =	ssyncadd.s32 s4;
	_ =	sdelay $0x1  }
0xa1: {  	s23 =	simm.s32 $0x1B8B  }
0xa2: {  	_ =	swait.ge [sflag:s23], $0x1  }
0xa3: {  	[sflag:s23] =	ssyncset.done $0x0  }
0xa4: {  	s25 =	simm.s32 $0x1B8E;
	s24 =	sld [smem:$0x3FFE];
	[sflag:s23] =	ssyncadd.s32 $0xFFFFFFFF  }
0xa5: {  	s26 =	simm.s32 $execute0_lowered;
	[smem:$0x3FD2] =	sst s25  }
0xa6: {  	s5 =	sshll.u32 s26, $0x1;
	_ =	strace $0x80000046;
	[dreg:$0x1] =	wrdreg $0xFFFFFFFF  }
0xa7: {  	s28 =	simm.s32 $_size_execute0_lowered;
	s3 =	sadd.s32 s3, s5;
	[dreg:$0x0] =	wrdreg $0x0  }
0xa8: {  	s5 =	sshll.u32 s28, $0x1;
	[dreg:$0x2] =	wrdreg s3  }
0xa9: {  	[dreg:$0x3] =	wrdreg s5  }
0xaa: {  	[dreg:$0x4] =	wrdreg $0xC0  }
0xab: {  	_ =	task [dreg:s7], $0x5FFFF  }
0xac: {  	[dreg:$0x1] =	wrdreg $0xFFFFFFFF  }
0xad: {  	[dreg:$0x0] =	wrdreg $0x60  }
0xae: {  	[dreg:$0x2] =	wrdreg s24  }
0xaf: {  	[dreg:$0x3] =	wrdreg s2  }
0xb0: {  	[dreg:$0x4] =	wrdreg $0x98000  }
0xb1: {  	[dreg:$0x5] =	wrdreg $0xBF800  }
0xb2: {  	[dreg:$0x6] =	wrdreg $0x9  }
0xb3: {  	_ =	task.clear_ibuf [dreg:s7], $0x7FFFF;
	_ =	strace $0x90000046  }
0xb4: {  	s29 =	simm.s32 $0x9;
	_ =	strace $0x80000048  }
0xb5: {  	_ =	swait.ge [sflag:s29], $0x1  }
0xb6: {  	[sflag:s29] =	ssyncadd.s32 $0xFFFFFFFF  }
0xb7: {  	_ =	strace $0x90000048  }
0xb8: {  	_ =	sfence  }
0xb9: {  	s30 =	sld [smem:$0x0];
	_ =	sdelay $0x2  }
0xba: {  	s31 =	sshll.u32 s1, $0xD;
	s1 =	sshrl.u32 s1, $0x2  }
0xbb: {  	s3 =	sand.u32 $0x4000, s31;
	s1 =	sadd.s32 s1, s30  }
0xbc: {  	s0 =	sor.u32 s3, s0;
	s1 =	sshll.u32 s1, $0x11  }
0xbd: {  	s0 =	sor.u32 s1, s0  }
0xbe: {  	s0 =	sadd.s32 $0x8F2B, s0  }
0xbf: {  	[sflag:s0] =	ssyncadd.remote.s32 $0x1  }
0xc0: {  	_ =	sfence.sel $0xFFFF  }
0xc1: {  	[dreg:$0x0] =	wrdreg $0xFFFFFFFF;
	(pc) =	sbr.abs _section_cstart, $3  }
0xc2: {  	[dreg:$0x1] =	wrdreg $0xFFFFFFFF  }
0xc3: {  	_ =	task.clear_ibuf [dreg:s7], $0x2FFFF;
	_ =	strace $0x9FFFFFFF  }
0xc4: {  	(tm) =	ssettm $0x7FFFFFFF  }
0xc5: {  	_ =	shalt  }
tec
execute0_lowered:
.L_overlay_start_1:
0x0: {  	(tag) =	ssettag $0x1  }
0x1: {  	s0 =	rddreg [dreg:$0x0]  }
0x2: {  	s1 =	rddreg [dreg:$0x1]  }
0x3: {  	s2 =	rddreg [dreg:$0x2]  }
0x4: {  	s4 =	srdreg.scid;
	s18 =	stileid.u32  }
0x5: {  	s3 =	rddreg [dreg:$0x3];
	s28 =	simm.s32 $0xB;
	s29 =	simm.s32 $0xC  }
0x6: {  	s30 =	simm.s32 $0xD;
	s31 =	simm.s32 $0xE;
	s9 =	sand.u32 $0x1, s4  }
0x7: {  	s5 =	sshll.u32 s18, $0x1;
	s4 =	simm.s32 $0x0;
	s24 =	sadd.s32 $0x42A00, s0  }
0x8: {  	s12 =	sadd.s32 $0x47C00, s0;
	s11 =	smul.u32 $0x2780, s18;
	s13 =	sadd.s32 $0x42C00, s0  }
0x9: {  	s14 =	sadd.s32 $0x4CC00, s0;
	s25 =	sshll.u32 s18, $0x6;
	s18 =	simm.s32 $0x80  }
0xa: {  	s5 =	sor.u32 s9, s5;
	[smem:$0x7FF] =	sst s4;
	s7 =	ssub.s32 $0x2, s9  }
0xb: {  	p0 =	seq.s32 s9, $0x1;
	s6 =	smul.u32 $0x500, s5;
	_ =	strace $0x80000047  }
0xc: {  	s5 =	sadd.s32 $0x29A00, s0;
	[dreg:$0x5] =	wrdreg s24;
	s8 =	sshrl.u32 s7, $0x1  }
0xd: {  	s16 =	sshrl.u32 s11, $0x3;
	s17 =	sadd.s32 s11, s2;
	s26 =	sadd.s32 s11, s3  }
0xe: {  	s12 =	smov.u32 @p0 s13;
	s15 =	ssub.s32 s7, s8;
	s7 =	sadd.s32 s1, s16  }
0xf: {  	s8 =	sor.u32 $0x1C11, s25;
	s12 =	sadd.s32 s12, s16;
	s25 =	simm.s32 $0x9  }
.Ltmp0:
0x10: {  	s1 =	simm.s32 $0xF;
	s10 =	sadd.s32 s6, s0;
	(pc) =	sbr.rel .LBB2_1-.Ltmp0, $4  }
0x11: {  	s0 =	sadd.s32 $0x51C00, s0;
	s11 =	smax.u32 s15, $0x1;
	s15 =	simm.s32 $0x11  }
0x12: {  	s9 =	sadd.s32 $0x38A00, s10;
	s10 =	sadd.s32 $0x2EA00, s10;
	s14 =	smov.u32 @p0 s0  }
0x13: {  	s0 =	simm.s32 $0x10;
	s13 =	sadd.s32 s14, s16;
	s14 =	sshrl.u32 s17, $0x3  }
0x14: {  	s16 =	sshrl.u32 s26, $0x3;
	s26 =	simm.s32 $0xA;
	s17 =	simm.s32 $0x0  }
.LBB2_6:
0x15: {  	_ =	swait.ge [sflag:s25], $0x800  }
0x16: {  	[sflag:s25] =	ssyncset.done $0x0  }
0x17: {  	[sflag:s25] =	ssyncadd.s32 $0xFFFFF800  }
0x18: {  	_ =	swait.ge [sflag:s26], $0x800  }
0x19: {  	[sflag:s26] =	ssyncset.done $0x0  }
0x1a: {  	[sflag:s26] =	ssyncadd.s32 $0xFFFFF800  }
0x1b: {  	_ =	swait.ge [sflag:s28], $0x800  }
0x1c: {  	[sflag:s28] =	ssyncset.done $0x0  }
0x1d: {  	[sflag:s28] =	ssyncadd.s32 $0xFFFFF800  }
0x1e: {  	_ =	swait.ge [sflag:s29], $0x800  }
0x1f: {  	[sflag:s29] =	ssyncset.done $0x0  }
0x20: {  	[sflag:s29] =	ssyncadd.s32 $0xFFFFF800  }
0x21: {  	_ =	swait.ge [sflag:s30], $0x800  }
0x22: {  	[sflag:s30] =	ssyncset.done $0x0  }
0x23: {  	[sflag:s30] =	ssyncadd.s32 $0xFFFFF800  }
0x24: {  	_ =	swait.ge [sflag:s31], $0x800  }
0x25: {  	[sflag:s31] =	ssyncset.done $0x0  }
0x26: {  	[sflag:s31] =	ssyncadd.s32 $0xFFFFF800  }
0x27: {  	_ =	swait.ge [sflag:s1], $0x800  }
0x28: {  	[sflag:s1] =	ssyncset.done $0x0  }
0x29: {  	[sflag:s1] =	ssyncadd.s32 $0xFFFFF800  }
0x2a: {  	_ =	swait.ge [sflag:s0], $0x800  }
0x2b: {  	[sflag:s0] =	ssyncset.done $0x0  }
0x2c: {  	[sflag:s0] =	ssyncadd.s32 $0xFFFFF800  }
0x2d: {  	[bflag:$0x0] =	sbarrier.arrive $0xFFFF  }
0x2e: {  	[hbm:s12], [sflag:s8] =	dma.local [spmem:s14], $0x4F0  }
0x2f: {  	s17 =	sadd.s32 $0x1, s17;
	_ =	swait.ge [sflag:s15], $0x4F0  }
0x30: {  	p0 =	sne.s32 s17, s11;
	[sflag:s15] =	ssyncset.done $0x0  }
.Ltmp1:
0x31: {  	[sflag:s15] =	ssyncadd.s32 $0xFFFFFB10;
	(pc) =	sbr.rel @!p0 .LBB2_7-.Ltmp1, $4  }
0x32: {  	[hbm:s13], [sflag:s8] =	dma.local [spmem:s16], $0x4F0  }
0x33: {  	_ =	swait.ge [sflag:s15], $0x4F0  }
0x34: {  	[sflag:s15] =	ssyncset.done $0x0  }
0x35: {  	[sflag:s15] =	ssyncadd.s32 $0xFFFFFB10  }
.LBB2_1:
0x36: {  	[spmem:s14], [sflag:s8] =	dma.local [hbm:s7], $0x4F0  }
0x37: {  	_ =	swait.ge [sflag:s15], $0x4F0  }
0x38: {  	[sflag:s15] =	ssyncset.done $0x0  }
0x39: {  	[sflag:s15] =	ssyncadd.s32 $0xFFFFFB10  }
0x3a: {  	[spmem:s16], [sflag:s8] =	dma.local [hbm:s7], $0x4F0  }
0x3b: {  	_ =	swait.ge [sflag:s15], $0x4F0  }
0x3c: {  	[sflag:s15] =	ssyncset.done $0x0  }
0x3d: {  	s19 =	simm.s32 $0x9000;
	s6 =	rddreg [dreg:$0x5];
	[sflag:s15] =	ssyncadd.s32 $0xFFFFFB10  }
0x3e: {  	[tilespmem:s19], [sflag:$0x11] =	stream.linear.gather [hbm4b:s6+s4], $0x800, $0x38;
	[tilespmem:$0xE700] =	vst v63  }
0x3f: {  	_ =	swait.ge [sflag:s15], $0x800  }
0x40: {  	[sflag:s15] =	ssyncset.done $0x0  }
0x41: {  	[sflag:s15] =	ssyncadd.s32 $0xFFFFF800  }
0x42: {  	[tilespmem:s4], [sflag:$0x11] =	stream.linear.gather [hbm4b:s9+s4], $0x2800, $0x38;
	[tilespmem:$0xE700] =	vst v63  }
0x43: {  	_ =	swait.ge [sflag:s15], $0x2800  }
0x44: {  	[sflag:s15] =	ssyncset.done $0x0  }
0x45: {  	s19 =	simm.s32 $0x2800;
	[sflag:s15] =	ssyncadd.s32 $0xFFFFD800  }
0x46: {  	[tilespmem:s19], [sflag:$0x11] =	stream.linear.gather [hbm4b:s10+s4], $0x2800, $0x38;
	[tilespmem:$0xE700] =	vst v63  }
0x47: {  	_ =	swait.ge [sflag:s15], $0x2800  }
0x48: {  	[sflag:s15] =	ssyncset.done $0x0  }
0x49: {  	[sflag:s15] =	ssyncadd.s32 $0xFFFFD800  }
0x4a: {  	s20 =	simm.s32 $0x5000;
	[bflag:$0x0] =	sbarrier.arrive $0xFFFF  }
0x4b: {  	[tilespmem:s20], [sflag:$0x1] =	stream.indirect.gather [hbm4b:s5+s18], $0x10, s4, s18, $0xb8;
	[tilespmem:$0xE700] =	vst v63  }
0x4c: {  	s21 =	simm.s32 $0x5800  }
0x4d: {  	[tilespmem:s21], [sflag:$0x2] =	stream.indirect.gather [hbm4b:s5+s18], $0x10, s18, s18, $0xb8;
	[tilespmem:$0xE700] =	vst v63  }
.Ltmp2:
0x4e: {  	_ = 	snop;
	(pc) =	sbr.rel .LBB2_2-.Ltmp2, $4  }
0x4f: {  	s22 =	simm.s32 $0x100;
	s23 =	simm.s32 $0x180;
	s20 =	simm.s32 $0x6000  }
0x50: {  	[tilespmem:s20], [sflag:$0x3] =	stream.indirect.gather [hbm4b:s5+s18], $0x10, s22, s18, $0xb8;
	[tilespmem:$0xE700] =	vst v63  }
0x51: {  	s24 =	simm.s32 $0x6800;
	s21 =	simm.s32 $0x0;
	s20 =	simm.s32 $0x200  }
0x52: {  	[tilespmem:s24], [sflag:$0x4] =	stream.indirect.gather [hbm4b:s5+s18], $0x10, s23, s18, $0xb8;
	[tilespmem:$0xE700] =	vst v63  }
.LBB2_4:
0x53: {  	p0 =	sgt.s32 s22, $0x5  }
0x54: {  	p2 =	seq.s32 @p0 s22, $0x6  }
0x55: {  	p1 =	por !p2, !p0  }
0x56: {  	p3 =	sgt.u32 @!p1 s21, $0x4B  }
0x57: {  	p4 =	por @p0 p3, !p2  }
0x58: {  	p4 =	por p4, !p0  }
0x59: {  	p5 =	slt.u32 @!p4 s21, $0x4  }
0x5a: {  	p3 =	por @!p1 p5, p3  }
0x5b: {  	p3 =	por @p0 p3, !p2  }
0x5c: {  	p3 =	por p3, !p0  }
0x5d: {  	s6 =	simm.s32 @!p3 $0xB  }
0x5e: {  	_ =	swait.ge @!p3 [sflag:s6], $0x800  }
0x5f: {  	s23 =	simm.s32 @!p4 $0x6000;
	[sflag:s6] =	ssyncset.done @!p3 $0x0  }
0x60: {  	[sflag:s6] =	ssyncadd.s32 @!p3 $0xFFFFF800;
	s6 =	simm.s32 @!p4 $0x80;
	p3 =	por p2, !p0  }
0x61: {  	[tilespmem:s23], [sflag:$0x3] =	stream.indirect.gather @!p4 [hbm4b:s5+s6], $0x10, s20, s6, $0xb8;
	[tilespmem:$0xE700] =	vst v63  }
0x62: {  	s6 =	simm.s32 @!p1 $0x0;
	p4 =	sgt.u32 @!p3 s21, $0x4B  }
0x63: {  	s6 =	simm.s32 @p1 $0x1;
	p5 =	por @p0 p4, p2  }
0x64: {  	[smem:$0x7FB] =	sst s6;
	s6 =	simm.s32 @!p1 $0x7;
	p5 =	por p5, !p0  }
0x65: {  	_ =	swait.ge @!p1 [sflag:s6], $0x800;
	p6 =	slt.u32 @!p5 s21, $0x4  }
0x66: {  	s23 =	simm.s32 @!p1 $0x8000;
	[sflag:s6] =	ssyncset.done @!p1 $0x0;
	p4 =	por @!p3 p6, p4  }
0x67: {  	[sflag:s6] =	ssyncadd.s32 @!p1 $0xFFFFF800;
	s6 =	simm.s32 @!p1 $0x80;
	p2 =	por @p0 p4, p2  }
0x68: {  	[spmem:s2] =	stream.indirect.scatter.add.f32 @!p1 [tilespmem:s23], [sflag:$0xF], $0x10, s19, s6, $0xb8;
	[tilespmem:$0xE700] =	vst v63  }
0x69: {  	s23 =	simm.s32 @!p1 $0x9000;
	p2 =	por p2, !p0  }
0x6a: {  	[spmem:s3] =	stream.indirect.scatter.add.f32 @!p1 [tilespmem:s23], [sflag:$0x12], $0x10, s19, s6, $0xb8;
	[tilespmem:$0xE700] =	vst v63  }
0x6b: {  	s6 =	simm.s32 @!p2 $0xC  }
0x6c: {  	_ =	swait.ge @!p2 [sflag:s6], $0x800  }
0x6d: {  	[sflag:s6] =	ssyncset.done @!p2 $0x0  }
0x6e: {  	s23 =	simm.s32 @!p5 $0x6800;
	[sflag:s6] =	ssyncadd.s32 @!p2 $0xFFFFF800;
	s6 =	simm.s32 @!p5 $0x80  }
0x6f: {  	[tilespmem:s23], [sflag:$0x4] =	stream.indirect.gather @!p5 [hbm4b:s5+s6], $0x10, s20, s6, $0xb8;
	[tilespmem:$0xE700] =	vst v63  }
0x70: {  	s6 =	simm.s32 @!p3 $0x8  }
0x71: {  	_ =	swait.ge @!p3 [sflag:s6], $0x800  }
0x72: {  	[sflag:s6] =	ssyncset.done @!p3 $0x0  }
0x73: {  	s23 =	simm.s32 @!p3 $0x8800;
	[sflag:s6] =	ssyncadd.s32 @!p3 $0xFFFFF800;
	s6 =	simm.s32 @!p3 $0x80  }
0x74: {  	[spmem:s2] =	stream.indirect.scatter.add.f32 @!p3 [tilespmem:s23], [sflag:$0x10], $0x10, s19, s6, $0xb8;
	[tilespmem:$0xE700] =	vst v63  }
0x75: {  	s23 =	simm.s32 @!p3 $0x9000  }
0x76: {  	[spmem:s3] =	stream.indirect.scatter.add.f32 @!p3 [tilespmem:s23], [sflag:$0x11], $0x10, s19, s6, $0xb8;
	[tilespmem:$0xE700] =	vst v63  }
0x77: {  	p3 =	seq.s32 @!p0 s22, $0x4  }
0x78: {  	p2 =	por !p3, p0  }
0x79: {  	p4 =	sgt.u32 @!p2 s21, $0x4B  }
0x7a: {  	p5 =	por @!p0 p4, !p3  }
0x7b: {  	p5 =	por p5, p0  }
0x7c: {  	p6 =	slt.u32 @!p5 s21, $0x4  }
0x7d: {  	p4 =	por @!p2 p6, p4  }
0x7e: {  	p4 =	por @!p0 p4, !p3  }
0x7f: {  	p4 =	por p4, p0  }
0x80: {  	s6 =	simm.s32 @!p4 $0x9  }
0x81: {  	_ =	swait.ge @!p4 [sflag:s6], $0x800  }
0x82: {  	[sflag:s6] =	ssyncset.done @!p4 $0x0  }
0x83: {  	s22 =	simm.s32 @!p5 $0x5000;
	[sflag:s6] =	ssyncadd.s32 @!p4 $0xFFFFF800;
	s6 =	simm.s32 @!p5 $0x80  }
0x84: {  	[tilespmem:s22], [sflag:$0x1] =	stream.indirect.gather @!p5 [hbm4b:s5+s6], $0x10, s20, s6, $0xb8;
	[tilespmem:$0xE700] =	vst v63  }
0x85: {  	s6 =	simm.s32 @!p2 $0x5  }
0x86: {  	_ =	swait.ge @!p2 [sflag:s6], $0x800  }
0x87: {  	p4 =	por p3, p0;
	s22 =	simm.s32 @!p2 $0x7000;
	[sflag:s6] =	ssyncset.done @!p2 $0x0  }
0x88: {  	p5 =	sgt.u32 @!p4 s21, $0x4B;
	[sflag:s6] =	ssyncadd.s32 @!p2 $0xFFFFF800;
	s6 =	simm.s32 @!p2 $0x80  }
0x89: {  	[spmem:s2] =	stream.indirect.scatter.add.f32 @!p2 [tilespmem:s22], [sflag:$0xD], $0x10, s19, s6, $0xb8;
	[tilespmem:$0xE700] =	vst v63  }
0x8a: {  	s22 =	simm.s32 @!p5 $0x0  }
0x8b: {  	s22 =	simm.s32 @p5 $0x1  }
0x8c: {  	[smem:$0x7FA] =	sst s22  }
0x8d: {  	s22 =	sld [smem:$0x7FA]  }
0x8e: {  	p6 =	por @!p0 p5, p3  }
0x8f: {  	p6 =	por p6, p0  }
0x90: {  	p5 =	slt.u32 @!p6 s21, $0x4;
	p1 =	seq.s32 s22, $0x1  }
0x91: {  	s22 =	simm.s32 @!p2 $0x9000;
	p5 =	por @!p4 p5, p1  }
0x92: {  	[spmem:s3] =	stream.indirect.scatter.add.f32 @!p2 [tilespmem:s22], [sflag:$0x12], $0x10, s19, s6, $0xb8;
	[tilespmem:$0xE700] =	vst v63  }
0x93: {  	p3 =	por @!p0 p5, p3  }
0x94: {  	p3 =	por p3, p0  }
0x95: {  	s6 =	simm.s32 @!p3 $0xA  }
0x96: {  	_ =	swait.ge @!p3 [sflag:s6], $0x800  }
0x97: {  	[sflag:s6] =	ssyncset.done @!p3 $0x0  }
0x98: {  	s22 =	simm.s32 @!p6 $0x5800;
	[sflag:s6] =	ssyncadd.s32 @!p3 $0xFFFFF800;
	s6 =	simm.s32 @!p6 $0x80  }
0x99: {  	[tilespmem:s22], [sflag:$0x2] =	stream.indirect.gather @!p6 [hbm4b:s5+s6], $0x10, s20, s6, $0xb8;
	[tilespmem:$0xE700] =	vst v63  }
0x9a: {  	s6 =	simm.s32 @!p4 $0x6  }
0x9b: {  	_ =	swait.ge @!p4 [sflag:s6], $0x800  }
0x9c: {  	[sflag:s6] =	ssyncset.done @!p4 $0x0;
	s24 =	sld [smem:$0x7FB]  }
0x9d: {  	s22 =	simm.s32 @!p4 $0x7800;
	[sflag:s6] =	ssyncadd.s32 @!p4 $0xFFFFF800;
	s6 =	simm.s32 @!p4 $0x80  }
0x9e: {  	[spmem:s2] =	stream.indirect.scatter.add.f32 @!p4 [tilespmem:s22], [sflag:$0xE], $0x10, s19, s6, $0xb8;
	[tilespmem:$0xE700] =	vst v63  }
0x9f: {  	p1 =	seq.s32 s24, $0x1  }
0xa0: {  	s22 =	simm.s32 @!p2 $0x12;
	s24 =	simm.s32 @!p4 $0x9000;
	s23 =	simm.s32 @!p1 $0x12  }
0xa1: {  	[spmem:s3] =	stream.indirect.scatter.add.f32 @!p4 [tilespmem:s24], [sflag:$0x12], $0x10, s19, s6, $0xb8;
	[tilespmem:$0xE700] =	vst v63  }
0xa2: {  	s22 =	simm.s32 @p2 $0x12;
	s23 =	simm.s32 @p1 $0x11  }
0xa3: {  	s22 =	smov.u32 @p0 s23  }
.LBB2_5:
0xa4: {  	s21 =	sadd.s32 $0x1, s21  }
0xa5: {  	p0 =	sne.s32 s21, $0x50  }
.Ltmp3:
0xa6: {  	_ = 	snop;
	(pc) =	sbr.rel @!p0 .LBB2_6-.Ltmp3, $4  }
0xa7: {  	_ = 	snop  }
0xa8: {  	_ =	swait.ge [sflag:s22], $0x800  }
0xa9: {  	[sflag:s22] =	ssyncset.done $0x0  }
0xaa: {  	s19 =	sadd.s32 $0x80, s19;
	s20 =	sadd.s32 $0x80, s20;
	[sflag:s22] =	ssyncadd.s32 $0xFFFFF800  }
.LBB2_2:
0xab: {  	s22 =	sand.u32 $0x7, s21  }
0xac: {  	p0 =	sgt.s32 s22, $0x3  }
.Ltmp4:
0xad: {  	_ = 	snop;
	(pc) =	sbr.rel @p0 .LBB2_4-.Ltmp4, $1  }
0xae: {  	_ =	sdelay $0x3  }
0xaf: {  	p0 =	sgt.s32 s22, $0x1  }
0xb0: {  	p2 =	seq.s32 @p0 s22, $0x2  }
0xb1: {  	p1 =	por !p2, !p0  }
0xb2: {  	p3 =	sgt.u32 @!p1 s21, $0x4B  }
0xb3: {  	p4 =	por @p0 p3, !p2  }
0xb4: {  	p4 =	por p4, !p0  }
0xb5: {  	p5 =	slt.u32 @!p4 s21, $0x4  }
0xb6: {  	p3 =	por @!p1 p5, p3  }
0xb7: {  	p3 =	por @p0 p3, !p2  }
0xb8: {  	p3 =	por p3, !p0  }
0xb9: {  	s23 =	simm.s32 @!p3 $0xF  }
0xba: {  	s6 =	simm.s32 @!p1 $0x0;
	_ =	swait.ge @!p3 [sflag:s23], $0x800  }
0xbb: {  	s6 =	simm.s32 @p1 $0x1;
	s24 =	simm.s32 @!p4 $0x8000;
	[sflag:s23] =	ssyncset.done @!p3 $0x0  }
0xbc: {  	[sflag:s23] =	ssyncadd.s32 @!p3 $0xFFFFF800;
	s23 =	simm.s32 @!p4 $0x80;
	p3 =	por p2, !p0  }
0xbd: {  	[tilespmem:s24], [sflag:$0x7] =	stream.indirect.gather @!p4 [hbm4b:s5+s23], $0x10, s20, s23, $0xb8;
	[tilespmem:$0xE700] =	vst v63  }
0xbe: {  	[smem:$0x7FD] =	sst s6;
	s23 =	simm.s32 @!p1 $0x3;
	p4 =	sgt.u32 @!p3 s21, $0x4B  }
0xbf: {  	_ =	swait.ge @!p1 [sflag:s23], $0x800;
	p5 =	por @p0 p4, p2  }
0xc0: {  	s24 =	simm.s32 @!p1 $0x6000;
	[sflag:s23] =	ssyncset.done @!p1 $0x0;
	p5 =	por p5, !p0  }
0xc1: {  	[sflag:s23] =	ssyncadd.s32 @!p1 $0xFFFFF800;
	s23 =	simm.s32 @!p1 $0x80;
	p6 =	slt.u32 @!p5 s21, $0x4  }
0xc2: {  	[spmem:s2] =	stream.indirect.scatter.add.f32 @!p1 [tilespmem:s24], [sflag:$0xB], $0x10, s19, s23, $0xb8;
	[tilespmem:$0xE700] =	vst v63  }
0xc3: {  	p4 =	por @!p3 p6, p4  }
0xc4: {  	s24 =	simm.s32 @!p1 $0x9000;
	p2 =	por @p0 p4, p2  }
0xc5: {  	[spmem:s3] =	stream.indirect.scatter.add.f32 @!p1 [tilespmem:s24], [sflag:$0x12], $0x10, s19, s23, $0xb8;
	[tilespmem:$0xE700] =	vst v63  }
0xc6: {  	p2 =	por p2, !p0  }
0xc7: {  	s23 =	simm.s32 @!p2 $0x10  }
0xc8: {  	_ =	swait.ge @!p2 [sflag:s23], $0x800  }
0xc9: {  	[sflag:s23] =	ssyncset.done @!p2 $0x0  }
0xca: {  	s24 =	simm.s32 @!p5 $0x8800;
	[sflag:s23] =	ssyncadd.s32 @!p2 $0xFFFFF800;
	s23 =	simm.s32 @!p5 $0x80  }
0xcb: {  	[tilespmem:s24], [sflag:$0x8] =	stream.indirect.gather @!p5 [hbm4b:s5+s23], $0x10, s20, s23, $0xb8;
	[tilespmem:$0xE700] =	vst v63  }
0xcc: {  	s23 =	simm.s32 @!p3 $0x4  }
0xcd: {  	_ =	swait.ge @!p3 [sflag:s23], $0x800  }
0xce: {  	[sflag:s23] =	ssyncset.done @!p3 $0x0  }
0xcf: {  	s24 =	simm.s32 @!p3 $0x6800;
	[sflag:s23] =	ssyncadd.s32 @!p3 $0xFFFFF800;
	s23 =	simm.s32 @!p3 $0x80  }
0xd0: {  	[spmem:s2] =	stream.indirect.scatter.add.f32 @!p3 [tilespmem:s24], [sflag:$0xC], $0x10, s19, s23, $0xb8;
	[tilespmem:$0xE700] =	vst v63  }
0xd1: {  	s24 =	simm.s32 @!p3 $0x9000  }
0xd2: {  	[spmem:s3] =	stream.indirect.scatter.add.f32 @!p3 [tilespmem:s24], [sflag:$0x12], $0x10, s19, s23, $0xb8;
	[tilespmem:$0xE700] =	vst v63  }
0xd3: {  	p3 =	seq.s32 @!p0 s22, $0x0  }
0xd4: {  	p2 =	por !p3, p0  }
0xd5: {  	p4 =	sgt.u32 @!p2 s21, $0x4B  }
0xd6: {  	p5 =	por @!p0 p4, !p3  }
0xd7: {  	p5 =	por p5, p0  }
0xd8: {  	p6 =	slt.u32 @!p5 s21, $0x4  }
0xd9: {  	p4 =	por @!p2 p6, p4  }
0xda: {  	p4 =	por @!p0 p4, !p3  }
0xdb: {  	p4 =	por p4, p0  }
0xdc: {  	s22 =	simm.s32 @!p4 $0xD  }
0xdd: {  	_ =	swait.ge @!p4 [sflag:s22], $0x800  }
0xde: {  	s23 =	simm.s32 @!p5 $0x7000;
	[sflag:s22] =	ssyncset.done @!p4 $0x0  }
0xdf: {  	[sflag:s22] =	ssyncadd.s32 @!p4 $0xFFFFF800;
	s22 =	simm.s32 @!p5 $0x80;
	p4 =	por p3, p0  }
0xe0: {  	[tilespmem:s23], [sflag:$0x5] =	stream.indirect.gather @!p5 [hbm4b:s5+s22], $0x10, s20, s22, $0xb8;
	[tilespmem:$0xE700] =	vst v63  }
0xe1: {  	s22 =	simm.s32 @!p2 $0x1;
	p5 =	sgt.u32 @!p4 s21, $0x4B  }
0xe2: {  	_ =	swait.ge @!p2 [sflag:s22], $0x800;
	s6 =	simm.s32 @!p5 $0x0  }
0xe3: {  	s23 =	simm.s32 @!p2 $0x5000;
	[sflag:s22] =	ssyncset.done @!p2 $0x0;
	s6 =	simm.s32 @p5 $0x1  }
0xe4: {  	[sflag:s22] =	ssyncadd.s32 @!p2 $0xFFFFF800;
	s22 =	simm.s32 @!p2 $0x80;
	[smem:$0x7FC] =	sst s6  }
0xe5: {  	[spmem:s2] =	stream.indirect.scatter.add.f32 @!p2 [tilespmem:s23], [sflag:$0x9], $0x10, s19, s22, $0xb8;
	[tilespmem:$0xE700] =	vst v63  }
0xe6: {  	p6 =	por @!p0 p5, p3;
	s6 =	sld [smem:$0x7FC]  }
0xe7: {  	p6 =	por p6, p0;
	s23 =	simm.s32 @!p2 $0x9000  }
0xe8: {  	[spmem:s3] =	stream.indirect.scatter.add.f32 @!p2 [tilespmem:s23], [sflag:$0x12], $0x10, s19, s22, $0xb8;
	[tilespmem:$0xE700] =	vst v63  }
0xe9: {  	p5 =	slt.u32 @!p6 s21, $0x4;
	p1 =	seq.s32 s6, $0x1  }
0xea: {  	p5 =	por @!p4 p5, p1  }
0xeb: {  	p3 =	por @!p0 p5, p3  }
0xec: {  	p3 =	por p3, p0  }
0xed: {  	s22 =	simm.s32 @!p3 $0xE  }
0xee: {  	_ =	swait.ge @!p3 [sflag:s22], $0x800  }
0xef: {  	[sflag:s22] =	ssyncset.done @!p3 $0x0  }
0xf0: {  	s23 =	simm.s32 @!p6 $0x7800;
	[sflag:s22] =	ssyncadd.s32 @!p3 $0xFFFFF800;
	s22 =	simm.s32 @!p6 $0x80  }
0xf1: {  	[tilespmem:s23], [sflag:$0x6] =	stream.indirect.gather @!p6 [hbm4b:s5+s22], $0x10, s20, s22, $0xb8;
	[tilespmem:$0xE700] =	vst v63  }
0xf2: {  	s22 =	simm.s32 @!p4 $0x2  }
0xf3: {  	_ =	swait.ge @!p4 [sflag:s22], $0x800  }
0xf4: {  	[sflag:s22] =	ssyncset.done @!p4 $0x0;
	s24 =	sld [smem:$0x7FD]  }
0xf5: {  	s23 =	simm.s32 @!p4 $0x80;
	[sflag:s22] =	ssyncadd.s32 @!p4 $0xFFFFF800;
	s22 =	simm.s32 @!p4 $0x5800  }
0xf6: {  	[spmem:s2] =	stream.indirect.scatter.add.f32 @!p4 [tilespmem:s22], [sflag:$0xA], $0x10, s19, s23, $0xb8;
	[tilespmem:$0xE700] =	vst v63  }
.Ltmp5:
0xf7: {  	p1 =	seq.s32 s24, $0x1;
	(pc) =	sbr.rel .LBB2_5-.Ltmp5, $4  }
0xf8: {  	s6 =	simm.s32 @!p4 $0x9000;
	s22 =	simm.s32 @!p2 $0x12;
	s24 =	simm.s32 @!p1 $0x12  }
0xf9: {  	[spmem:s3] =	stream.indirect.scatter.add.f32 @!p4 [tilespmem:s6], [sflag:$0x12], $0x10, s19, s23, $0xb8;
	[tilespmem:$0xE700] =	vst v63  }
0xfa: {  	s22 =	simm.s32 @p2 $0x12;
	s24 =	simm.s32 @p1 $0x12  }
0xfb: {  	s22 =	smov.u32 @p0 s24  }
.LBB2_7:
0xfc: {  	_ =	sfence.sel $0x180000  }
0xfd: {  	[bflag:$0x0] =	sbarrier.arrive $0xFFFF  }
0xfe: {  	_ =	strace $0x90000047  }
0xff: {  	s0 =	stileid.u32;
	[bflag:$0x2] =	sbarrier.arrive $0xFFFF  }
0x100: {  	p0 =	sne.s32 s0, $0x0;
	s0 =	rddreg [dreg:$0x4]  }
0x101: {  	s0 =	sadd.s32 @!p0 $0x100000, s0  }
0x102: {  	[sflag:s0] =	ssyncadd.tile.s32 @!p0 $0x1;
	_ =	shalt  }
.Lfunc_end2:
_tile_overlayer_lowered:
.L_overlay_start_2:
0x103: {  	(tag) =	ssettag $0x2  }
0x104: {  	s0 =	rddreg [dreg:$0x0];
	s2 =	stileid.u32  }
0x105: {  	s1 =	rddreg [dreg:$0x1];
	p0 =	sne.s32 s2, $0x0  }
0x106: {  	s3 =	rddreg [dreg:$0x2];
	[bflag:$0x3] =	sbarrier.arrive $0xFFFF;
	s2 =	simm.s32 @!p0 $0x1C11  }
0x107: {  	[timem:s3], [sflag:s2] =	dma.local @!p0 [hbm:s0], s1  }
0x108: {  	s0 =	simm.s32 @!p0 $0x11  }
0x109: {  	_ =	swait.ge @!p0 [sflag:s0], s1  }
0x10a: {  	s1 =	ssub.s32 @!p0 $0x0, s1;
	[sflag:s0] =	ssyncset.done @!p0 $0x0  }
0x10b: {  	[sflag:s0] =	ssyncadd.s32 @!p0 s1  }
0x10c: {  	[bflag:$0x3] =	sbarrier.arrive $0xFFFF  }
0x10d: {  	_ =	shalt  }

</sc_bundles>
